<compile_context>
chip_gen: v7x
topology: tpu7x:2x2x1
jax: 0.10.2.dev20260603
libtpu: 0.0.44.dev20260713+nightly
codegen_flags: <defaults>
</compile_context>

<pallas_src>
import jax
import jax.numpy as jnp
from jax import lax
from jax.experimental import pallas as pl
from jax.experimental.pallas import tpu as pltpu
from jax.experimental.pallas import tpu_sc as plsc

B = 1024
D = 1024
N = 16384
L = 16
NW = 32
B_SC = 512
BPW = B_SC // NW
NCH = 1024
NCHUNKS = N // NCH
NSTEPS = NCHUNKS // 2


def _coef_body(l_ref, c_ref):
    l = l_ref[...]
    s = jax.nn.sigmoid(l[0:4] - l[4:8])
    s0, s1, s2, s3 = s[0:1], s[1:2], s[2:3], s[3:4]
    c_ref[...] = jnp.concatenate(
        [s0, s2 - s0, s1 - s0, (s0 + s3) - (s1 + s2)], axis=0)


def _sc_body(x_hbm, coef_hbm, idx_hbm, out_hbm,
             xrows, coefc, idxc, outc,
             xsem, insem0, insem1, outsem0, outsem1):
    nc = 2
    wid = lax.axis_index("s") * nc + lax.axis_index("c")
    bbase = wid * BPW
    insems = (insem0, insem1)
    outsems = (outsem0, outsem1)

    def in_copies(chunk, buf):
        sl = pl.ds(chunk * NCH, NCH)
        return (
            pltpu.make_async_copy(coef_hbm.at[:, sl], coefc.at[buf], insems[buf]),
            pltpu.make_async_copy(idx_hbm.at[:, sl], idxc.at[buf], insems[buf]),
        )

    def out_copy(chunk, buf):
        return pltpu.make_async_copy(
            outc.at[buf],
            out_hbm.at[pl.ds(bbase, BPW), pl.ds(chunk * NCH, NCH)],
            outsems[buf])

    def start_in(chunk, buf):
        for c in in_copies(chunk, buf):
            c.start()

    def wait_in(buf):
        for c in in_copies(0, buf):
            c.wait()

    def wait_out(buf):
        out_copy(0, buf).wait()

    def compute_chunk(buf):
        @plsc.parallel_loop(0, NCH // L, unroll=2)
        def jbody(j):
            sl = pl.ds(j * L, L)
            iv0 = idxc[buf, 0, sl]
            iv1 = idxc[buf, 1, sl]
            c0 = coefc[buf, 0, sl]
            ca = coefc[buf, 1, sl]
            cb = coefc[buf, 2, sl]
            cab = coefc[buf, 3, sl]
            G = 8
            for bg in range(0, BPW, G):
                avs, tvs = [], []
                for k in range(G):
                    row = xrows.at[pl.ds((bg + k) * D, D)]
                    avs.append(plsc.load_gather(row, [iv0]))
                    tvs.append(plsc.load_gather(row, [iv1]))
                outs = []
                for k in range(G):
                    t0 = avs[k] * ca + c0
                    t1 = avs[k] * cab + cb
                    outs.append(tvs[k] * t1 + t0)
                for k in range(G):
                    outc[buf, bg + k, sl] = outs[k]

    xcp = pltpu.make_async_copy(
        x_hbm.at[pl.ds(bbase * D, BPW * D)], xrows, xsem)
    xcp.start()
    start_in(0, 0)
    start_in(1, 1)
    xcp.wait()

    def step(s, _):
        for buf in range(2):
            chunk = 2 * s + buf
            wait_in(buf)

            @pl.when(s > 0)
            def _():
                wait_out(buf)

            compute_chunk(buf)
            out_copy(chunk, buf).start()

            @pl.when(s < NSTEPS - 1)
            def _():
                start_in(chunk + 2, buf)
        return 0

    lax.fori_loop(0, NSTEPS, step, 0)
    wait_out(0)
    wait_out(1)


NT = 1024


def _tc_body(x_ref, idx_ref, coef_ref, out_ref):
    iota_d = lax.broadcasted_iota(jnp.int32, (D, NT), 0)
    oh0 = (iota_d == idx_ref[0:1, :]).astype(jnp.bfloat16)
    oh1 = (iota_d == idx_ref[1:2, :]).astype(jnp.bfloat16)
    xb = x_ref[...]
    dn = (((1,), (0,)), ((), ()))
    a = lax.dot_general(xb, oh0, dn, preferred_element_type=jnp.float32)
    t = lax.dot_general(xb, oh1, dn, preferred_element_type=jnp.float32)
    c0 = coef_ref[0:1, :]
    ca = coef_ref[1:2, :]
    cb = coef_ref[2:3, :]
    cab = coef_ref[3:4, :]
    out_ref[...] = (a * ca + c0) + t * (a * cab + cb)


def _tc_lut(x_bf, coef, indices):
    n_rows = B - B_SC
    return pl.pallas_call(
        _tc_body,
        grid=(N // NT,),
        in_specs=[
            pl.BlockSpec((n_rows, D), lambda i: (0, 0)),
            pl.BlockSpec((2, NT), lambda i: (0, i)),
            pl.BlockSpec((4, NT), lambda i: (0, i)),
        ],
        out_specs=pl.BlockSpec((n_rows, NT), lambda i: (0, i)),
        out_shape=jax.ShapeDtypeStruct((n_rows, N), jnp.float32),
    )(x_bf, indices, coef)


@jax.jit
def _lutlayer(x, w, w_comp, indices):
    logits8 = jnp.concatenate([w.T, w_comp.T], axis=0)
    coef = pl.pallas_call(
        _coef_body,
        out_shape=jax.ShapeDtypeStruct((4, N), jnp.float32),
    )(logits8)

    sc_fn = pl.kernel(
        _sc_body,
        out_type=jax.ShapeDtypeStruct((B, N), jnp.float32),
        mesh=plsc.VectorSubcoreMesh(core_axis_name="c", subcore_axis_name="s"),
        scratch_types=[
            pltpu.VMEM((BPW * D,), jnp.float32),
            pltpu.VMEM((2, 4, NCH), jnp.float32),
            pltpu.VMEM((2, 2, NCH), jnp.int32),
            pltpu.VMEM((2, BPW, NCH), jnp.float32),
            pltpu.SemaphoreType.DMA,
            pltpu.SemaphoreType.DMA,
            pltpu.SemaphoreType.DMA,
            pltpu.SemaphoreType.DMA,
            pltpu.SemaphoreType.DMA,
        ],
        compiler_params=pltpu.CompilerParams(needs_layout_passes=False),
    )
    tc_out = _tc_lut(x[B_SC:].astype(jnp.bfloat16), coef, indices)
    sc_out = sc_fn(x[:B_SC].reshape(B_SC * D), coef, indices)
    return lax.dynamic_update_slice(sc_out, tc_out, (B_SC, 0))


def kernel(x, w, w_comp, indices):
    return _lutlayer(x, w, w_comp, indices)

# --- scband reference (transcript-rebuilt; emitter-appended) ---
"""Pipeline reference for scband-lutlayer-51539607736 (READ-ONLY COPY).

The authoritative reference and input builder live on the scoring server;
editing this copy changes nothing except your own understanding.
"""

import jax, jax.numpy as jnp
import numpy as np

INPUT_DIM = 1024
LUT_SIZE = 2
N_LUTS = 16384
BATCH = 1024


def setup_inputs(seed: int = 0) -> dict:
    key = jax.random.key(seed)
    k1, k2, k3, k4 = jax.random.split(key, 4)
    x = jax.random.uniform(k1, (BATCH, INPUT_DIM), dtype=jnp.float32)
    w = jax.random.normal(k2, (N_LUTS, 2 ** LUT_SIZE), dtype=jnp.float32)
    w_comp = jax.random.normal(k3, (N_LUTS, 2 ** LUT_SIZE), dtype=jnp.float32)
    # emulate get_connections('random'): values in [0, INPUT_DIM)
    conn = jax.random.permutation(k4, jnp.arange(LUT_SIZE * N_LUTS) % INPUT_DIM)
    indices = conn.reshape(LUT_SIZE, N_LUTS).astype(jnp.int32)
    return {"x": x, "w": w, "w_comp": w_comp, "indices": indices}


def get_probs(x):
    # x: [B, n_luts, lut_size]
    x = x[..., None]
    x_ = jnp.concatenate([x, 1.0 - x], axis=-1)  # [B, n_luts, lut_size, 2]
    b, neur, n_components, _ = x.shape
    temp = jnp.einsum('bnp,bnq->bnpq', x_[:, :, 0, :], x_[:, :, 1, :])
    for i in range(2, n_components):
        temp = jnp.einsum('bnp,bnq->bnpq', temp.reshape(b, neur, -1), x_[:, :, i, :])
    return jnp.flip(temp.reshape(b, neur, -1), axis=-1)


def reference(x, w, w_comp, indices):
    # training-mode path (module default mode; noise term is multiplied by 0.0)
    # gather: x_reordered[b, n, i] = x[b, indices[i, n]]
    x_reordered = x[..., indices.T]  # [B, n_luts, lut_size]
    logits = jnp.stack((w, w_comp), axis=0)  # [2, n_luts, 2**lut_size]
    sigma_w_probs = jax.nn.softmax(logits / 1.0, axis=0)
    sigma_w = sigma_w_probs[0]
    probs = get_probs(x_reordered)  # [B, n_luts, 2**lut_size]
    output = (probs * sigma_w).sum(-1)  # [B, n_luts]
    return output

if __name__ == "__main__":
    import jax
    _d = setup_inputs()
    print(jax.jit(kernel)(*tuple(_d.values())))

</pallas_src>

<mosaic_0001>
#map = affine_map<(d0, d1) -> (0)>
#map1 = affine_map<(d0, d1) -> (0, 0)>
module attributes {stable_mosaic.version = 14 : i64} {
  func.func @_sc_body(%arg0: i32, %arg1: i32, %arg2: memref<524288xf32, #tpu.memory_space<hbm>>, %arg3: memref<4x16384xf32, #tpu.memory_space<hbm>>, %arg4: memref<2x16384xi32, #tpu.memory_space<hbm>>, %arg5: memref<1024x16384xf32, #tpu.memory_space<hbm>>, %arg6: memref<16384xf32, #tpu.memory_space<vmem>>, %arg7: memref<2x4x1024xf32, #tpu.memory_space<vmem>>, %arg8: memref<2x2x1024xi32, #tpu.memory_space<vmem>>, %arg9: memref<2x16x1024xf32, #tpu.memory_space<vmem>>, %arg10: memref<!tpu.dma_semaphore, #tpu.memory_space<semaphore_mem>>, %arg11: memref<!tpu.dma_semaphore, #tpu.memory_space<semaphore_mem>>, %arg12: memref<!tpu.dma_semaphore, #tpu.memory_space<semaphore_mem>>, %arg13: memref<!tpu.dma_semaphore, #tpu.memory_space<semaphore_mem>>, %arg14: memref<!tpu.dma_semaphore, #tpu.memory_space<semaphore_mem>>) attributes {dimension_semantics = [#tpu.dimension_semantics<core_parallel>, #tpu.dimension_semantics<subcore_parallel>], iteration_bounds = array<i64: 2, 16>, scalar_prefetch = 0 : i64, scratch_operands = 9 : i64, tpu.core_type = #tpu.core_type<sc_vector_subcore>, window_params = [{transform_indices = #map}, {transform_indices = #map1}, {transform_indices = #map1}, {transform_indices = #map1}]} {
    %mul3A = arith.constant 2 : i32
    %mul3A_0 = arith.muli %arg1, %mul3A : i32
    %add3A = arith.addi %mul3A_0, %arg0 : i32
    %mul3A_1 = arith.constant 16 : i32
    %mul3A_2 = arith.muli %add3A, %mul3A_1 : i32
    %mul3A_3 = arith.constant 1024 : i32
    %mul3A_4 = arith.muli %mul3A_2, %mul3A_3 : i32
    %dma_start3A = tpu.memref_slice %arg2[%mul3A_4] : memref<524288xf32, #tpu.memory_space<hbm>> -> memref<16384xf32, #tpu.memory_space<hbm>>
    %dma_start3A_5 = tpu.memref_slice %arg2[%mul3A_4] : memref<524288xf32, #tpu.memory_space<hbm>> -> memref<16384xf32, #tpu.memory_space<hbm>>
    tpu.enqueue_dma source(%dma_start3A_5 : memref<16384xf32, #tpu.memory_space<hbm>>) target(%arg6 : memref<16384xf32, #tpu.memory_space<vmem>>) target_semaphore(%arg10 : memref<!tpu.dma_semaphore, #tpu.memory_space<semaphore_mem>>)
    %dma_start3A_6 = arith.constant 0 : i32
    %dma_start3A_7 = arith.constant 0 : i32
    %dma_start3A_8 = arith.constant 0 : i32
    %dma_start3A_9 = tpu.memref_slice %arg7[%dma_start3A_6, %dma_start3A_7, %dma_start3A_8] : memref<2x4x1024xf32, #tpu.memory_space<vmem>> -> memref<1x4x1024xf32, #tpu.memory_space<vmem>>
    %dma_start3A_10 = tpu.memref_squeeze %dma_start3A_9 : memref<1x4x1024xf32, #tpu.memory_space<vmem>> -> memref<4x1024xf32, #tpu.memory_space<vmem>>
    %dma_start3A_11 = arith.constant 0 : i32
    %dma_start3A_12 = arith.constant 0 : i32
    %dma_start3A_13 = tpu.memref_slice %arg3[%dma_start3A_11, %dma_start3A_12] : memref<4x16384xf32, #tpu.memory_space<hbm>> -> memref<4x1024xf32, #tpu.memory_space<hbm>>
    %dma_start3A_14 = arith.constant 0 : i32
    %dma_start3A_15 = arith.constant 0 : i32
    %dma_start3A_16 = tpu.memref_slice %arg7[%dma_start3A_6, %dma_start3A_14, %dma_start3A_15] : memref<2x4x1024xf32, #tpu.memory_space<vmem>> -> memref<1x4x1024xf32, #tpu.memory_space<vmem>>
    %dma_start3A_17 = tpu.memref_squeeze %dma_start3A_16 : memref<1x4x1024xf32, #tpu.memory_space<vmem>> -> memref<4x1024xf32, #tpu.memory_space<vmem>>
    %dma_start3A_18 = arith.constant 0 : i32
    %dma_start3A_19 = arith.constant 0 : i32
    %dma_start3A_20 = tpu.memref_slice %arg3[%dma_start3A_18, %dma_start3A_19] : memref<4x16384xf32, #tpu.memory_space<hbm>> -> memref<4x1024xf32, #tpu.memory_space<hbm>>
    tpu.enqueue_dma source(%dma_start3A_20 : memref<4x1024xf32, #tpu.memory_space<hbm>>) target(%dma_start3A_17 : memref<4x1024xf32, #tpu.memory_space<vmem>>) target_semaphore(%arg11 : memref<!tpu.dma_semaphore, #tpu.memory_space<semaphore_mem>>)
    %dma_start3A_21 = arith.constant 0 : i32
    %dma_start3A_22 = arith.constant 0 : i32
    %dma_start3A_23 = arith.constant 0 : i32
    %dma_start3A_24 = tpu.memref_slice %arg8[%dma_start3A_21, %dma_start3A_22, %dma_start3A_23] : memref<2x2x1024xi32, #tpu.memory_space<vmem>> -> memref<1x2x1024xi32, #tpu.memory_space<vmem>>
    %dma_start3A_25 = tpu.memref_squeeze %dma_start3A_24 : memref<1x2x1024xi32, #tpu.memory_space<vmem>> -> memref<2x1024xi32, #tpu.memory_space<vmem>>
    %dma_start3A_26 = arith.constant 0 : i32
    %dma_start3A_27 = arith.constant 0 : i32
    %dma_start3A_28 = tpu.memref_slice %arg4[%dma_start3A_26, %dma_start3A_27] : memref<2x16384xi32, #tpu.memory_space<hbm>> -> memref<2x1024xi32, #tpu.memory_space<hbm>>
    %dma_start3A_29 = arith.constant 0 : i32
    %dma_start3A_30 = arith.constant 0 : i32
    %dma_start3A_31 = tpu.memref_slice %arg8[%dma_start3A_21, %dma_start3A_29, %dma_start3A_30] : memref<2x2x1024xi32, #tpu.memory_space<vmem>> -> memref<1x2x1024xi32, #tpu.memory_space<vmem>>
    %dma_start3A_32 = tpu.memref_squeeze %dma_start3A_31 : memref<1x2x1024xi32, #tpu.memory_space<vmem>> -> memref<2x1024xi32, #tpu.memory_space<vmem>>
    %dma_start3A_33 = arith.constant 0 : i32
    %dma_start3A_34 = arith.constant 0 : i32
    %dma_start3A_35 = tpu.memref_slice %arg4[%dma_start3A_33, %dma_start3A_34] : memref<2x16384xi32, #tpu.memory_space<hbm>> -> memref<2x1024xi32, #tpu.memory_space<hbm>>
    tpu.enqueue_dma source(%dma_start3A_35 : memref<2x1024xi32, #tpu.memory_space<hbm>>) target(%dma_start3A_32 : memref<2x1024xi32, #tpu.memory_space<vmem>>) target_semaphore(%arg11 : memref<!tpu.dma_semaphore, #tpu.memory_space<semaphore_mem>>)
    %dma_start3A_36 = arith.constant 1 : i32
    %dma_start3A_37 = arith.constant 0 : i32
    %dma_start3A_38 = arith.constant 0 : i32
    %dma_start3A_39 = tpu.memref_slice %arg7[%dma_start3A_36, %dma_start3A_37, %dma_start3A_38] : memref<2x4x1024xf32, #tpu.memory_space<vmem>> -> memref<1x4x1024xf32, #tpu.memory_space<vmem>>
    %dma_start3A_40 = tpu.memref_squeeze %dma_start3A_39 : memref<1x4x1024xf32, #tpu.memory_space<vmem>> -> memref<4x1024xf32, #tpu.memory_space<vmem>>
    %dma_start3A_41 = arith.constant 0 : i32
    %dma_start3A_42 = arith.constant 1024 : i32
    %dma_start3A_43 = tpu.memref_slice %arg3[%dma_start3A_41, %dma_start3A_42] : memref<4x16384xf32, #tpu.memory_space<hbm>> -> memref<4x1024xf32, #tpu.memory_space<hbm>>
    %dma_start3A_44 = arith.constant 0 : i32
    %dma_start3A_45 = arith.constant 0 : i32
    %dma_start3A_46 = tpu.memref_slice %arg7[%dma_start3A_36, %dma_start3A_44, %dma_start3A_45] : memref<2x4x1024xf32, #tpu.memory_space<vmem>> -> memref<1x4x1024xf32, #tpu.memory_space<vmem>>
    %dma_start3A_47 = tpu.memref_squeeze %dma_start3A_46 : memref<1x4x1024xf32, #tpu.memory_space<vmem>> -> memref<4x1024xf32, #tpu.memory_space<vmem>>
    %dma_start3A_48 = arith.constant 0 : i32
    %dma_start3A_49 = arith.constant 1024 : i32
    %dma_start3A_50 = tpu.memref_slice %arg3[%dma_start3A_48, %dma_start3A_49] : memref<4x16384xf32, #tpu.memory_space<hbm>> -> memref<4x1024xf32, #tpu.memory_space<hbm>>
    tpu.enqueue_dma source(%dma_start3A_50 : memref<4x1024xf32, #tpu.memory_space<hbm>>) target(%dma_start3A_47 : memref<4x1024xf32, #tpu.memory_space<vmem>>) target_semaphore(%arg12 : memref<!tpu.dma_semaphore, #tpu.memory_space<semaphore_mem>>)
    %dma_start3A_51 = arith.constant 1 : i32
    %dma_start3A_52 = arith.constant 0 : i32
    %dma_start3A_53 = arith.constant 0 : i32
    %dma_start3A_54 = tpu.memref_slice %arg8[%dma_start3A_51, %dma_start3A_52, %dma_start3A_53] : memref<2x2x1024xi32, #tpu.memory_space<vmem>> -> memref<1x2x1024xi32, #tpu.memory_space<vmem>>
    %dma_start3A_55 = tpu.memref_squeeze %dma_start3A_54 : memref<1x2x1024xi32, #tpu.memory_space<vmem>> -> memref<2x1024xi32, #tpu.memory_space<vmem>>
    %dma_start3A_56 = arith.constant 0 : i32
    %dma_start3A_57 = arith.constant 1024 : i32
    %dma_start3A_58 = tpu.memref_slice %arg4[%dma_start3A_56, %dma_start3A_57] : memref<2x16384xi32, #tpu.memory_space<hbm>> -> memref<2x1024xi32, #tpu.memory_space<hbm>>
    %dma_start3A_59 = arith.constant 0 : i32
    %dma_start3A_60 = arith.constant 0 : i32
    %dma_start3A_61 = tpu.memref_slice %arg8[%dma_start3A_51, %dma_start3A_59, %dma_start3A_60] : memref<2x2x1024xi32, #tpu.memory_space<vmem>> -> memref<1x2x1024xi32, #tpu.memory_space<vmem>>
    %dma_start3A_62 = tpu.memref_squeeze %dma_start3A_61 : memref<1x2x1024xi32, #tpu.memory_space<vmem>> -> memref<2x1024xi32, #tpu.memory_space<vmem>>
    %dma_start3A_63 = arith.constant 0 : i32
    %dma_start3A_64 = arith.constant 1024 : i32
    %dma_start3A_65 = tpu.memref_slice %arg4[%dma_start3A_63, %dma_start3A_64] : memref<2x16384xi32, #tpu.memory_space<hbm>> -> memref<2x1024xi32, #tpu.memory_space<hbm>>
    tpu.enqueue_dma source(%dma_start3A_65 : memref<2x1024xi32, #tpu.memory_space<hbm>>) target(%dma_start3A_62 : memref<2x1024xi32, #tpu.memory_space<vmem>>) target_semaphore(%arg12 : memref<!tpu.dma_semaphore, #tpu.memory_space<semaphore_mem>>)
    %dma_wait3A = tpu.memref_slice %arg2[%mul3A_4] : memref<524288xf32, #tpu.memory_space<hbm>> -> memref<16384xf32, #tpu.memory_space<hbm>>
    %dma_wait3A_66 = tpu.memref_slice %arg2[%mul3A_4] : memref<524288xf32, #tpu.memory_space<hbm>> -> memref<16384xf32, #tpu.memory_space<hbm>>
    tpu.wait_dma2 semaphore(%arg10 : memref<!tpu.dma_semaphore, #tpu.memory_space<semaphore_mem>>) src(%dma_wait3A_66 : memref<16384xf32, #tpu.memory_space<hbm>>) dst(%arg6 : memref<16384xf32, #tpu.memory_space<vmem>>)
    %scan3A = arith.constant 0 : i32
    %scan3A_67 = arith.constant 0 : i32
    %scan3A_68 = arith.constant 8 : i32
    %scan3A_69 = arith.addi %scan3A_67, %scan3A_68 : i32
    %scan3A_70 = arith.constant 1 : i32
    %scan3A_71 = scf.for %scan3A_99 = %scan3A_67 to %scan3A_69 step %scan3A_70 iter_args(%scan3A_100 = %scan3A) -> (i32)  : i32 {
      %mul3A_101 = arith.constant 2 : i32
      %mul3A_102 = arith.muli %mul3A_101, %scan3A_99 : i32
      %add3A_103 = arith.constant 0 : i32
      %add3A_104 = arith.addi %mul3A_102, %add3A_103 : i32
      %dma_wait3A_105 = arith.constant 0 : i32
      %dma_wait3A_106 = arith.constant 0 : i32
      %dma_wait3A_107 = arith.constant 0 : i32
      %dma_wait3A_108 = tpu.memref_slice %arg7[%dma_wait3A_105, %dma_wait3A_106, %dma_wait3A_107] : memref<2x4x1024xf32, #tpu.memory_space<vmem>> -> memref<1x4x1024xf32, #tpu.memory_space<vmem>>
      %dma_wait3A_109 = tpu.memref_squeeze %dma_wait3A_108 : memref<1x4x1024xf32, #tpu.memory_space<vmem>> -> memref<4x1024xf32, #tpu.memory_space<vmem>>
      %dma_wait3A_110 = arith.constant 0 : i32
      %dma_wait3A_111 = arith.constant 0 : i32
      %dma_wait3A_112 = tpu.memref_slice %arg3[%dma_wait3A_110, %dma_wait3A_111] : memref<4x16384xf32, #tpu.memory_space<hbm>> -> memref<4x1024xf32, #tpu.memory_space<hbm>>
      %dma_wait3A_113 = arith.constant 0 : i32
      %dma_wait3A_114 = arith.constant 0 : i32
      %dma_wait3A_115 = tpu.memref_slice %arg7[%dma_wait3A_105, %dma_wait3A_113, %dma_wait3A_114] : memref<2x4x1024xf32, #tpu.memory_space<vmem>> -> memref<1x4x1024xf32, #tpu.memory_space<vmem>>
      %dma_wait3A_116 = tpu.memref_squeeze %dma_wait3A_115 : memref<1x4x1024xf32, #tpu.memory_space<vmem>> -> memref<4x1024xf32, #tpu.memory_space<vmem>>
      %dma_wait3A_117 = arith.constant 0 : i32
      %dma_wait3A_118 = arith.constant 0 : i32
      %dma_wait3A_119 = tpu.memref_slice %arg3[%dma_wait3A_117, %dma_wait3A_118] : memref<4x16384xf32, #tpu.memory_space<hbm>> -> memref<4x1024xf32, #tpu.memory_space<hbm>>
      tpu.wait_dma2 semaphore(%arg11 : memref<!tpu.dma_semaphore, #tpu.memory_space<semaphore_mem>>) src(%dma_wait3A_119 : memref<4x1024xf32, #tpu.memory_space<hbm>>) dst(%dma_wait3A_116 : memref<4x1024xf32, #tpu.memory_space<vmem>>)
      %dma_wait3A_120 = arith.constant 0 : i32
      %dma_wait3A_121 = arith.constant 0 : i32
      %dma_wait3A_122 = arith.constant 0 : i32
      %dma_wait3A_123 = tpu.memref_slice %arg8[%dma_wait3A_120, %dma_wait3A_121, %dma_wait3A_122] : memref<2x2x1024xi32, #tpu.memory_space<vmem>> -> memref<1x2x1024xi32, #tpu.memory_space<vmem>>
      %dma_wait3A_124 = tpu.memref_squeeze %dma_wait3A_123 : memref<1x2x1024xi32, #tpu.memory_space<vmem>> -> memref<2x1024xi32, #tpu.memory_space<vmem>>
      %dma_wait3A_125 = arith.constant 0 : i32
      %dma_wait3A_126 = arith.constant 0 : i32
      %dma_wait3A_127 = tpu.memref_slice %arg4[%dma_wait3A_125, %dma_wait3A_126] : memref<2x16384xi32, #tpu.memory_space<hbm>> -> memref<2x1024xi32, #tpu.memory_space<hbm>>
      %dma_wait3A_128 = arith.constant 0 : i32
      %dma_wait3A_129 = arith.constant 0 : i32
      %dma_wait3A_130 = tpu.memref_slice %arg8[%dma_wait3A_120, %dma_wait3A_128, %dma_wait3A_129] : memref<2x2x1024xi32, #tpu.memory_space<vmem>> -> memref<1x2x1024xi32, #tpu.memory_space<vmem>>
      %dma_wait3A_131 = tpu.memref_squeeze %dma_wait3A_130 : memref<1x2x1024xi32, #tpu.memory_space<vmem>> -> memref<2x1024xi32, #tpu.memory_space<vmem>>
      %dma_wait3A_132 = arith.constant 0 : i32
      %dma_wait3A_133 = arith.constant 0 : i32
      %dma_wait3A_134 = tpu.memref_slice %arg4[%dma_wait3A_132, %dma_wait3A_133] : memref<2x16384xi32, #tpu.memory_space<hbm>> -> memref<2x1024xi32, #tpu.memory_space<hbm>>
      tpu.wait_dma2 semaphore(%arg11 : memref<!tpu.dma_semaphore, #tpu.memory_space<semaphore_mem>>) src(%dma_wait3A_134 : memref<2x1024xi32, #tpu.memory_space<hbm>>) dst(%dma_wait3A_131 : memref<2x1024xi32, #tpu.memory_space<vmem>>)
      %gt3A = arith.constant 0 : i32
      %gt3A_135 = arith.cmpi sgt, %scan3A_99, %gt3A : i32
      %convert_element_type3A = arith.extui %gt3A_135 : i1 to i32
      %cond3A = arith.constant 0 : i32
      %cond3A_136 = arith.cmpi ne, %convert_element_type3A, %cond3A : i32
      scf.if %cond3A_136 {
        %dma_wait3A_217 = arith.constant 0 : i32
        %dma_wait3A_218 = arith.constant 0 : i32
        %dma_wait3A_219 = arith.constant 0 : i32
        %dma_wait3A_220 = tpu.memref_slice %arg9[%dma_wait3A_217, %dma_wait3A_218, %dma_wait3A_219] : memref<2x16x1024xf32, #tpu.memory_space<vmem>> -> memref<1x16x1024xf32, #tpu.memory_space<vmem>>
        %dma_wait3A_221 = tpu.memref_squeeze %dma_wait3A_220 : memref<1x16x1024xf32, #tpu.memory_space<vmem>> -> memref<16x1024xf32, #tpu.memory_space<vmem>>
        %dma_wait3A_222 = arith.constant 0 : i32
        %dma_wait3A_223 = tpu.memref_slice %arg5[%mul3A_2, %dma_wait3A_222] : memref<1024x16384xf32, #tpu.memory_space<hbm>> -> memref<16x1024xf32, #tpu.memory_space<hbm>>
        %dma_wait3A_224 = arith.constant 0 : i32
        %dma_wait3A_225 = tpu.memref_slice %arg5[%mul3A_2, %dma_wait3A_224] : memref<1024x16384xf32, #tpu.memory_space<hbm>> -> memref<16x1024xf32, #tpu.memory_space<hbm>>
        %dma_wait3A_226 = arith.constant 0 : i32
        %dma_wait3A_227 = arith.constant 0 : i32
        %dma_wait3A_228 = tpu.memref_slice %arg9[%dma_wait3A_217, %dma_wait3A_226, %dma_wait3A_227] : memref<2x16x1024xf32, #tpu.memory_space<vmem>> -> memref<1x16x1024xf32, #tpu.memory_space<vmem>>
        %dma_wait3A_229 = tpu.memref_squeeze %dma_wait3A_228 : memref<1x16x1024xf32, #tpu.memory_space<vmem>> -> memref<16x1024xf32, #tpu.memory_space<vmem>>
        tpu.wait_dma2 semaphore(%arg13 : memref<!tpu.dma_semaphore, #tpu.memory_space<semaphore_mem>>) src(%dma_wait3A_229 : memref<16x1024xf32, #tpu.memory_space<vmem>>) dst(%dma_wait3A_225 : memref<16x1024xf32, #tpu.memory_space<hbm>>)
      } else {
      }
      %parallel_loop3A = arith.constant 0 : i32
      %parallel_loop3A_137 = arith.constant 64 : i32
      %parallel_loop3A_138 = arith.constant 1 : i32
      scf.for %parallel_loop3A_217 = %parallel_loop3A to %parallel_loop3A_137 step %parallel_loop3A_138  : i32 {
        %parallel_loop3A_218 = arith.constant 16 : i32
        %parallel_loop3A_219 = arith.muli %parallel_loop3A_217, %parallel_loop3A_218 : i32
        %parallel_loop3A_220 = arith.constant 0 : i32
        %parallel_loop3A_221 = arith.constant 0 : i32
        %parallel_loop3A_222 = arith.index_cast %parallel_loop3A_220 : i32 to index
        %parallel_loop3A_223 = arith.index_cast %parallel_loop3A_221 : i32 to index
        %parallel_loop3A_224 = arith.index_cast %parallel_loop3A_219 : i32 to index
        %parallel_loop3A_225 = tpu.vector_load %arg8[%parallel_loop3A_222, %parallel_loop3A_223, %parallel_loop3A_224] {strides = array<i32>} : memref<2x2x1024xi32, #tpu.memory_space<vmem>>, vector<16xi32>,
        %parallel_loop3A_226 = arith.constant 0 : i32
        %parallel_loop3A_227 = arith.constant 1 : i32
        %parallel_loop3A_228 = arith.index_cast %parallel_loop3A_226 : i32 to index
        %parallel_loop3A_229 = arith.index_cast %parallel_loop3A_227 : i32 to index
        %parallel_loop3A_230 = arith.index_cast %parallel_loop3A_219 : i32 to index
        %parallel_loop3A_231 = tpu.vector_load %arg8[%parallel_loop3A_228, %parallel_loop3A_229, %parallel_loop3A_230] {strides = array<i32>} : memref<2x2x1024xi32, #tpu.memory_space<vmem>>, vector<16xi32>,
        %parallel_loop3A_232 = arith.constant 0 : i32
        %parallel_loop3A_233 = arith.constant 0 : i32
        %parallel_loop3A_234 = arith.index_cast %parallel_loop3A_232 : i32 to index
        %parallel_loop3A_235 = arith.index_cast %parallel_loop3A_233 : i32 to index
        %parallel_loop3A_236 = arith.index_cast %parallel_loop3A_219 : i32 to index
        %parallel_loop3A_237 = tpu.vector_load %arg7[%parallel_loop3A_234, %parallel_loop3A_235, %parallel_loop3A_236] {strides = array<i32>} : memref<2x4x1024xf32, #tpu.memory_space<vmem>>, vector<16xf32>,
        %parallel_loop3A_238 = arith.constant 0 : i32
        %parallel_loop3A_239 = arith.constant 1 : i32
        %parallel_loop3A_240 = arith.index_cast %parallel_loop3A_238 : i32 to index
        %parallel_loop3A_241 = arith.index_cast %parallel_loop3A_239 : i32 to index
        %parallel_loop3A_242 = arith.index_cast %parallel_loop3A_219 : i32 to index
        %parallel_loop3A_243 = tpu.vector_load %arg7[%parallel_loop3A_240, %parallel_loop3A_241, %parallel_loop3A_242] {strides = array<i32>} : memref<2x4x1024xf32, #tpu.memory_space<vmem>>, vector<16xf32>,
        %parallel_loop3A_244 = arith.constant 0 : i32
        %parallel_loop3A_245 = arith.constant 2 : i32
        %parallel_loop3A_246 = arith.index_cast %parallel_loop3A_244 : i32 to index
        %parallel_loop3A_247 = arith.index_cast %parallel_loop3A_245 : i32 to index
        %parallel_loop3A_248 = arith.index_cast %parallel_loop3A_219 : i32 to index
        %parallel_loop3A_249 = tpu.vector_load %arg7[%parallel_loop3A_246, %parallel_loop3A_247, %parallel_loop3A_248] {strides = array<i32>} : memref<2x4x1024xf32, #tpu.memory_space<vmem>>, vector<16xf32>,
        %parallel_loop3A_250 = arith.constant 0 : i32
        %parallel_loop3A_251 = arith.constant 3 : i32
        %parallel_loop3A_252 = arith.index_cast %parallel_loop3A_250 : i32 to index
        %parallel_loop3A_253 = arith.index_cast %parallel_loop3A_251 : i32 to index
        %parallel_loop3A_254 = arith.index_cast %parallel_loop3A_219 : i32 to index
        %parallel_loop3A_255 = tpu.vector_load %arg7[%parallel_loop3A_252, %parallel_loop3A_253, %parallel_loop3A_254] {strides = array<i32>} : memref<2x4x1024xf32, #tpu.memory_space<vmem>>, vector<16xf32>,
        %parallel_loop3A_256 = arith.constant 0 : i32
        %parallel_loop3A_257 = tpu.memref_slice %arg6[%parallel_loop3A_256] : memref<16384xf32, #tpu.memory_space<vmem>> -> memref<1024xf32, #tpu.memory_space<vmem>>
        %parallel_loop3A_258 = tpu.vector_load_idx %parallel_loop3A_257[%parallel_loop3A_225] : memref<1024xf32, #tpu.memory_space<vmem>>[vector<16xi32>], vector<16xf32>,
        %parallel_loop3A_259 = arith.constant 0 : i32
        %parallel_loop3A_260 = tpu.memref_slice %arg6[%parallel_loop3A_259] : memref<16384xf32, #tpu.memory_space<vmem>> -> memref<1024xf32, #tpu.memory_space<vmem>>
        %parallel_loop3A_261 = tpu.vector_load_idx %parallel_loop3A_260[%parallel_loop3A_231] : memref<1024xf32, #tpu.memory_space<vmem>>[vector<16xi32>], vector<16xf32>,
        %parallel_loop3A_262 = arith.constant 1024 : i32
        %parallel_loop3A_263 = tpu.memref_slice %arg6[%parallel_loop3A_262] : memref<16384xf32, #tpu.memory_space<vmem>> -> memref<1024xf32, #tpu.memory_space<vmem>>
        %parallel_loop3A_264 = tpu.vector_load_idx %parallel_loop3A_263[%parallel_loop3A_225] : memref<1024xf32, #tpu.memory_space<vmem>>[vector<16xi32>], vector<16xf32>,
        %parallel_loop3A_265 = arith.constant 1024 : i32
        %parallel_loop3A_266 = tpu.memref_slice %arg6[%parallel_loop3A_265] : memref<16384xf32, #tpu.memory_space<vmem>> -> memref<1024xf32, #tpu.memory_space<vmem>>
        %parallel_loop3A_267 = tpu.vector_load_idx %parallel_loop3A_266[%parallel_loop3A_231] : memref<1024xf32, #tpu.memory_space<vmem>>[vector<16xi32>], vector<16xf32>,
        %parallel_loop3A_268 = arith.constant 2048 : i32
        %parallel_loop3A_269 = tpu.memref_slice %arg6[%parallel_loop3A_268] : memref<16384xf32, #tpu.memory_space<vmem>> -> memref<1024xf32, #tpu.memory_space<vmem>>
        %parallel_loop3A_270 = tpu.vector_load_idx %parallel_loop3A_269[%parallel_loop3A_225] : memref<1024xf32, #tpu.memory_space<vmem>>[vector<16xi32>], vector<16xf32>,
        %parallel_loop3A_271 = arith.constant 2048 : i32
        %parallel_loop3A_272 = tpu.memref_slice %arg6[%parallel_loop3A_271] : memref<16384xf32, #tpu.memory_space<vmem>> -> memref<1024xf32, #tpu.memory_space<vmem>>
        %parallel_loop3A_273 = tpu.vector_load_idx %parallel_loop3A_272[%parallel_loop3A_231] : memref<1024xf32, #tpu.memory_space<vmem>>[vector<16xi32>], vector<16xf32>,
        %parallel_loop3A_274 = arith.constant 3072 : i32
        %parallel_loop3A_275 = tpu.memref_slice %arg6[%parallel_loop3A_274] : memref<16384xf32, #tpu.memory_space<vmem>> -> memref<1024xf32, #tpu.memory_space<vmem>>
        %parallel_loop3A_276 = tpu.vector_load_idx %parallel_loop3A_275[%parallel_loop3A_225] : memref<1024xf32, #tpu.memory_space<vmem>>[vector<16xi32>], vector<16xf32>,
        %parallel_loop3A_277 = arith.constant 3072 : i32
        %parallel_loop3A_278 = tpu.memref_slice %arg6[%parallel_loop3A_277] : memref<16384xf32, #tpu.memory_space<vmem>> -> memref<1024xf32, #tpu.memory_space<vmem>>
        %parallel_loop3A_279 = tpu.vector_load_idx %parallel_loop3A_278[%parallel_loop3A_231] : memref<1024xf32, #tpu.memory_space<vmem>>[vector<16xi32>], vector<16xf32>,
        %parallel_loop3A_280 = arith.constant 4096 : i32
        %parallel_loop3A_281 = tpu.memref_slice %arg6[%parallel_loop3A_280] : memref<16384xf32, #tpu.memory_space<vmem>> -> memref<1024xf32, #tpu.memory_space<vmem>>
        %parallel_loop3A_282 = tpu.vector_load_idx %parallel_loop3A_281[%parallel_loop3A_225] : memref<1024xf32, #tpu.memory_space<vmem>>[vector<16xi32>], vector<16xf32>,
        %parallel_loop3A_283 = arith.constant 4096 : i32
        %parallel_loop3A_284 = tpu.memref_slice %arg6[%parallel_loop3A_283] : memref<16384xf32, #tpu.memory_space<vmem>> -> memref<1024xf32, #tpu.memory_space<vmem>>
        %parallel_loop3A_285 = tpu.vector_load_idx %parallel_loop3A_284[%parallel_loop3A_231] : memref<1024xf32, #tpu.memory_space<vmem>>[vector<16xi32>], vector<16xf32>,
        %parallel_loop3A_286 = arith.constant 5120 : i32
        %parallel_loop3A_287 = tpu.memref_slice %arg6[%parallel_loop3A_286] : memref<16384xf32, #tpu.memory_space<vmem>> -> memref<1024xf32, #tpu.memory_space<vmem>>
        %parallel_loop3A_288 = tpu.vector_load_idx %parallel_loop3A_287[%parallel_loop3A_225] : memref<1024xf32, #tpu.memory_space<vmem>>[vector<16xi32>], vector<16xf32>,
        %parallel_loop3A_289 = arith.constant 5120 : i32
        %parallel_loop3A_290 = tpu.memref_slice %arg6[%parallel_loop3A_289] : memref<16384xf32, #tpu.memory_space<vmem>> -> memref<1024xf32, #tpu.memory_space<vmem>>
        %parallel_loop3A_291 = tpu.vector_load_idx %parallel_loop3A_290[%parallel_loop3A_231] : memref<1024xf32, #tpu.memory_space<vmem>>[vector<16xi32>], vector<16xf32>,
        %parallel_loop3A_292 = arith.constant 6144 : i32
        %parallel_loop3A_293 = tpu.memref_slice %arg6[%parallel_loop3A_292] : memref<16384xf32, #tpu.memory_space<vmem>> -> memref<1024xf32, #tpu.memory_space<vmem>>
        %parallel_loop3A_294 = tpu.vector_load_idx %parallel_loop3A_293[%parallel_loop3A_225] : memref<1024xf32, #tpu.memory_space<vmem>>[vector<16xi32>], vector<16xf32>,
        %parallel_loop3A_295 = arith.constant 6144 : i32
        %parallel_loop3A_296 = tpu.memref_slice %arg6[%parallel_loop3A_295] : memref<16384xf32, #tpu.memory_space<vmem>> -> memref<1024xf32, #tpu.memory_space<vmem>>
        %parallel_loop3A_297 = tpu.vector_load_idx %parallel_loop3A_296[%parallel_loop3A_231] : memref<1024xf32, #tpu.memory_space<vmem>>[vector<16xi32>], vector<16xf32>,
        %parallel_loop3A_298 = arith.constant 7168 : i32
        %parallel_loop3A_299 = tpu.memref_slice %arg6[%parallel_loop3A_298] : memref<16384xf32, #tpu.memory_space<vmem>> -> memref<1024xf32, #tpu.memory_space<vmem>>
        %parallel_loop3A_300 = tpu.vector_load_idx %parallel_loop3A_299[%parallel_loop3A_225] : memref<1024xf32, #tpu.memory_space<vmem>>[vector<16xi32>], vector<16xf32>,
        %parallel_loop3A_301 = arith.constant 7168 : i32
        %parallel_loop3A_302 = tpu.memref_slice %arg6[%parallel_loop3A_301] : memref<16384xf32, #tpu.memory_space<vmem>> -> memref<1024xf32, #tpu.memory_space<vmem>>
        %parallel_loop3A_303 = tpu.vector_load_idx %parallel_loop3A_302[%parallel_loop3A_231] : memref<1024xf32, #tpu.memory_space<vmem>>[vector<16xi32>], vector<16xf32>,
        %parallel_loop3A_304 = arith.mulf %parallel_loop3A_258, %parallel_loop3A_243 : vector<16xf32>
        %parallel_loop3A_305 = arith.addf %parallel_loop3A_304, %parallel_loop3A_237 : vector<16xf32>
        %parallel_loop3A_306 = arith.mulf %parallel_loop3A_258, %parallel_loop3A_255 : vector<16xf32>
        %parallel_loop3A_307 = arith.addf %parallel_loop3A_306, %parallel_loop3A_249 : vector<16xf32>
        %parallel_loop3A_308 = arith.mulf %parallel_loop3A_261, %parallel_loop3A_307 : vector<16xf32>
        %parallel_loop3A_309 = arith.addf %parallel_loop3A_308, %parallel_loop3A_305 : vector<16xf32>
        %parallel_loop3A_310 = arith.mulf %parallel_loop3A_264, %parallel_loop3A_243 : vector<16xf32>
        %parallel_loop3A_311 = arith.addf %parallel_loop3A_310, %parallel_loop3A_237 : vector<16xf32>
        %parallel_loop3A_312 = arith.mulf %parallel_loop3A_264, %parallel_loop3A_255 : vector<16xf32>
        %parallel_loop3A_313 = arith.addf %parallel_loop3A_312, %parallel_loop3A_249 : vector<16xf32>
        %parallel_loop3A_314 = arith.mulf %parallel_loop3A_267, %parallel_loop3A_313 : vector<16xf32>
        %parallel_loop3A_315 = arith.addf %parallel_loop3A_314, %parallel_loop3A_311 : vector<16xf32>
        %parallel_loop3A_316 = arith.mulf %parallel_loop3A_270, %parallel_loop3A_243 : vector<16xf32>
        %parallel_loop3A_317 = arith.addf %parallel_loop3A_316, %parallel_loop3A_237 : vector<16xf32>
        %parallel_loop3A_318 = arith.mulf %parallel_loop3A_270, %parallel_loop3A_255 : vector<16xf32>
        %parallel_loop3A_319 = arith.addf %parallel_loop3A_318, %parallel_loop3A_249 : vector<16xf32>
        %parallel_loop3A_320 = arith.mulf %parallel_loop3A_273, %parallel_loop3A_319 : vector<16xf32>
        %parallel_loop3A_321 = arith.addf %parallel_loop3A_320, %parallel_loop3A_317 : vector<16xf32>
        %parallel_loop3A_322 = arith.mulf %parallel_loop3A_276, %parallel_loop3A_243 : vector<16xf32>
        %parallel_loop3A_323 = arith.addf %parallel_loop3A_322, %parallel_loop3A_237 : vector<16xf32>
        %parallel_loop3A_324 = arith.mulf %parallel_loop3A_276, %parallel_loop3A_255 : vector<16xf32>
        %parallel_loop3A_325 = arith.addf %parallel_loop3A_324, %parallel_loop3A_249 : vector<16xf32>
        %parallel_loop3A_326 = arith.mulf %parallel_loop3A_279, %parallel_loop3A_325 : vector<16xf32>
        %parallel_loop3A_327 = arith.addf %parallel_loop3A_326, %parallel_loop3A_323 : vector<16xf32>
        %parallel_loop3A_328 = arith.mulf %parallel_loop3A_282, %parallel_loop3A_243 : vector<16xf32>
        %parallel_loop3A_329 = arith.addf %parallel_loop3A_328, %parallel_loop3A_237 : vector<16xf32>
        %parallel_loop3A_330 = arith.mulf %parallel_loop3A_282, %parallel_loop3A_255 : vector<16xf32>
        %parallel_loop3A_331 = arith.addf %parallel_loop3A_330, %parallel_loop3A_249 : vector<16xf32>
        %parallel_loop3A_332 = arith.mulf %parallel_loop3A_285, %parallel_loop3A_331 : vector<16xf32>
        %parallel_loop3A_333 = arith.addf %parallel_loop3A_332, %parallel_loop3A_329 : vector<16xf32>
        %parallel_loop3A_334 = arith.mulf %parallel_loop3A_288, %parallel_loop3A_243 : vector<16xf32>
        %parallel_loop3A_335 = arith.addf %parallel_loop3A_334, %parallel_loop3A_237 : vector<16xf32>
        %parallel_loop3A_336 = arith.mulf %parallel_loop3A_288, %parallel_loop3A_255 : vector<16xf32>
        %parallel_loop3A_337 = arith.addf %parallel_loop3A_336, %parallel_loop3A_249 : vector<16xf32>
        %parallel_loop3A_338 = arith.mulf %parallel_loop3A_291, %parallel_loop3A_337 : vector<16xf32>
        %parallel_loop3A_339 = arith.addf %parallel_loop3A_338, %parallel_loop3A_335 : vector<16xf32>
        %parallel_loop3A_340 = arith.mulf %parallel_loop3A_294, %parallel_loop3A_243 : vector<16xf32>
        %parallel_loop3A_341 = arith.addf %parallel_loop3A_340, %parallel_loop3A_237 : vector<16xf32>
        %parallel_loop3A_342 = arith.mulf %parallel_loop3A_294, %parallel_loop3A_255 : vector<16xf32>
        %parallel_loop3A_343 = arith.addf %parallel_loop3A_342, %parallel_loop3A_249 : vector<16xf32>
        %parallel_loop3A_344 = arith.mulf %parallel_loop3A_297, %parallel_loop3A_343 : vector<16xf32>
        %parallel_loop3A_345 = arith.addf %parallel_loop3A_344, %parallel_loop3A_341 : vector<16xf32>
        %parallel_loop3A_346 = arith.mulf %parallel_loop3A_300, %parallel_loop3A_243 : vector<16xf32>
        %parallel_loop3A_347 = arith.addf %parallel_loop3A_346, %parallel_loop3A_237 : vector<16xf32>
        %parallel_loop3A_348 = arith.mulf %parallel_loop3A_300, %parallel_loop3A_255 : vector<16xf32>
        %parallel_loop3A_349 = arith.addf %parallel_loop3A_348, %parallel_loop3A_249 : vector<16xf32>
        %parallel_loop3A_350 = arith.mulf %parallel_loop3A_303, %parallel_loop3A_349 : vector<16xf32>
        %parallel_loop3A_351 = arith.addf %parallel_loop3A_350, %parallel_loop3A_347 : vector<16xf32>
        %parallel_loop3A_352 = arith.constant 0 : i32
        %parallel_loop3A_353 = arith.constant 0 : i32
        %parallel_loop3A_354 = arith.index_cast %parallel_loop3A_352 : i32 to index
        %parallel_loop3A_355 = arith.index_cast %parallel_loop3A_353 : i32 to index
        %parallel_loop3A_356 = arith.index_cast %parallel_loop3A_219 : i32 to index
        %parallel_loop3A_357 = tpu.vector_load %arg9[%parallel_loop3A_354, %parallel_loop3A_355, %parallel_loop3A_356] {strides = array<i32>} : memref<2x16x1024xf32, #tpu.memory_space<vmem>>, vector<16xf32>,
        tpu.vector_store %arg9[%parallel_loop3A_354, %parallel_loop3A_355, %parallel_loop3A_356], %parallel_loop3A_309 {strides = array<i32>} : memref<2x16x1024xf32, #tpu.memory_space<vmem>>, vector<16xf32>,
        %parallel_loop3A_358 = arith.constant 0 : i32
        %parallel_loop3A_359 = arith.constant 1 : i32
        %parallel_loop3A_360 = arith.index_cast %parallel_loop3A_358 : i32 to index
        %parallel_loop3A_361 = arith.index_cast %parallel_loop3A_359 : i32 to index
        %parallel_loop3A_362 = arith.index_cast %parallel_loop3A_219 : i32 to index
        %parallel_loop3A_363 = tpu.vector_load %arg9[%parallel_loop3A_360, %parallel_loop3A_361, %parallel_loop3A_362] {strides = array<i32>} : memref<2x16x1024xf32, #tpu.memory_space<vmem>>, vector<16xf32>,
        tpu.vector_store %arg9[%parallel_loop3A_360, %parallel_loop3A_361, %parallel_loop3A_362], %parallel_loop3A_315 {strides = array<i32>} : memref<2x16x1024xf32, #tpu.memory_space<vmem>>, vector<16xf32>,
        %parallel_loop3A_364 = arith.constant 0 : i32
        %parallel_loop3A_365 = arith.constant 2 : i32
        %parallel_loop3A_366 = arith.index_cast %parallel_loop3A_364 : i32 to index
        %parallel_loop3A_367 = arith.index_cast %parallel_loop3A_365 : i32 to index
        %parallel_loop3A_368 = arith.index_cast %parallel_loop3A_219 : i32 to index
        %parallel_loop3A_369 = tpu.vector_load %arg9[%parallel_loop3A_366, %parallel_loop3A_367, %parallel_loop3A_368] {strides = array<i32>} : memref<2x16x1024xf32, #tpu.memory_space<vmem>>, vector<16xf32>,
        tpu.vector_store %arg9[%parallel_loop3A_366, %parallel_loop3A_367, %parallel_loop3A_368], %parallel_loop3A_321 {strides = array<i32>} : memref<2x16x1024xf32, #tpu.memory_space<vmem>>, vector<16xf32>,
        %parallel_loop3A_370 = arith.constant 0 : i32
        %parallel_loop3A_371 = arith.constant 3 : i32
        %parallel_loop3A_372 = arith.index_cast %parallel_loop3A_370 : i32 to index
        %parallel_loop3A_373 = arith.index_cast %parallel_loop3A_371 : i32 to index
        %parallel_loop3A_374 = arith.index_cast %parallel_loop3A_219 : i32 to index
        %parallel_loop3A_375 = tpu.vector_load %arg9[%parallel_loop3A_372, %parallel_loop3A_373, %parallel_loop3A_374] {strides = array<i32>} : memref<2x16x1024xf32, #tpu.memory_space<vmem>>, vector<16xf32>,
        tpu.vector_store %arg9[%parallel_loop3A_372, %parallel_loop3A_373, %parallel_loop3A_374], %parallel_loop3A_327 {strides = array<i32>} : memref<2x16x1024xf32, #tpu.memory_space<vmem>>, vector<16xf32>,
        %parallel_loop3A_376 = arith.constant 0 : i32
        %parallel_loop3A_377 = arith.constant 4 : i32
        %parallel_loop3A_378 = arith.index_cast %parallel_loop3A_376 : i32 to index
        %parallel_loop3A_379 = arith.index_cast %parallel_loop3A_377 : i32 to index
        %parallel_loop3A_380 = arith.index_cast %parallel_loop3A_219 : i32 to index
        %parallel_loop3A_381 = tpu.vector_load %arg9[%parallel_loop3A_378, %parallel_loop3A_379, %parallel_loop3A_380] {strides = array<i32>} : memref<2x16x1024xf32, #tpu.memory_space<vmem>>, vector<16xf32>,
        tpu.vector_store %arg9[%parallel_loop3A_378, %parallel_loop3A_379, %parallel_loop3A_380], %parallel_loop3A_333 {strides = array<i32>} : memref<2x16x1024xf32, #tpu.memory_space<vmem>>, vector<16xf32>,
        %parallel_loop3A_382 = arith.constant 0 : i32
        %parallel_loop3A_383 = arith.constant 5 : i32
        %parallel_loop3A_384 = arith.index_cast %parallel_loop3A_382 : i32 to index
        %parallel_loop3A_385 = arith.index_cast %parallel_loop3A_383 : i32 to index
        %parallel_loop3A_386 = arith.index_cast %parallel_loop3A_219 : i32 to index
        %parallel_loop3A_387 = tpu.vector_load %arg9[%parallel_loop3A_384, %parallel_loop3A_385, %parallel_loop3A_386] {strides = array<i32>} : memref<2x16x1024xf32, #tpu.memory_space<vmem>>, vector<16xf32>,
        tpu.vector_store %arg9[%parallel_loop3A_384, %parallel_loop3A_385, %parallel_loop3A_386], %parallel_loop3A_339 {strides = array<i32>} : memref<2x16x1024xf32, #tpu.memory_space<vmem>>, vector<16xf32>,
        %parallel_loop3A_388 = arith.constant 0 : i32
        %parallel_loop3A_389 = arith.constant 6 : i32
        %parallel_loop3A_390 = arith.index_cast %parallel_loop3A_388 : i32 to index
        %parallel_loop3A_391 = arith.index_cast %parallel_loop3A_389 : i32 to index
        %parallel_loop3A_392 = arith.index_cast %parallel_loop3A_219 : i32 to index
        %parallel_loop3A_393 = tpu.vector_load %arg9[%parallel_loop3A_390, %parallel_loop3A_391, %parallel_loop3A_392] {strides = array<i32>} : memref<2x16x1024xf32, #tpu.memory_space<vmem>>, vector<16xf32>,
        tpu.vector_store %arg9[%parallel_loop3A_390, %parallel_loop3A_391, %parallel_loop3A_392], %parallel_loop3A_345 {strides = array<i32>} : memref<2x16x1024xf32, #tpu.memory_space<vmem>>, vector<16xf32>,
        %parallel_loop3A_394 = arith.constant 0 : i32
        %parallel_loop3A_395 = arith.constant 7 : i32
        %parallel_loop3A_396 = arith.index_cast %parallel_loop3A_394 : i32 to index
        %parallel_loop3A_397 = arith.index_cast %parallel_loop3A_395 : i32 to index
        %parallel_loop3A_398 = arith.index_cast %parallel_loop3A_219 : i32 to index
        %parallel_loop3A_399 = tpu.vector_load %arg9[%parallel_loop3A_396, %parallel_loop3A_397, %parallel_loop3A_398] {strides = array<i32>} : memref<2x16x1024xf32, #tpu.memory_space<vmem>>, vector<16xf32>,
        tpu.vector_store %arg9[%parallel_loop3A_396, %parallel_loop3A_397, %parallel_loop3A_398], %parallel_loop3A_351 {strides = array<i32>} : memref<2x16x1024xf32, #tpu.memory_space<vmem>>, vector<16xf32>,
        %parallel_loop3A_400 = arith.constant 8192 : i32
        %parallel_loop3A_401 = tpu.memref_slice %arg6[%parallel_loop3A_400] : memref<16384xf32, #tpu.memory_space<vmem>> -> memref<1024xf32, #tpu.memory_space<vmem>>
        %parallel_loop3A_402 = tpu.vector_load_idx %parallel_loop3A_401[%parallel_loop3A_225] : memref<1024xf32, #tpu.memory_space<vmem>>[vector<16xi32>], vector<16xf32>,
        %parallel_loop3A_403 = arith.constant 8192 : i32
        %parallel_loop3A_404 = tpu.memref_slice %arg6[%parallel_loop3A_403] : memref<16384xf32, #tpu.memory_space<vmem>> -> memref<1024xf32, #tpu.memory_space<vmem>>
        %parallel_loop3A_405 = tpu.vector_load_idx %parallel_loop3A_404[%parallel_loop3A_231] : memref<1024xf32, #tpu.memory_space<vmem>>[vector<16xi32>], vector<16xf32>,
        %parallel_loop3A_406 = arith.constant 9216 : i32
        %parallel_loop3A_407 = tpu.memref_slice %arg6[%parallel_loop3A_406] : memref<16384xf32, #tpu.memory_space<vmem>> -> memref<1024xf32, #tpu.memory_space<vmem>>
        %parallel_loop3A_408 = tpu.vector_load_idx %parallel_loop3A_407[%parallel_loop3A_225] : memref<1024xf32, #tpu.memory_space<vmem>>[vector<16xi32>], vector<16xf32>,
        %parallel_loop3A_409 = arith.constant 9216 : i32
        %parallel_loop3A_410 = tpu.memref_slice %arg6[%parallel_loop3A_409] : memref<16384xf32, #tpu.memory_space<vmem>> -> memref<1024xf32, #tpu.memory_space<vmem>>
        %parallel_loop3A_411 = tpu.vector_load_idx %parallel_loop3A_410[%parallel_loop3A_231] : memref<1024xf32, #tpu.memory_space<vmem>>[vector<16xi32>], vector<16xf32>,
        %parallel_loop3A_412 = arith.constant 10240 : i32
        %parallel_loop3A_413 = tpu.memref_slice %arg6[%parallel_loop3A_412] : memref<16384xf32, #tpu.memory_space<vmem>> -> memref<1024xf32, #tpu.memory_space<vmem>>
        %parallel_loop3A_414 = tpu.vector_load_idx %parallel_loop3A_413[%parallel_loop3A_225] : memref<1024xf32, #tpu.memory_space<vmem>>[vector<16xi32>], vector<16xf32>,
        %parallel_loop3A_415 = arith.constant 10240 : i32
        %parallel_loop3A_416 = tpu.memref_slice %arg6[%parallel_loop3A_415] : memref<16384xf32, #tpu.memory_space<vmem>> -> memref<1024xf32, #tpu.memory_space<vmem>>
        %parallel_loop3A_417 = tpu.vector_load_idx %parallel_loop3A_416[%parallel_loop3A_231] : memref<1024xf32, #tpu.memory_space<vmem>>[vector<16xi32>], vector<16xf32>,
        %parallel_loop3A_418 = arith.constant 11264 : i32
        %parallel_loop3A_419 = tpu.memref_slice %arg6[%parallel_loop3A_418] : memref<16384xf32, #tpu.memory_space<vmem>> -> memref<1024xf32, #tpu.memory_space<vmem>>
        %parallel_loop3A_420 = tpu.vector_load_idx %parallel_loop3A_419[%parallel_loop3A_225] : memref<1024xf32, #tpu.memory_space<vmem>>[vector<16xi32>], vector<16xf32>,
        %parallel_loop3A_421 = arith.constant 11264 : i32
        %parallel_loop3A_422 = tpu.memref_slice %arg6[%parallel_loop3A_421] : memref<16384xf32, #tpu.memory_space<vmem>> -> memref<1024xf32, #tpu.memory_space<vmem>>
        %parallel_loop3A_423 = tpu.vector_load_idx %parallel_loop3A_422[%parallel_loop3A_231] : memref<1024xf32, #tpu.memory_space<vmem>>[vector<16xi32>], vector<16xf32>,
        %parallel_loop3A_424 = arith.constant 12288 : i32
        %parallel_loop3A_425 = tpu.memref_slice %arg6[%parallel_loop3A_424] : memref<16384xf32, #tpu.memory_space<vmem>> -> memref<1024xf32, #tpu.memory_space<vmem>>
        %parallel_loop3A_426 = tpu.vector_load_idx %parallel_loop3A_425[%parallel_loop3A_225] : memref<1024xf32, #tpu.memory_space<vmem>>[vector<16xi32>], vector<16xf32>,
        %parallel_loop3A_427 = arith.constant 12288 : i32
        %parallel_loop3A_428 = tpu.memref_slice %arg6[%parallel_loop3A_427] : memref<16384xf32, #tpu.memory_space<vmem>> -> memref<1024xf32, #tpu.memory_space<vmem>>
        %parallel_loop3A_429 = tpu.vector_load_idx %parallel_loop3A_428[%parallel_loop3A_231] : memref<1024xf32, #tpu.memory_space<vmem>>[vector<16xi32>], vector<16xf32>,
        %parallel_loop3A_430 = arith.constant 13312 : i32
        %parallel_loop3A_431 = tpu.memref_slice %arg6[%parallel_loop3A_430] : memref<16384xf32, #tpu.memory_space<vmem>> -> memref<1024xf32, #tpu.memory_space<vmem>>
        %parallel_loop3A_432 = tpu.vector_load_idx %parallel_loop3A_431[%parallel_loop3A_225] : memref<1024xf32, #tpu.memory_space<vmem>>[vector<16xi32>], vector<16xf32>,
        %parallel_loop3A_433 = arith.constant 13312 : i32
        %parallel_loop3A_434 = tpu.memref_slice %arg6[%parallel_loop3A_433] : memref<16384xf32, #tpu.memory_space<vmem>> -> memref<1024xf32, #tpu.memory_space<vmem>>
        %parallel_loop3A_435 = tpu.vector_load_idx %parallel_loop3A_434[%parallel_loop3A_231] : memref<1024xf32, #tpu.memory_space<vmem>>[vector<16xi32>], vector<16xf32>,
        %parallel_loop3A_436 = arith.constant 14336 : i32
        %parallel_loop3A_437 = tpu.memref_slice %arg6[%parallel_loop3A_436] : memref<16384xf32, #tpu.memory_space<vmem>> -> memref<1024xf32, #tpu.memory_space<vmem>>
        %parallel_loop3A_438 = tpu.vector_load_idx %parallel_loop3A_437[%parallel_loop3A_225] : memref<1024xf32, #tpu.memory_space<vmem>>[vector<16xi32>], vector<16xf32>,
        %parallel_loop3A_439 = arith.constant 14336 : i32
        %parallel_loop3A_440 = tpu.memref_slice %arg6[%parallel_loop3A_439] : memref<16384xf32, #tpu.memory_space<vmem>> -> memref<1024xf32, #tpu.memory_space<vmem>>
        %parallel_loop3A_441 = tpu.vector_load_idx %parallel_loop3A_440[%parallel_loop3A_231] : memref<1024xf32, #tpu.memory_space<vmem>>[vector<16xi32>], vector<16xf32>,
        %parallel_loop3A_442 = arith.constant 15360 : i32
        %parallel_loop3A_443 = tpu.memref_slice %arg6[%parallel_loop3A_442] : memref<16384xf32, #tpu.memory_space<vmem>> -> memref<1024xf32, #tpu.memory_space<vmem>>
        %parallel_loop3A_444 = tpu.vector_load_idx %parallel_loop3A_443[%parallel_loop3A_225] : memref<1024xf32, #tpu.memory_space<vmem>>[vector<16xi32>], vector<16xf32>,
        %parallel_loop3A_445 = arith.constant 15360 : i32
        %parallel_loop3A_446 = tpu.memref_slice %arg6[%parallel_loop3A_445] : memref<16384xf32, #tpu.memory_space<vmem>> -> memref<1024xf32, #tpu.memory_space<vmem>>
        %parallel_loop3A_447 = tpu.vector_load_idx %parallel_loop3A_446[%parallel_loop3A_231] : memref<1024xf32, #tpu.memory_space<vmem>>[vector<16xi32>], vector<16xf32>,
        %parallel_loop3A_448 = arith.mulf %parallel_loop3A_402, %parallel_loop3A_243 : vector<16xf32>
        %parallel_loop3A_449 = arith.addf %parallel_loop3A_448, %parallel_loop3A_237 : vector<16xf32>
        %parallel_loop3A_450 = arith.mulf %parallel_loop3A_402, %parallel_loop3A_255 : vector<16xf32>
        %parallel_loop3A_451 = arith.addf %parallel_loop3A_450, %parallel_loop3A_249 : vector<16xf32>
        %parallel_loop3A_452 = arith.mulf %parallel_loop3A_405, %parallel_loop3A_451 : vector<16xf32>
        %parallel_loop3A_453 = arith.addf %parallel_loop3A_452, %parallel_loop3A_449 : vector<16xf32>
        %parallel_loop3A_454 = arith.mulf %parallel_loop3A_408, %parallel_loop3A_243 : vector<16xf32>
        %parallel_loop3A_455 = arith.addf %parallel_loop3A_454, %parallel_loop3A_237 : vector<16xf32>
        %parallel_loop3A_456 = arith.mulf %parallel_loop3A_408, %parallel_loop3A_255 : vector<16xf32>
        %parallel_loop3A_457 = arith.addf %parallel_loop3A_456, %parallel_loop3A_249 : vector<16xf32>
        %parallel_loop3A_458 = arith.mulf %parallel_loop3A_411, %parallel_loop3A_457 : vector<16xf32>
        %parallel_loop3A_459 = arith.addf %parallel_loop3A_458, %parallel_loop3A_455 : vector<16xf32>
        %parallel_loop3A_460 = arith.mulf %parallel_loop3A_414, %parallel_loop3A_243 : vector<16xf32>
        %parallel_loop3A_461 = arith.addf %parallel_loop3A_460, %parallel_loop3A_237 : vector<16xf32>
        %parallel_loop3A_462 = arith.mulf %parallel_loop3A_414, %parallel_loop3A_255 : vector<16xf32>
        %parallel_loop3A_463 = arith.addf %parallel_loop3A_462, %parallel_loop3A_249 : vector<16xf32>
        %parallel_loop3A_464 = arith.mulf %parallel_loop3A_417, %parallel_loop3A_463 : vector<16xf32>
        %parallel_loop3A_465 = arith.addf %parallel_loop3A_464, %parallel_loop3A_461 : vector<16xf32>
        %parallel_loop3A_466 = arith.mulf %parallel_loop3A_420, %parallel_loop3A_243 : vector<16xf32>
        %parallel_loop3A_467 = arith.addf %parallel_loop3A_466, %parallel_loop3A_237 : vector<16xf32>
        %parallel_loop3A_468 = arith.mulf %parallel_loop3A_420, %parallel_loop3A_255 : vector<16xf32>
        %parallel_loop3A_469 = arith.addf %parallel_loop3A_468, %parallel_loop3A_249 : vector<16xf32>
        %parallel_loop3A_470 = arith.mulf %parallel_loop3A_423, %parallel_loop3A_469 : vector<16xf32>
        %parallel_loop3A_471 = arith.addf %parallel_loop3A_470, %parallel_loop3A_467 : vector<16xf32>
        %parallel_loop3A_472 = arith.mulf %parallel_loop3A_426, %parallel_loop3A_243 : vector<16xf32>
        %parallel_loop3A_473 = arith.addf %parallel_loop3A_472, %parallel_loop3A_237 : vector<16xf32>
        %parallel_loop3A_474 = arith.mulf %parallel_loop3A_426, %parallel_loop3A_255 : vector<16xf32>
        %parallel_loop3A_475 = arith.addf %parallel_loop3A_474, %parallel_loop3A_249 : vector<16xf32>
        %parallel_loop3A_476 = arith.mulf %parallel_loop3A_429, %parallel_loop3A_475 : vector<16xf32>
        %parallel_loop3A_477 = arith.addf %parallel_loop3A_476, %parallel_loop3A_473 : vector<16xf32>
        %parallel_loop3A_478 = arith.mulf %parallel_loop3A_432, %parallel_loop3A_243 : vector<16xf32>
        %parallel_loop3A_479 = arith.addf %parallel_loop3A_478, %parallel_loop3A_237 : vector<16xf32>
        %parallel_loop3A_480 = arith.mulf %parallel_loop3A_432, %parallel_loop3A_255 : vector<16xf32>
        %parallel_loop3A_481 = arith.addf %parallel_loop3A_480, %parallel_loop3A_249 : vector<16xf32>
        %parallel_loop3A_482 = arith.mulf %parallel_loop3A_435, %parallel_loop3A_481 : vector<16xf32>
        %parallel_loop3A_483 = arith.addf %parallel_loop3A_482, %parallel_loop3A_479 : vector<16xf32>
        %parallel_loop3A_484 = arith.mulf %parallel_loop3A_438, %parallel_loop3A_243 : vector<16xf32>
        %parallel_loop3A_485 = arith.addf %parallel_loop3A_484, %parallel_loop3A_237 : vector<16xf32>
        %parallel_loop3A_486 = arith.mulf %parallel_loop3A_438, %parallel_loop3A_255 : vector<16xf32>
        %parallel_loop3A_487 = arith.addf %parallel_loop3A_486, %parallel_loop3A_249 : vector<16xf32>
        %parallel_loop3A_488 = arith.mulf %parallel_loop3A_441, %parallel_loop3A_487 : vector<16xf32>
        %parallel_loop3A_489 = arith.addf %parallel_loop3A_488, %parallel_loop3A_485 : vector<16xf32>
        %parallel_loop3A_490 = arith.mulf %parallel_loop3A_444, %parallel_loop3A_243 : vector<16xf32>
        %parallel_loop3A_491 = arith.addf %parallel_loop3A_490, %parallel_loop3A_237 : vector<16xf32>
        %parallel_loop3A_492 = arith.mulf %parallel_loop3A_444, %parallel_loop3A_255 : vector<16xf32>
        %parallel_loop3A_493 = arith.addf %parallel_loop3A_492, %parallel_loop3A_249 : vector<16xf32>
        %parallel_loop3A_494 = arith.mulf %parallel_loop3A_447, %parallel_loop3A_493 : vector<16xf32>
        %parallel_loop3A_495 = arith.addf %parallel_loop3A_494, %parallel_loop3A_491 : vector<16xf32>
        %parallel_loop3A_496 = arith.constant 0 : i32
        %parallel_loop3A_497 = arith.constant 8 : i32
        %parallel_loop3A_498 = arith.index_cast %parallel_loop3A_496 : i32 to index
        %parallel_loop3A_499 = arith.index_cast %parallel_loop3A_497 : i32 to index
        %parallel_loop3A_500 = arith.index_cast %parallel_loop3A_219 : i32 to index
        %parallel_loop3A_501 = tpu.vector_load %arg9[%parallel_loop3A_498, %parallel_loop3A_499, %parallel_loop3A_500] {strides = array<i32>} : memref<2x16x1024xf32, #tpu.memory_space<vmem>>, vector<16xf32>,
        tpu.vector_store %arg9[%parallel_loop3A_498, %parallel_loop3A_499, %parallel_loop3A_500], %parallel_loop3A_453 {strides = array<i32>} : memref<2x16x1024xf32, #tpu.memory_space<vmem>>, vector<16xf32>,
        %parallel_loop3A_502 = arith.constant 0 : i32
        %parallel_loop3A_503 = arith.constant 9 : i32
        %parallel_loop3A_504 = arith.index_cast %parallel_loop3A_502 : i32 to index
        %parallel_loop3A_505 = arith.index_cast %parallel_loop3A_503 : i32 to index
        %parallel_loop3A_506 = arith.index_cast %parallel_loop3A_219 : i32 to index
        %parallel_loop3A_507 = tpu.vector_load %arg9[%parallel_loop3A_504, %parallel_loop3A_505, %parallel_loop3A_506] {strides = array<i32>} : memref<2x16x1024xf32, #tpu.memory_space<vmem>>, vector<16xf32>,
        tpu.vector_store %arg9[%parallel_loop3A_504, %parallel_loop3A_505, %parallel_loop3A_506], %parallel_loop3A_459 {strides = array<i32>} : memref<2x16x1024xf32, #tpu.memory_space<vmem>>, vector<16xf32>,
        %parallel_loop3A_508 = arith.constant 0 : i32
        %parallel_loop3A_509 = arith.constant 10 : i32
        %parallel_loop3A_510 = arith.index_cast %parallel_loop3A_508 : i32 to index
        %parallel_loop3A_511 = arith.index_cast %parallel_loop3A_509 : i32 to index
        %parallel_loop3A_512 = arith.index_cast %parallel_loop3A_219 : i32 to index
        %parallel_loop3A_513 = tpu.vector_load %arg9[%parallel_loop3A_510, %parallel_loop3A_511, %parallel_loop3A_512] {strides = array<i32>} : memref<2x16x1024xf32, #tpu.memory_space<vmem>>, vector<16xf32>,
        tpu.vector_store %arg9[%parallel_loop3A_510, %parallel_loop3A_511, %parallel_loop3A_512], %parallel_loop3A_465 {strides = array<i32>} : memref<2x16x1024xf32, #tpu.memory_space<vmem>>, vector<16xf32>,
        %parallel_loop3A_514 = arith.constant 0 : i32
        %parallel_loop3A_515 = arith.constant 11 : i32
        %parallel_loop3A_516 = arith.index_cast %parallel_loop3A_514 : i32 to index
        %parallel_loop3A_517 = arith.index_cast %parallel_loop3A_515 : i32 to index
        %parallel_loop3A_518 = arith.index_cast %parallel_loop3A_219 : i32 to index
        %parallel_loop3A_519 = tpu.vector_load %arg9[%parallel_loop3A_516, %parallel_loop3A_517, %parallel_loop3A_518] {strides = array<i32>} : memref<2x16x1024xf32, #tpu.memory_space<vmem>>, vector<16xf32>,
        tpu.vector_store %arg9[%parallel_loop3A_516, %parallel_loop3A_517, %parallel_loop3A_518], %parallel_loop3A_471 {strides = array<i32>} : memref<2x16x1024xf32, #tpu.memory_space<vmem>>, vector<16xf32>,
        %parallel_loop3A_520 = arith.constant 0 : i32
        %parallel_loop3A_521 = arith.constant 12 : i32
        %parallel_loop3A_522 = arith.index_cast %parallel_loop3A_520 : i32 to index
        %parallel_loop3A_523 = arith.index_cast %parallel_loop3A_521 : i32 to index
        %parallel_loop3A_524 = arith.index_cast %parallel_loop3A_219 : i32 to index
        %parallel_loop3A_525 = tpu.vector_load %arg9[%parallel_loop3A_522, %parallel_loop3A_523, %parallel_loop3A_524] {strides = array<i32>} : memref<2x16x1024xf32, #tpu.memory_space<vmem>>, vector<16xf32>,
        tpu.vector_store %arg9[%parallel_loop3A_522, %parallel_loop3A_523, %parallel_loop3A_524], %parallel_loop3A_477 {strides = array<i32>} : memref<2x16x1024xf32, #tpu.memory_space<vmem>>, vector<16xf32>,
        %parallel_loop3A_526 = arith.constant 0 : i32
        %parallel_loop3A_527 = arith.constant 13 : i32
        %parallel_loop3A_528 = arith.index_cast %parallel_loop3A_526 : i32 to index
        %parallel_loop3A_529 = arith.index_cast %parallel_loop3A_527 : i32 to index
        %parallel_loop3A_530 = arith.index_cast %parallel_loop3A_219 : i32 to index
        %parallel_loop3A_531 = tpu.vector_load %arg9[%parallel_loop3A_528, %parallel_loop3A_529, %parallel_loop3A_530] {strides = array<i32>} : memref<2x16x1024xf32, #tpu.memory_space<vmem>>, vector<16xf32>,
        tpu.vector_store %arg9[%parallel_loop3A_528, %parallel_loop3A_529, %parallel_loop3A_530], %parallel_loop3A_483 {strides = array<i32>} : memref<2x16x1024xf32, #tpu.memory_space<vmem>>, vector<16xf32>,
        %parallel_loop3A_532 = arith.constant 0 : i32
        %parallel_loop3A_533 = arith.constant 14 : i32
        %parallel_loop3A_534 = arith.index_cast %parallel_loop3A_532 : i32 to index
        %parallel_loop3A_535 = arith.index_cast %parallel_loop3A_533 : i32 to index
        %parallel_loop3A_536 = arith.index_cast %parallel_loop3A_219 : i32 to index
        %parallel_loop3A_537 = tpu.vector_load %arg9[%parallel_loop3A_534, %parallel_loop3A_535, %parallel_loop3A_536] {strides = array<i32>} : memref<2x16x1024xf32, #tpu.memory_space<vmem>>, vector<16xf32>,
        tpu.vector_store %arg9[%parallel_loop3A_534, %parallel_loop3A_535, %parallel_loop3A_536], %parallel_loop3A_489 {strides = array<i32>} : memref<2x16x1024xf32, #tpu.memory_space<vmem>>, vector<16xf32>,
        %parallel_loop3A_538 = arith.constant 0 : i32
        %parallel_loop3A_539 = arith.constant 15 : i32
        %parallel_loop3A_540 = arith.index_cast %parallel_loop3A_538 : i32 to index
        %parallel_loop3A_541 = arith.index_cast %parallel_loop3A_539 : i32 to index
        %parallel_loop3A_542 = arith.index_cast %parallel_loop3A_219 : i32 to index
        %parallel_loop3A_543 = tpu.vector_load %arg9[%parallel_loop3A_540, %parallel_loop3A_541, %parallel_loop3A_542] {strides = array<i32>} : memref<2x16x1024xf32, #tpu.memory_space<vmem>>, vector<16xf32>,
        tpu.vector_store %arg9[%parallel_loop3A_540, %parallel_loop3A_541, %parallel_loop3A_542], %parallel_loop3A_495 {strides = array<i32>} : memref<2x16x1024xf32, #tpu.memory_space<vmem>>, vector<16xf32>,
      } {sc.loop_unroll_factor = 2 : i64, sc.parallel_access}
      %mul3A_139 = arith.constant 1024 : i32
      %mul3A_140 = arith.muli %add3A_104, %mul3A_139 : i32
      %dma_start3A_141 = arith.constant 0 : i32
      %dma_start3A_142 = arith.constant 0 : i32
      %dma_start3A_143 = arith.constant 0 : i32
      %dma_start3A_144 = tpu.memref_slice %arg9[%dma_start3A_141, %dma_start3A_142, %dma_start3A_143] : memref<2x16x1024xf32, #tpu.memory_space<vmem>> -> memref<1x16x1024xf32, #tpu.memory_space<vmem>>
      %dma_start3A_145 = tpu.memref_squeeze %dma_start3A_144 : memref<1x16x1024xf32, #tpu.memory_space<vmem>> -> memref<16x1024xf32, #tpu.memory_space<vmem>>
      %dma_start3A_146 = tpu.memref_slice %arg5[%mul3A_2, %mul3A_140] : memref<1024x16384xf32, #tpu.memory_space<hbm>> -> memref<16x1024xf32, #tpu.memory_space<hbm>>
      %dma_start3A_147 = tpu.memref_slice %arg5[%mul3A_2, %mul3A_140] : memref<1024x16384xf32, #tpu.memory_space<hbm>> -> memref<16x1024xf32, #tpu.memory_space<hbm>>
      %dma_start3A_148 = arith.constant 0 : i32
      %dma_start3A_149 = arith.constant 0 : i32
      %dma_start3A_150 = tpu.memref_slice %arg9[%dma_start3A_141, %dma_start3A_148, %dma_start3A_149] : memref<2x16x1024xf32, #tpu.memory_space<vmem>> -> memref<1x16x1024xf32, #tpu.memory_space<vmem>>
      %dma_start3A_151 = tpu.memref_squeeze %dma_start3A_150 : memref<1x16x1024xf32, #tpu.memory_space<vmem>> -> memref<16x1024xf32, #tpu.memory_space<vmem>>
      tpu.enqueue_dma source(%dma_start3A_151 : memref<16x1024xf32, #tpu.memory_space<vmem>>) target(%dma_start3A_147 : memref<16x1024xf32, #tpu.memory_space<hbm>>) target_semaphore(%arg13 : memref<!tpu.dma_semaphore, #tpu.memory_space<semaphore_mem>>)
      %lt3A = arith.constant 7 : i32
      %lt3A_152 = arith.cmpi slt, %scan3A_99, %lt3A : i32
      %convert_element_type3A_153 = arith.extui %lt3A_152 : i1 to i32
      %cond3A_154 = arith.constant 0 : i32
      %cond3A_155 = arith.cmpi ne, %convert_element_type3A_153, %cond3A_154 : i32
      scf.if %cond3A_155 {
        %add3A_217 = arith.constant 2 : i32
        %add3A_218 = arith.addi %add3A_104, %add3A_217 : i32
        %mul3A_219 = arith.constant 1024 : i32
        %mul3A_220 = arith.muli %add3A_218, %mul3A_219 : i32
        %dma_start3A_221 = arith.constant 0 : i32
        %dma_start3A_222 = arith.constant 0 : i32
        %dma_start3A_223 = arith.constant 0 : i32
        %dma_start3A_224 = tpu.memref_slice %arg7[%dma_start3A_221, %dma_start3A_222, %dma_start3A_223] : memref<2x4x1024xf32, #tpu.memory_space<vmem>> -> memref<1x4x1024xf32, #tpu.memory_space<vmem>>
        %dma_start3A_225 = tpu.memref_squeeze %dma_start3A_224 : memref<1x4x1024xf32, #tpu.memory_space<vmem>> -> memref<4x1024xf32, #tpu.memory_space<vmem>>
        %dma_start3A_226 = arith.constant 0 : i32
        %dma_start3A_227 = tpu.memref_slice %arg3[%dma_start3A_226, %mul3A_220] : memref<4x16384xf32, #tpu.memory_space<hbm>> -> memref<4x1024xf32, #tpu.memory_space<hbm>>
        %dma_start3A_228 = arith.constant 0 : i32
        %dma_start3A_229 = arith.constant 0 : i32
        %dma_start3A_230 = tpu.memref_slice %arg7[%dma_start3A_221, %dma_start3A_228, %dma_start3A_229] : memref<2x4x1024xf32, #tpu.memory_space<vmem>> -> memref<1x4x1024xf32, #tpu.memory_space<vmem>>
        %dma_start3A_231 = tpu.memref_squeeze %dma_start3A_230 : memref<1x4x1024xf32, #tpu.memory_space<vmem>> -> memref<4x1024xf32, #tpu.memory_space<vmem>>
        %dma_start3A_232 = arith.constant 0 : i32
        %dma_start3A_233 = tpu.memref_slice %arg3[%dma_start3A_232, %mul3A_220] : memref<4x16384xf32, #tpu.memory_space<hbm>> -> memref<4x1024xf32, #tpu.memory_space<hbm>>
        tpu.enqueue_dma source(%dma_start3A_233 : memref<4x1024xf32, #tpu.memory_space<hbm>>) target(%dma_start3A_231 : memref<4x1024xf32, #tpu.memory_space<vmem>>) target_semaphore(%arg11 : memref<!tpu.dma_semaphore, #tpu.memory_space<semaphore_mem>>)
        %dma_start3A_234 = arith.constant 0 : i32
        %dma_start3A_235 = arith.constant 0 : i32
        %dma_start3A_236 = arith.constant 0 : i32
        %dma_start3A_237 = tpu.memref_slice %arg8[%dma_start3A_234, %dma_start3A_235, %dma_start3A_236] : memref<2x2x1024xi32, #tpu.memory_space<vmem>> -> memref<1x2x1024xi32, #tpu.memory_space<vmem>>
        %dma_start3A_238 = tpu.memref_squeeze %dma_start3A_237 : memref<1x2x1024xi32, #tpu.memory_space<vmem>> -> memref<2x1024xi32, #tpu.memory_space<vmem>>
        %dma_start3A_239 = arith.constant 0 : i32
        %dma_start3A_240 = tpu.memref_slice %arg4[%dma_start3A_239, %mul3A_220] : memref<2x16384xi32, #tpu.memory_space<hbm>> -> memref<2x1024xi32, #tpu.memory_space<hbm>>
        %dma_start3A_241 = arith.constant 0 : i32
        %dma_start3A_242 = arith.constant 0 : i32
        %dma_start3A_243 = tpu.memref_slice %arg8[%dma_start3A_234, %dma_start3A_241, %dma_start3A_242] : memref<2x2x1024xi32, #tpu.memory_space<vmem>> -> memref<1x2x1024xi32, #tpu.memory_space<vmem>>
        %dma_start3A_244 = tpu.memref_squeeze %dma_start3A_243 : memref<1x2x1024xi32, #tpu.memory_space<vmem>> -> memref<2x1024xi32, #tpu.memory_space<vmem>>
        %dma_start3A_245 = arith.constant 0 : i32
        %dma_start3A_246 = tpu.memref_slice %arg4[%dma_start3A_245, %mul3A_220] : memref<2x16384xi32, #tpu.memory_space<hbm>> -> memref<2x1024xi32, #tpu.memory_space<hbm>>
        tpu.enqueue_dma source(%dma_start3A_246 : memref<2x1024xi32, #tpu.memory_space<hbm>>) target(%dma_start3A_244 : memref<2x1024xi32, #tpu.memory_space<vmem>>) target_semaphore(%arg11 : memref<!tpu.dma_semaphore, #tpu.memory_space<semaphore_mem>>)
      } else {
      }
      %mul3A_156 = arith.constant 2 : i32
      %mul3A_157 = arith.muli %mul3A_156, %scan3A_99 : i32
      %add3A_158 = arith.constant 1 : i32
      %add3A_159 = arith.addi %mul3A_157, %add3A_158 : i32
      %dma_wait3A_160 = arith.constant 1 : i32
      %dma_wait3A_161 = arith.constant 0 : i32
      %dma_wait3A_162 = arith.constant 0 : i32
      %dma_wait3A_163 = tpu.memref_slice %arg7[%dma_wait3A_160, %dma_wait3A_161, %dma_wait3A_162] : memref<2x4x1024xf32, #tpu.memory_space<vmem>> -> memref<1x4x1024xf32, #tpu.memory_space<vmem>>
      %dma_wait3A_164 = tpu.memref_squeeze %dma_wait3A_163 : memref<1x4x1024xf32, #tpu.memory_space<vmem>> -> memref<4x1024xf32, #tpu.memory_space<vmem>>
      %dma_wait3A_165 = arith.constant 0 : i32
      %dma_wait3A_166 = arith.constant 0 : i32
      %dma_wait3A_167 = tpu.memref_slice %arg3[%dma_wait3A_165, %dma_wait3A_166] : memref<4x16384xf32, #tpu.memory_space<hbm>> -> memref<4x1024xf32, #tpu.memory_space<hbm>>
      %dma_wait3A_168 = arith.constant 0 : i32
      %dma_wait3A_169 = arith.constant 0 : i32
      %dma_wait3A_170 = tpu.memref_slice %arg7[%dma_wait3A_160, %dma_wait3A_168, %dma_wait3A_169] : memref<2x4x1024xf32, #tpu.memory_space<vmem>> -> memref<1x4x1024xf32, #tpu.memory_space<vmem>>
      %dma_wait3A_171 = tpu.memref_squeeze %dma_wait3A_170 : memref<1x4x1024xf32, #tpu.memory_space<vmem>> -> memref<4x1024xf32, #tpu.memory_space<vmem>>
      %dma_wait3A_172 = arith.constant 0 : i32
      %dma_wait3A_173 = arith.constant 0 : i32
      %dma_wait3A_174 = tpu.memref_slice %arg3[%dma_wait3A_172, %dma_wait3A_173] : memref<4x16384xf32, #tpu.memory_space<hbm>> -> memref<4x1024xf32, #tpu.memory_space<hbm>>
      tpu.wait_dma2 semaphore(%arg12 : memref<!tpu.dma_semaphore, #tpu.memory_space<semaphore_mem>>) src(%dma_wait3A_174 : memref<4x1024xf32, #tpu.memory_space<hbm>>) dst(%dma_wait3A_171 : memref<4x1024xf32, #tpu.memory_space<vmem>>)
      %dma_wait3A_175 = arith.constant 1 : i32
      %dma_wait3A_176 = arith.constant 0 : i32
      %dma_wait3A_177 = arith.constant 0 : i32
      %dma_wait3A_178 = tpu.memref_slice %arg8[%dma_wait3A_175, %dma_wait3A_176, %dma_wait3A_177] : memref<2x2x1024xi32, #tpu.memory_space<vmem>> -> memref<1x2x1024xi32, #tpu.memory_space<vmem>>
      %dma_wait3A_179 = tpu.memref_squeeze %dma_wait3A_178 : memref<1x2x1024xi32, #tpu.memory_space<vmem>> -> memref<2x1024xi32, #tpu.memory_space<vmem>>
      %dma_wait3A_180 = arith.constant 0 : i32
      %dma_wait3A_181 = arith.constant 0 : i32
      %dma_wait3A_182 = tpu.memref_slice %arg4[%dma_wait3A_180, %dma_wait3A_181] : memref<2x16384xi32, #tpu.memory_space<hbm>> -> memref<2x1024xi32, #tpu.memory_space<hbm>>
      %dma_wait3A_183 = arith.constant 0 : i32
      %dma_wait3A_184 = arith.constant 0 : i32
      %dma_wait3A_185 = tpu.memref_slice %arg8[%dma_wait3A_175, %dma_wait3A_183, %dma_wait3A_184] : memref<2x2x1024xi32, #tpu.memory_space<vmem>> -> memref<1x2x1024xi32, #tpu.memory_space<vmem>>
      %dma_wait3A_186 = tpu.memref_squeeze %dma_wait3A_185 : memref<1x2x1024xi32, #tpu.memory_space<vmem>> -> memref<2x1024xi32, #tpu.memory_space<vmem>>
      %dma_wait3A_187 = arith.constant 0 : i32
      %dma_wait3A_188 = arith.constant 0 : i32
      %dma_wait3A_189 = tpu.memref_slice %arg4[%dma_wait3A_187, %dma_wait3A_188] : memref<2x16384xi32, #tpu.memory_space<hbm>> -> memref<2x1024xi32, #tpu.memory_space<hbm>>
      tpu.wait_dma2 semaphore(%arg12 : memref<!tpu.dma_semaphore, #tpu.memory_space<semaphore_mem>>) src(%dma_wait3A_189 : memref<2x1024xi32, #tpu.memory_space<hbm>>) dst(%dma_wait3A_186 : memref<2x1024xi32, #tpu.memory_space<vmem>>)
      %gt3A_190 = arith.constant 0 : i32
      %gt3A_191 = arith.cmpi sgt, %scan3A_99, %gt3A_190 : i32
      %convert_element_type3A_192 = arith.extui %gt3A_191 : i1 to i32
      %cond3A_193 = arith.constant 0 : i32
      %cond3A_194 = arith.cmpi ne, %convert_element_type3A_192, %cond3A_193 : i32
      scf.if %cond3A_194 {
        %dma_wait3A_217 = arith.constant 1 : i32
        %dma_wait3A_218 = arith.constant 0 : i32
        %dma_wait3A_219 = arith.constant 0 : i32
        %dma_wait3A_220 = tpu.memref_slice %arg9[%dma_wait3A_217, %dma_wait3A_218, %dma_wait3A_219] : memref<2x16x1024xf32, #tpu.memory_space<vmem>> -> memref<1x16x1024xf32, #tpu.memory_space<vmem>>
        %dma_wait3A_221 = tpu.memref_squeeze %dma_wait3A_220 : memref<1x16x1024xf32, #tpu.memory_space<vmem>> -> memref<16x1024xf32, #tpu.memory_space<vmem>>
        %dma_wait3A_222 = arith.constant 0 : i32
        %dma_wait3A_223 = tpu.memref_slice %arg5[%mul3A_2, %dma_wait3A_222] : memref<1024x16384xf32, #tpu.memory_space<hbm>> -> memref<16x1024xf32, #tpu.memory_space<hbm>>
        %dma_wait3A_224 = arith.constant 0 : i32
        %dma_wait3A_225 = tpu.memref_slice %arg5[%mul3A_2, %dma_wait3A_224] : memref<1024x16384xf32, #tpu.memory_space<hbm>> -> memref<16x1024xf32, #tpu.memory_space<hbm>>
        %dma_wait3A_226 = arith.constant 0 : i32
        %dma_wait3A_227 = arith.constant 0 : i32
        %dma_wait3A_228 = tpu.memref_slice %arg9[%dma_wait3A_217, %dma_wait3A_226, %dma_wait3A_227] : memref<2x16x1024xf32, #tpu.memory_space<vmem>> -> memref<1x16x1024xf32, #tpu.memory_space<vmem>>
        %dma_wait3A_229 = tpu.memref_squeeze %dma_wait3A_228 : memref<1x16x1024xf32, #tpu.memory_space<vmem>> -> memref<16x1024xf32, #tpu.memory_space<vmem>>
        tpu.wait_dma2 semaphore(%arg14 : memref<!tpu.dma_semaphore, #tpu.memory_space<semaphore_mem>>) src(%dma_wait3A_229 : memref<16x1024xf32, #tpu.memory_space<vmem>>) dst(%dma_wait3A_225 : memref<16x1024xf32, #tpu.memory_space<hbm>>)
      } else {
      }
      %parallel_loop3A_195 = arith.constant 0 : i32
      %parallel_loop3A_196 = arith.constant 64 : i32
      %parallel_loop3A_197 = arith.constant 1 : i32
      scf.for %parallel_loop3A_217 = %parallel_loop3A_195 to %parallel_loop3A_196 step %parallel_loop3A_197  : i32 {
        %parallel_loop3A_218 = arith.constant 16 : i32
        %parallel_loop3A_219 = arith.muli %parallel_loop3A_217, %parallel_loop3A_218 : i32
        %parallel_loop3A_220 = arith.constant 1 : i32
        %parallel_loop3A_221 = arith.constant 0 : i32
        %parallel_loop3A_222 = arith.index_cast %parallel_loop3A_220 : i32 to index
        %parallel_loop3A_223 = arith.index_cast %parallel_loop3A_221 : i32 to index
        %parallel_loop3A_224 = arith.index_cast %parallel_loop3A_219 : i32 to index
        %parallel_loop3A_225 = tpu.vector_load %arg8[%parallel_loop3A_222, %parallel_loop3A_223, %parallel_loop3A_224] {strides = array<i32>} : memref<2x2x1024xi32, #tpu.memory_space<vmem>>, vector<16xi32>,
        %parallel_loop3A_226 = arith.constant 1 : i32
        %parallel_loop3A_227 = arith.constant 1 : i32
        %parallel_loop3A_228 = arith.index_cast %parallel_loop3A_226 : i32 to index
        %parallel_loop3A_229 = arith.index_cast %parallel_loop3A_227 : i32 to index
        %parallel_loop3A_230 = arith.index_cast %parallel_loop3A_219 : i32 to index
        %parallel_loop3A_231 = tpu.vector_load %arg8[%parallel_loop3A_228, %parallel_loop3A_229, %parallel_loop3A_230] {strides = array<i32>} : memref<2x2x1024xi32, #tpu.memory_space<vmem>>, vector<16xi32>,
        %parallel_loop3A_232 = arith.constant 1 : i32
        %parallel_loop3A_233 = arith.constant 0 : i32
        %parallel_loop3A_234 = arith.index_cast %parallel_loop3A_232 : i32 to index
        %parallel_loop3A_235 = arith.index_cast %parallel_loop3A_233 : i32 to index
        %parallel_loop3A_236 = arith.index_cast %parallel_loop3A_219 : i32 to index
        %parallel_loop3A_237 = tpu.vector_load %arg7[%parallel_loop3A_234, %parallel_loop3A_235, %parallel_loop3A_236] {strides = array<i32>} : memref<2x4x1024xf32, #tpu.memory_space<vmem>>, vector<16xf32>,
        %parallel_loop3A_238 = arith.constant 1 : i32
        %parallel_loop3A_239 = arith.constant 1 : i32
        %parallel_loop3A_240 = arith.index_cast %parallel_loop3A_238 : i32 to index
        %parallel_loop3A_241 = arith.index_cast %parallel_loop3A_239 : i32 to index
        %parallel_loop3A_242 = arith.index_cast %parallel_loop3A_219 : i32 to index
        %parallel_loop3A_243 = tpu.vector_load %arg7[%parallel_loop3A_240, %parallel_loop3A_241, %parallel_loop3A_242] {strides = array<i32>} : memref<2x4x1024xf32, #tpu.memory_space<vmem>>, vector<16xf32>,
        %parallel_loop3A_244 = arith.constant 1 : i32
        %parallel_loop3A_245 = arith.constant 2 : i32
        %parallel_loop3A_246 = arith.index_cast %parallel_loop3A_244 : i32 to index
        %parallel_loop3A_247 = arith.index_cast %parallel_loop3A_245 : i32 to index
        %parallel_loop3A_248 = arith.index_cast %parallel_loop3A_219 : i32 to index
        %parallel_loop3A_249 = tpu.vector_load %arg7[%parallel_loop3A_246, %parallel_loop3A_247, %parallel_loop3A_248] {strides = array<i32>} : memref<2x4x1024xf32, #tpu.memory_space<vmem>>, vector<16xf32>,
        %parallel_loop3A_250 = arith.constant 1 : i32
        %parallel_loop3A_251 = arith.constant 3 : i32
        %parallel_loop3A_252 = arith.index_cast %parallel_loop3A_250 : i32 to index
        %parallel_loop3A_253 = arith.index_cast %parallel_loop3A_251 : i32 to index
        %parallel_loop3A_254 = arith.index_cast %parallel_loop3A_219 : i32 to index
        %parallel_loop3A_255 = tpu.vector_load %arg7[%parallel_loop3A_252, %parallel_loop3A_253, %parallel_loop3A_254] {strides = array<i32>} : memref<2x4x1024xf32, #tpu.memory_space<vmem>>, vector<16xf32>,
        %parallel_loop3A_256 = arith.constant 0 : i32
        %parallel_loop3A_257 = tpu.memref_slice %arg6[%parallel_loop3A_256] : memref<16384xf32, #tpu.memory_space<vmem>> -> memref<1024xf32, #tpu.memory_space<vmem>>
        %parallel_loop3A_258 = tpu.vector_load_idx %parallel_loop3A_257[%parallel_loop3A_225] : memref<1024xf32, #tpu.memory_space<vmem>>[vector<16xi32>], vector<16xf32>,
        %parallel_loop3A_259 = arith.constant 0 : i32
        %parallel_loop3A_260 = tpu.memref_slice %arg6[%parallel_loop3A_259] : memref<16384xf32, #tpu.memory_space<vmem>> -> memref<1024xf32, #tpu.memory_space<vmem>>
        %parallel_loop3A_261 = tpu.vector_load_idx %parallel_loop3A_260[%parallel_loop3A_231] : memref<1024xf32, #tpu.memory_space<vmem>>[vector<16xi32>], vector<16xf32>,
        %parallel_loop3A_262 = arith.constant 1024 : i32
        %parallel_loop3A_263 = tpu.memref_slice %arg6[%parallel_loop3A_262] : memref<16384xf32, #tpu.memory_space<vmem>> -> memref<1024xf32, #tpu.memory_space<vmem>>
        %parallel_loop3A_264 = tpu.vector_load_idx %parallel_loop3A_263[%parallel_loop3A_225] : memref<1024xf32, #tpu.memory_space<vmem>>[vector<16xi32>], vector<16xf32>,
        %parallel_loop3A_265 = arith.constant 1024 : i32
        %parallel_loop3A_266 = tpu.memref_slice %arg6[%parallel_loop3A_265] : memref<16384xf32, #tpu.memory_space<vmem>> -> memref<1024xf32, #tpu.memory_space<vmem>>
        %parallel_loop3A_267 = tpu.vector_load_idx %parallel_loop3A_266[%parallel_loop3A_231] : memref<1024xf32, #tpu.memory_space<vmem>>[vector<16xi32>], vector<16xf32>,
        %parallel_loop3A_268 = arith.constant 2048 : i32
        %parallel_loop3A_269 = tpu.memref_slice %arg6[%parallel_loop3A_268] : memref<16384xf32, #tpu.memory_space<vmem>> -> memref<1024xf32, #tpu.memory_space<vmem>>
        %parallel_loop3A_270 = tpu.vector_load_idx %parallel_loop3A_269[%parallel_loop3A_225] : memref<1024xf32, #tpu.memory_space<vmem>>[vector<16xi32>], vector<16xf32>,
        %parallel_loop3A_271 = arith.constant 2048 : i32
        %parallel_loop3A_272 = tpu.memref_slice %arg6[%parallel_loop3A_271] : memref<16384xf32, #tpu.memory_space<vmem>> -> memref<1024xf32, #tpu.memory_space<vmem>>
        %parallel_loop3A_273 = tpu.vector_load_idx %parallel_loop3A_272[%parallel_loop3A_231] : memref<1024xf32, #tpu.memory_space<vmem>>[vector<16xi32>], vector<16xf32>,
        %parallel_loop3A_274 = arith.constant 3072 : i32
        %parallel_loop3A_275 = tpu.memref_slice %arg6[%parallel_loop3A_274] : memref<16384xf32, #tpu.memory_space<vmem>> -> memref<1024xf32, #tpu.memory_space<vmem>>
        %parallel_loop3A_276 = tpu.vector_load_idx %parallel_loop3A_275[%parallel_loop3A_225] : memref<1024xf32, #tpu.memory_space<vmem>>[vector<16xi32>], vector<16xf32>,
        %parallel_loop3A_277 = arith.constant 3072 : i32
        %parallel_loop3A_278 = tpu.memref_slice %arg6[%parallel_loop3A_277] : memref<16384xf32, #tpu.memory_space<vmem>> -> memref<1024xf32, #tpu.memory_space<vmem>>
        %parallel_loop3A_279 = tpu.vector_load_idx %parallel_loop3A_278[%parallel_loop3A_231] : memref<1024xf32, #tpu.memory_space<vmem>>[vector<16xi32>], vector<16xf32>,
        %parallel_loop3A_280 = arith.constant 4096 : i32
        %parallel_loop3A_281 = tpu.memref_slice %arg6[%parallel_loop3A_280] : memref<16384xf32, #tpu.memory_space<vmem>> -> memref<1024xf32, #tpu.memory_space<vmem>>
        %parallel_loop3A_282 = tpu.vector_load_idx %parallel_loop3A_281[%parallel_loop3A_225] : memref<1024xf32, #tpu.memory_space<vmem>>[vector<16xi32>], vector<16xf32>,
        %parallel_loop3A_283 = arith.constant 4096 : i32
        %parallel_loop3A_284 = tpu.memref_slice %arg6[%parallel_loop3A_283] : memref<16384xf32, #tpu.memory_space<vmem>> -> memref<1024xf32, #tpu.memory_space<vmem>>
        %parallel_loop3A_285 = tpu.vector_load_idx %parallel_loop3A_284[%parallel_loop3A_231] : memref<1024xf32, #tpu.memory_space<vmem>>[vector<16xi32>], vector<16xf32>,
        %parallel_loop3A_286 = arith.constant 5120 : i32
        %parallel_loop3A_287 = tpu.memref_slice %arg6[%parallel_loop3A_286] : memref<16384xf32, #tpu.memory_space<vmem>> -> memref<1024xf32, #tpu.memory_space<vmem>>
        %parallel_loop3A_288 = tpu.vector_load_idx %parallel_loop3A_287[%parallel_loop3A_225] : memref<1024xf32, #tpu.memory_space<vmem>>[vector<16xi32>], vector<16xf32>,
        %parallel_loop3A_289 = arith.constant 5120 : i32
        %parallel_loop3A_290 = tpu.memref_slice %arg6[%parallel_loop3A_289] : memref<16384xf32, #tpu.memory_space<vmem>> -> memref<1024xf32, #tpu.memory_space<vmem>>
        %parallel_loop3A_291 = tpu.vector_load_idx %parallel_loop3A_290[%parallel_loop3A_231] : memref<1024xf32, #tpu.memory_space<vmem>>[vector<16xi32>], vector<16xf32>,
        %parallel_loop3A_292 = arith.constant 6144 : i32
        %parallel_loop3A_293 = tpu.memref_slice %arg6[%parallel_loop3A_292] : memref<16384xf32, #tpu.memory_space<vmem>> -> memref<1024xf32, #tpu.memory_space<vmem>>
        %parallel_loop3A_294 = tpu.vector_load_idx %parallel_loop3A_293[%parallel_loop3A_225] : memref<1024xf32, #tpu.memory_space<vmem>>[vector<16xi32>], vector<16xf32>,
        %parallel_loop3A_295 = arith.constant 6144 : i32
        %parallel_loop3A_296 = tpu.memref_slice %arg6[%parallel_loop3A_295] : memref<16384xf32, #tpu.memory_space<vmem>> -> memref<1024xf32, #tpu.memory_space<vmem>>
        %parallel_loop3A_297 = tpu.vector_load_idx %parallel_loop3A_296[%parallel_loop3A_231] : memref<1024xf32, #tpu.memory_space<vmem>>[vector<16xi32>], vector<16xf32>,
        %parallel_loop3A_298 = arith.constant 7168 : i32
        %parallel_loop3A_299 = tpu.memref_slice %arg6[%parallel_loop3A_298] : memref<16384xf32, #tpu.memory_space<vmem>> -> memref<1024xf32, #tpu.memory_space<vmem>>
        %parallel_loop3A_300 = tpu.vector_load_idx %parallel_loop3A_299[%parallel_loop3A_225] : memref<1024xf32, #tpu.memory_space<vmem>>[vector<16xi32>], vector<16xf32>,
        %parallel_loop3A_301 = arith.constant 7168 : i32
        %parallel_loop3A_302 = tpu.memref_slice %arg6[%parallel_loop3A_301] : memref<16384xf32, #tpu.memory_space<vmem>> -> memref<1024xf32, #tpu.memory_space<vmem>>
        %parallel_loop3A_303 = tpu.vector_load_idx %parallel_loop3A_302[%parallel_loop3A_231] : memref<1024xf32, #tpu.memory_space<vmem>>[vector<16xi32>], vector<16xf32>,
        %parallel_loop3A_304 = arith.mulf %parallel_loop3A_258, %parallel_loop3A_243 : vector<16xf32>
        %parallel_loop3A_305 = arith.addf %parallel_loop3A_304, %parallel_loop3A_237 : vector<16xf32>
        %parallel_loop3A_306 = arith.mulf %parallel_loop3A_258, %parallel_loop3A_255 : vector<16xf32>
        %parallel_loop3A_307 = arith.addf %parallel_loop3A_306, %parallel_loop3A_249 : vector<16xf32>
        %parallel_loop3A_308 = arith.mulf %parallel_loop3A_261, %parallel_loop3A_307 : vector<16xf32>
        %parallel_loop3A_309 = arith.addf %parallel_loop3A_308, %parallel_loop3A_305 : vector<16xf32>
        %parallel_loop3A_310 = arith.mulf %parallel_loop3A_264, %parallel_loop3A_243 : vector<16xf32>
        %parallel_loop3A_311 = arith.addf %parallel_loop3A_310, %parallel_loop3A_237 : vector<16xf32>
        %parallel_loop3A_312 = arith.mulf %parallel_loop3A_264, %parallel_loop3A_255 : vector<16xf32>
        %parallel_loop3A_313 = arith.addf %parallel_loop3A_312, %parallel_loop3A_249 : vector<16xf32>
        %parallel_loop3A_314 = arith.mulf %parallel_loop3A_267, %parallel_loop3A_313 : vector<16xf32>
        %parallel_loop3A_315 = arith.addf %parallel_loop3A_314, %parallel_loop3A_311 : vector<16xf32>
        %parallel_loop3A_316 = arith.mulf %parallel_loop3A_270, %parallel_loop3A_243 : vector<16xf32>
        %parallel_loop3A_317 = arith.addf %parallel_loop3A_316, %parallel_loop3A_237 : vector<16xf32>
        %parallel_loop3A_318 = arith.mulf %parallel_loop3A_270, %parallel_loop3A_255 : vector<16xf32>
        %parallel_loop3A_319 = arith.addf %parallel_loop3A_318, %parallel_loop3A_249 : vector<16xf32>
        %parallel_loop3A_320 = arith.mulf %parallel_loop3A_273, %parallel_loop3A_319 : vector<16xf32>
        %parallel_loop3A_321 = arith.addf %parallel_loop3A_320, %parallel_loop3A_317 : vector<16xf32>
        %parallel_loop3A_322 = arith.mulf %parallel_loop3A_276, %parallel_loop3A_243 : vector<16xf32>
        %parallel_loop3A_323 = arith.addf %parallel_loop3A_322, %parallel_loop3A_237 : vector<16xf32>
        %parallel_loop3A_324 = arith.mulf %parallel_loop3A_276, %parallel_loop3A_255 : vector<16xf32>
        %parallel_loop3A_325 = arith.addf %parallel_loop3A_324, %parallel_loop3A_249 : vector<16xf32>
        %parallel_loop3A_326 = arith.mulf %parallel_loop3A_279, %parallel_loop3A_325 : vector<16xf32>
        %parallel_loop3A_327 = arith.addf %parallel_loop3A_326, %parallel_loop3A_323 : vector<16xf32>
        %parallel_loop3A_328 = arith.mulf %parallel_loop3A_282, %parallel_loop3A_243 : vector<16xf32>
        %parallel_loop3A_329 = arith.addf %parallel_loop3A_328, %parallel_loop3A_237 : vector<16xf32>
        %parallel_loop3A_330 = arith.mulf %parallel_loop3A_282, %parallel_loop3A_255 : vector<16xf32>
        %parallel_loop3A_331 = arith.addf %parallel_loop3A_330, %parallel_loop3A_249 : vector<16xf32>
        %parallel_loop3A_332 = arith.mulf %parallel_loop3A_285, %parallel_loop3A_331 : vector<16xf32>
        %parallel_loop3A_333 = arith.addf %parallel_loop3A_332, %parallel_loop3A_329 : vector<16xf32>
        %parallel_loop3A_334 = arith.mulf %parallel_loop3A_288, %parallel_loop3A_243 : vector<16xf32>
        %parallel_loop3A_335 = arith.addf %parallel_loop3A_334, %parallel_loop3A_237 : vector<16xf32>
        %parallel_loop3A_336 = arith.mulf %parallel_loop3A_288, %parallel_loop3A_255 : vector<16xf32>
        %parallel_loop3A_337 = arith.addf %parallel_loop3A_336, %parallel_loop3A_249 : vector<16xf32>
        %parallel_loop3A_338 = arith.mulf %parallel_loop3A_291, %parallel_loop3A_337 : vector<16xf32>
        %parallel_loop3A_339 = arith.addf %parallel_loop3A_338, %parallel_loop3A_335 : vector<16xf32>
        %parallel_loop3A_340 = arith.mulf %parallel_loop3A_294, %parallel_loop3A_243 : vector<16xf32>
        %parallel_loop3A_341 = arith.addf %parallel_loop3A_340, %parallel_loop3A_237 : vector<16xf32>
        %parallel_loop3A_342 = arith.mulf %parallel_loop3A_294, %parallel_loop3A_255 : vector<16xf32>
        %parallel_loop3A_343 = arith.addf %parallel_loop3A_342, %parallel_loop3A_249 : vector<16xf32>
        %parallel_loop3A_344 = arith.mulf %parallel_loop3A_297, %parallel_loop3A_343 : vector<16xf32>
        %parallel_loop3A_345 = arith.addf %parallel_loop3A_344, %parallel_loop3A_341 : vector<16xf32>
        %parallel_loop3A_346 = arith.mulf %parallel_loop3A_300, %parallel_loop3A_243 : vector<16xf32>
        %parallel_loop3A_347 = arith.addf %parallel_loop3A_346, %parallel_loop3A_237 : vector<16xf32>
        %parallel_loop3A_348 = arith.mulf %parallel_loop3A_300, %parallel_loop3A_255 : vector<16xf32>
        %parallel_loop3A_349 = arith.addf %parallel_loop3A_348, %parallel_loop3A_249 : vector<16xf32>
        %parallel_loop3A_350 = arith.mulf %parallel_loop3A_303, %parallel_loop3A_349 : vector<16xf32>
        %parallel_loop3A_351 = arith.addf %parallel_loop3A_350, %parallel_loop3A_347 : vector<16xf32>
        %parallel_loop3A_352 = arith.constant 1 : i32
        %parallel_loop3A_353 = arith.constant 0 : i32
        %parallel_loop3A_354 = arith.index_cast %parallel_loop3A_352 : i32 to index
        %parallel_loop3A_355 = arith.index_cast %parallel_loop3A_353 : i32 to index
        %parallel_loop3A_356 = arith.index_cast %parallel_loop3A_219 : i32 to index
        %parallel_loop3A_357 = tpu.vector_load %arg9[%parallel_loop3A_354, %parallel_loop3A_355, %parallel_loop3A_356] {strides = array<i32>} : memref<2x16x1024xf32, #tpu.memory_space<vmem>>, vector<16xf32>,
        tpu.vector_store %arg9[%parallel_loop3A_354, %parallel_loop3A_355, %parallel_loop3A_356], %parallel_loop3A_309 {strides = array<i32>} : memref<2x16x1024xf32, #tpu.memory_space<vmem>>, vector<16xf32>,
        %parallel_loop3A_358 = arith.constant 1 : i32
        %parallel_loop3A_359 = arith.constant 1 : i32
        %parallel_loop3A_360 = arith.index_cast %parallel_loop3A_358 : i32 to index
        %parallel_loop3A_361 = arith.index_cast %parallel_loop3A_359 : i32 to index
        %parallel_loop3A_362 = arith.index_cast %parallel_loop3A_219 : i32 to index
        %parallel_loop3A_363 = tpu.vector_load %arg9[%parallel_loop3A_360, %parallel_loop3A_361, %parallel_loop3A_362] {strides = array<i32>} : memref<2x16x1024xf32, #tpu.memory_space<vmem>>, vector<16xf32>,
        tpu.vector_store %arg9[%parallel_loop3A_360, %parallel_loop3A_361, %parallel_loop3A_362], %parallel_loop3A_315 {strides = array<i32>} : memref<2x16x1024xf32, #tpu.memory_space<vmem>>, vector<16xf32>,
        %parallel_loop3A_364 = arith.constant 1 : i32
        %parallel_loop3A_365 = arith.constant 2 : i32
        %parallel_loop3A_366 = arith.index_cast %parallel_loop3A_364 : i32 to index
        %parallel_loop3A_367 = arith.index_cast %parallel_loop3A_365 : i32 to index
        %parallel_loop3A_368 = arith.index_cast %parallel_loop3A_219 : i32 to index
        %parallel_loop3A_369 = tpu.vector_load %arg9[%parallel_loop3A_366, %parallel_loop3A_367, %parallel_loop3A_368] {strides = array<i32>} : memref<2x16x1024xf32, #tpu.memory_space<vmem>>, vector<16xf32>,
        tpu.vector_store %arg9[%parallel_loop3A_366, %parallel_loop3A_367, %parallel_loop3A_368], %parallel_loop3A_321 {strides = array<i32>} : memref<2x16x1024xf32, #tpu.memory_space<vmem>>, vector<16xf32>,
        %parallel_loop3A_370 = arith.constant 1 : i32
        %parallel_loop3A_371 = arith.constant 3 : i32
        %parallel_loop3A_372 = arith.index_cast %parallel_loop3A_370 : i32 to index
        %parallel_loop3A_373 = arith.index_cast %parallel_loop3A_371 : i32 to index
        %parallel_loop3A_374 = arith.index_cast %parallel_loop3A_219 : i32 to index
        %parallel_loop3A_375 = tpu.vector_load %arg9[%parallel_loop3A_372, %parallel_loop3A_373, %parallel_loop3A_374] {strides = array<i32>} : memref<2x16x1024xf32, #tpu.memory_space<vmem>>, vector<16xf32>,
        tpu.vector_store %arg9[%parallel_loop3A_372, %parallel_loop3A_373, %parallel_loop3A_374], %parallel_loop3A_327 {strides = array<i32>} : memref<2x16x1024xf32, #tpu.memory_space<vmem>>, vector<16xf32>,
        %parallel_loop3A_376 = arith.constant 1 : i32
        %parallel_loop3A_377 = arith.constant 4 : i32
        %parallel_loop3A_378 = arith.index_cast %parallel_loop3A_376 : i32 to index
        %parallel_loop3A_379 = arith.index_cast %parallel_loop3A_377 : i32 to index
        %parallel_loop3A_380 = arith.index_cast %parallel_loop3A_219 : i32 to index
        %parallel_loop3A_381 = tpu.vector_load %arg9[%parallel_loop3A_378, %parallel_loop3A_379, %parallel_loop3A_380] {strides = array<i32>} : memref<2x16x1024xf32, #tpu.memory_space<vmem>>, vector<16xf32>,
        tpu.vector_store %arg9[%parallel_loop3A_378, %parallel_loop3A_379, %parallel_loop3A_380], %parallel_loop3A_333 {strides = array<i32>} : memref<2x16x1024xf32, #tpu.memory_space<vmem>>, vector<16xf32>,
        %parallel_loop3A_382 = arith.constant 1 : i32
        %parallel_loop3A_383 = arith.constant 5 : i32
        %parallel_loop3A_384 = arith.index_cast %parallel_loop3A_382 : i32 to index
        %parallel_loop3A_385 = arith.index_cast %parallel_loop3A_383 : i32 to index
        %parallel_loop3A_386 = arith.index_cast %parallel_loop3A_219 : i32 to index
        %parallel_loop3A_387 = tpu.vector_load %arg9[%parallel_loop3A_384, %parallel_loop3A_385, %parallel_loop3A_386] {strides = array<i32>} : memref<2x16x1024xf32, #tpu.memory_space<vmem>>, vector<16xf32>,
        tpu.vector_store %arg9[%parallel_loop3A_384, %parallel_loop3A_385, %parallel_loop3A_386], %parallel_loop3A_339 {strides = array<i32>} : memref<2x16x1024xf32, #tpu.memory_space<vmem>>, vector<16xf32>,
        %parallel_loop3A_388 = arith.constant 1 : i32
        %parallel_loop3A_389 = arith.constant 6 : i32
        %parallel_loop3A_390 = arith.index_cast %parallel_loop3A_388 : i32 to index
        %parallel_loop3A_391 = arith.index_cast %parallel_loop3A_389 : i32 to index
        %parallel_loop3A_392 = arith.index_cast %parallel_loop3A_219 : i32 to index
        %parallel_loop3A_393 = tpu.vector_load %arg9[%parallel_loop3A_390, %parallel_loop3A_391, %parallel_loop3A_392] {strides = array<i32>} : memref<2x16x1024xf32, #tpu.memory_space<vmem>>, vector<16xf32>,
        tpu.vector_store %arg9[%parallel_loop3A_390, %parallel_loop3A_391, %parallel_loop3A_392], %parallel_loop3A_345 {strides = array<i32>} : memref<2x16x1024xf32, #tpu.memory_space<vmem>>, vector<16xf32>,
        %parallel_loop3A_394 = arith.constant 1 : i32
        %parallel_loop3A_395 = arith.constant 7 : i32
        %parallel_loop3A_396 = arith.index_cast %parallel_loop3A_394 : i32 to index
        %parallel_loop3A_397 = arith.index_cast %parallel_loop3A_395 : i32 to index
        %parallel_loop3A_398 = arith.index_cast %parallel_loop3A_219 : i32 to index
        %parallel_loop3A_399 = tpu.vector_load %arg9[%parallel_loop3A_396, %parallel_loop3A_397, %parallel_loop3A_398] {strides = array<i32>} : memref<2x16x1024xf32, #tpu.memory_space<vmem>>, vector<16xf32>,
        tpu.vector_store %arg9[%parallel_loop3A_396, %parallel_loop3A_397, %parallel_loop3A_398], %parallel_loop3A_351 {strides = array<i32>} : memref<2x16x1024xf32, #tpu.memory_space<vmem>>, vector<16xf32>,
        %parallel_loop3A_400 = arith.constant 8192 : i32
        %parallel_loop3A_401 = tpu.memref_slice %arg6[%parallel_loop3A_400] : memref<16384xf32, #tpu.memory_space<vmem>> -> memref<1024xf32, #tpu.memory_space<vmem>>
        %parallel_loop3A_402 = tpu.vector_load_idx %parallel_loop3A_401[%parallel_loop3A_225] : memref<1024xf32, #tpu.memory_space<vmem>>[vector<16xi32>], vector<16xf32>,
        %parallel_loop3A_403 = arith.constant 8192 : i32
        %parallel_loop3A_404 = tpu.memref_slice %arg6[%parallel_loop3A_403] : memref<16384xf32, #tpu.memory_space<vmem>> -> memref<1024xf32, #tpu.memory_space<vmem>>
        %parallel_loop3A_405 = tpu.vector_load_idx %parallel_loop3A_404[%parallel_loop3A_231] : memref<1024xf32, #tpu.memory_space<vmem>>[vector<16xi32>], vector<16xf32>,
        %parallel_loop3A_406 = arith.constant 9216 : i32
        %parallel_loop3A_407 = tpu.memref_slice %arg6[%parallel_loop3A_406] : memref<16384xf32, #tpu.memory_space<vmem>> -> memref<1024xf32, #tpu.memory_space<vmem>>
        %parallel_loop3A_408 = tpu.vector_load_idx %parallel_loop3A_407[%parallel_loop3A_225] : memref<1024xf32, #tpu.memory_space<vmem>>[vector<16xi32>], vector<16xf32>,
        %parallel_loop3A_409 = arith.constant 9216 : i32
        %parallel_loop3A_410 = tpu.memref_slice %arg6[%parallel_loop3A_409] : memref<16384xf32, #tpu.memory_space<vmem>> -> memref<1024xf32, #tpu.memory_space<vmem>>
        %parallel_loop3A_411 = tpu.vector_load_idx %parallel_loop3A_410[%parallel_loop3A_231] : memref<1024xf32, #tpu.memory_space<vmem>>[vector<16xi32>], vector<16xf32>,
        %parallel_loop3A_412 = arith.constant 10240 : i32
        %parallel_loop3A_413 = tpu.memref_slice %arg6[%parallel_loop3A_412] : memref<16384xf32, #tpu.memory_space<vmem>> -> memref<1024xf32, #tpu.memory_space<vmem>>
        %parallel_loop3A_414 = tpu.vector_load_idx %parallel_loop3A_413[%parallel_loop3A_225] : memref<1024xf32, #tpu.memory_space<vmem>>[vector<16xi32>], vector<16xf32>,
        %parallel_loop3A_415 = arith.constant 10240 : i32
        %parallel_loop3A_416 = tpu.memref_slice %arg6[%parallel_loop3A_415] : memref<16384xf32, #tpu.memory_space<vmem>> -> memref<1024xf32, #tpu.memory_space<vmem>>
        %parallel_loop3A_417 = tpu.vector_load_idx %parallel_loop3A_416[%parallel_loop3A_231] : memref<1024xf32, #tpu.memory_space<vmem>>[vector<16xi32>], vector<16xf32>,
        %parallel_loop3A_418 = arith.constant 11264 : i32
        %parallel_loop3A_419 = tpu.memref_slice %arg6[%parallel_loop3A_418] : memref<16384xf32, #tpu.memory_space<vmem>> -> memref<1024xf32, #tpu.memory_space<vmem>>
        %parallel_loop3A_420 = tpu.vector_load_idx %parallel_loop3A_419[%parallel_loop3A_225] : memref<1024xf32, #tpu.memory_space<vmem>>[vector<16xi32>], vector<16xf32>,
        %parallel_loop3A_421 = arith.constant 11264 : i32
        %parallel_loop3A_422 = tpu.memref_slice %arg6[%parallel_loop3A_421] : memref<16384xf32, #tpu.memory_space<vmem>> -> memref<1024xf32, #tpu.memory_space<vmem>>
        %parallel_loop3A_423 = tpu.vector_load_idx %parallel_loop3A_422[%parallel_loop3A_231] : memref<1024xf32, #tpu.memory_space<vmem>>[vector<16xi32>], vector<16xf32>,
        %parallel_loop3A_424 = arith.constant 12288 : i32
        %parallel_loop3A_425 = tpu.memref_slice %arg6[%parallel_loop3A_424] : memref<16384xf32, #tpu.memory_space<vmem>> -> memref<1024xf32, #tpu.memory_space<vmem>>
        %parallel_loop3A_426 = tpu.vector_load_idx %parallel_loop3A_425[%parallel_loop3A_225] : memref<1024xf32, #tpu.memory_space<vmem>>[vector<16xi32>], vector<16xf32>,
        %parallel_loop3A_427 = arith.constant 12288 : i32
        %parallel_loop3A_428 = tpu.memref_slice %arg6[%parallel_loop3A_427] : memref<16384xf32, #tpu.memory_space<vmem>> -> memref<1024xf32, #tpu.memory_space<vmem>>
        %parallel_loop3A_429 = tpu.vector_load_idx %parallel_loop3A_428[%parallel_loop3A_231] : memref<1024xf32, #tpu.memory_space<vmem>>[vector<16xi32>], vector<16xf32>,
        %parallel_loop3A_430 = arith.constant 13312 : i32
        %parallel_loop3A_431 = tpu.memref_slice %arg6[%parallel_loop3A_430] : memref<16384xf32, #tpu.memory_space<vmem>> -> memref<1024xf32, #tpu.memory_space<vmem>>
        %parallel_loop3A_432 = tpu.vector_load_idx %parallel_loop3A_431[%parallel_loop3A_225] : memref<1024xf32, #tpu.memory_space<vmem>>[vector<16xi32>], vector<16xf32>,
        %parallel_loop3A_433 = arith.constant 13312 : i32
        %parallel_loop3A_434 = tpu.memref_slice %arg6[%parallel_loop3A_433] : memref<16384xf32, #tpu.memory_space<vmem>> -> memref<1024xf32, #tpu.memory_space<vmem>>
        %parallel_loop3A_435 = tpu.vector_load_idx %parallel_loop3A_434[%parallel_loop3A_231] : memref<1024xf32, #tpu.memory_space<vmem>>[vector<16xi32>], vector<16xf32>,
        %parallel_loop3A_436 = arith.constant 14336 : i32
        %parallel_loop3A_437 = tpu.memref_slice %arg6[%parallel_loop3A_436] : memref<16384xf32, #tpu.memory_space<vmem>> -> memref<1024xf32, #tpu.memory_space<vmem>>
        %parallel_loop3A_438 = tpu.vector_load_idx %parallel_loop3A_437[%parallel_loop3A_225] : memref<1024xf32, #tpu.memory_space<vmem>>[vector<16xi32>], vector<16xf32>,
        %parallel_loop3A_439 = arith.constant 14336 : i32
        %parallel_loop3A_440 = tpu.memref_slice %arg6[%parallel_loop3A_439] : memref<16384xf32, #tpu.memory_space<vmem>> -> memref<1024xf32, #tpu.memory_space<vmem>>
        %parallel_loop3A_441 = tpu.vector_load_idx %parallel_loop3A_440[%parallel_loop3A_231] : memref<1024xf32, #tpu.memory_space<vmem>>[vector<16xi32>], vector<16xf32>,
        %parallel_loop3A_442 = arith.constant 15360 : i32
        %parallel_loop3A_443 = tpu.memref_slice %arg6[%parallel_loop3A_442] : memref<16384xf32, #tpu.memory_space<vmem>> -> memref<1024xf32, #tpu.memory_space<vmem>>
        %parallel_loop3A_444 = tpu.vector_load_idx %parallel_loop3A_443[%parallel_loop3A_225] : memref<1024xf32, #tpu.memory_space<vmem>>[vector<16xi32>], vector<16xf32>,
        %parallel_loop3A_445 = arith.constant 15360 : i32
        %parallel_loop3A_446 = tpu.memref_slice %arg6[%parallel_loop3A_445] : memref<16384xf32, #tpu.memory_space<vmem>> -> memref<1024xf32, #tpu.memory_space<vmem>>
        %parallel_loop3A_447 = tpu.vector_load_idx %parallel_loop3A_446[%parallel_loop3A_231] : memref<1024xf32, #tpu.memory_space<vmem>>[vector<16xi32>], vector<16xf32>,
        %parallel_loop3A_448 = arith.mulf %parallel_loop3A_402, %parallel_loop3A_243 : vector<16xf32>
        %parallel_loop3A_449 = arith.addf %parallel_loop3A_448, %parallel_loop3A_237 : vector<16xf32>
        %parallel_loop3A_450 = arith.mulf %parallel_loop3A_402, %parallel_loop3A_255 : vector<16xf32>
        %parallel_loop3A_451 = arith.addf %parallel_loop3A_450, %parallel_loop3A_249 : vector<16xf32>
        %parallel_loop3A_452 = arith.mulf %parallel_loop3A_405, %parallel_loop3A_451 : vector<16xf32>
        %parallel_loop3A_453 = arith.addf %parallel_loop3A_452, %parallel_loop3A_449 : vector<16xf32>
        %parallel_loop3A_454 = arith.mulf %parallel_loop3A_408, %parallel_loop3A_243 : vector<16xf32>
        %parallel_loop3A_455 = arith.addf %parallel_loop3A_454, %parallel_loop3A_237 : vector<16xf32>
        %parallel_loop3A_456 = arith.mulf %parallel_loop3A_408, %parallel_loop3A_255 : vector<16xf32>
        %parallel_loop3A_457 = arith.addf %parallel_loop3A_456, %parallel_loop3A_249 : vector<16xf32>
        %parallel_loop3A_458 = arith.mulf %parallel_loop3A_411, %parallel_loop3A_457 : vector<16xf32>
        %parallel_loop3A_459 = arith.addf %parallel_loop3A_458, %parallel_loop3A_455 : vector<16xf32>
        %parallel_loop3A_460 = arith.mulf %parallel_loop3A_414, %parallel_loop3A_243 : vector<16xf32>
        %parallel_loop3A_461 = arith.addf %parallel_loop3A_460, %parallel_loop3A_237 : vector<16xf32>
        %parallel_loop3A_462 = arith.mulf %parallel_loop3A_414, %parallel_loop3A_255 : vector<16xf32>
        %parallel_loop3A_463 = arith.addf %parallel_loop3A_462, %parallel_loop3A_249 : vector<16xf32>
        %parallel_loop3A_464 = arith.mulf %parallel_loop3A_417, %parallel_loop3A_463 : vector<16xf32>
        %parallel_loop3A_465 = arith.addf %parallel_loop3A_464, %parallel_loop3A_461 : vector<16xf32>
        %parallel_loop3A_466 = arith.mulf %parallel_loop3A_420, %parallel_loop3A_243 : vector<16xf32>
        %parallel_loop3A_467 = arith.addf %parallel_loop3A_466, %parallel_loop3A_237 : vector<16xf32>
        %parallel_loop3A_468 = arith.mulf %parallel_loop3A_420, %parallel_loop3A_255 : vector<16xf32>
        %parallel_loop3A_469 = arith.addf %parallel_loop3A_468, %parallel_loop3A_249 : vector<16xf32>
        %parallel_loop3A_470 = arith.mulf %parallel_loop3A_423, %parallel_loop3A_469 : vector<16xf32>
        %parallel_loop3A_471 = arith.addf %parallel_loop3A_470, %parallel_loop3A_467 : vector<16xf32>
        %parallel_loop3A_472 = arith.mulf %parallel_loop3A_426, %parallel_loop3A_243 : vector<16xf32>
        %parallel_loop3A_473 = arith.addf %parallel_loop3A_472, %parallel_loop3A_237 : vector<16xf32>
        %parallel_loop3A_474 = arith.mulf %parallel_loop3A_426, %parallel_loop3A_255 : vector<16xf32>
        %parallel_loop3A_475 = arith.addf %parallel_loop3A_474, %parallel_loop3A_249 : vector<16xf32>
        %parallel_loop3A_476 = arith.mulf %parallel_loop3A_429, %parallel_loop3A_475 : vector<16xf32>
        %parallel_loop3A_477 = arith.addf %parallel_loop3A_476, %parallel_loop3A_473 : vector<16xf32>
        %parallel_loop3A_478 = arith.mulf %parallel_loop3A_432, %parallel_loop3A_243 : vector<16xf32>
        %parallel_loop3A_479 = arith.addf %parallel_loop3A_478, %parallel_loop3A_237 : vector<16xf32>
        %parallel_loop3A_480 = arith.mulf %parallel_loop3A_432, %parallel_loop3A_255 : vector<16xf32>
        %parallel_loop3A_481 = arith.addf %parallel_loop3A_480, %parallel_loop3A_249 : vector<16xf32>
        %parallel_loop3A_482 = arith.mulf %parallel_loop3A_435, %parallel_loop3A_481 : vector<16xf32>
        %parallel_loop3A_483 = arith.addf %parallel_loop3A_482, %parallel_loop3A_479 : vector<16xf32>
        %parallel_loop3A_484 = arith.mulf %parallel_loop3A_438, %parallel_loop3A_243 : vector<16xf32>
        %parallel_loop3A_485 = arith.addf %parallel_loop3A_484, %parallel_loop3A_237 : vector<16xf32>
        %parallel_loop3A_486 = arith.mulf %parallel_loop3A_438, %parallel_loop3A_255 : vector<16xf32>
        %parallel_loop3A_487 = arith.addf %parallel_loop3A_486, %parallel_loop3A_249 : vector<16xf32>
        %parallel_loop3A_488 = arith.mulf %parallel_loop3A_441, %parallel_loop3A_487 : vector<16xf32>
        %parallel_loop3A_489 = arith.addf %parallel_loop3A_488, %parallel_loop3A_485 : vector<16xf32>
        %parallel_loop3A_490 = arith.mulf %parallel_loop3A_444, %parallel_loop3A_243 : vector<16xf32>
        %parallel_loop3A_491 = arith.addf %parallel_loop3A_490, %parallel_loop3A_237 : vector<16xf32>
        %parallel_loop3A_492 = arith.mulf %parallel_loop3A_444, %parallel_loop3A_255 : vector<16xf32>
        %parallel_loop3A_493 = arith.addf %parallel_loop3A_492, %parallel_loop3A_249 : vector<16xf32>
        %parallel_loop3A_494 = arith.mulf %parallel_loop3A_447, %parallel_loop3A_493 : vector<16xf32>
        %parallel_loop3A_495 = arith.addf %parallel_loop3A_494, %parallel_loop3A_491 : vector<16xf32>
        %parallel_loop3A_496 = arith.constant 1 : i32
        %parallel_loop3A_497 = arith.constant 8 : i32
        %parallel_loop3A_498 = arith.index_cast %parallel_loop3A_496 : i32 to index
        %parallel_loop3A_499 = arith.index_cast %parallel_loop3A_497 : i32 to index
        %parallel_loop3A_500 = arith.index_cast %parallel_loop3A_219 : i32 to index
        %parallel_loop3A_501 = tpu.vector_load %arg9[%parallel_loop3A_498, %parallel_loop3A_499, %parallel_loop3A_500] {strides = array<i32>} : memref<2x16x1024xf32, #tpu.memory_space<vmem>>, vector<16xf32>,
        tpu.vector_store %arg9[%parallel_loop3A_498, %parallel_loop3A_499, %parallel_loop3A_500], %parallel_loop3A_453 {strides = array<i32>} : memref<2x16x1024xf32, #tpu.memory_space<vmem>>, vector<16xf32>,
        %parallel_loop3A_502 = arith.constant 1 : i32
        %parallel_loop3A_503 = arith.constant 9 : i32
        %parallel_loop3A_504 = arith.index_cast %parallel_loop3A_502 : i32 to index
        %parallel_loop3A_505 = arith.index_cast %parallel_loop3A_503 : i32 to index
        %parallel_loop3A_506 = arith.index_cast %parallel_loop3A_219 : i32 to index
        %parallel_loop3A_507 = tpu.vector_load %arg9[%parallel_loop3A_504, %parallel_loop3A_505, %parallel_loop3A_506] {strides = array<i32>} : memref<2x16x1024xf32, #tpu.memory_space<vmem>>, vector<16xf32>,
        tpu.vector_store %arg9[%parallel_loop3A_504, %parallel_loop3A_505, %parallel_loop3A_506], %parallel_loop3A_459 {strides = array<i32>} : memref<2x16x1024xf32, #tpu.memory_space<vmem>>, vector<16xf32>,
        %parallel_loop3A_508 = arith.constant 1 : i32
        %parallel_loop3A_509 = arith.constant 10 : i32
        %parallel_loop3A_510 = arith.index_cast %parallel_loop3A_508 : i32 to index
        %parallel_loop3A_511 = arith.index_cast %parallel_loop3A_509 : i32 to index
        %parallel_loop3A_512 = arith.index_cast %parallel_loop3A_219 : i32 to index
        %parallel_loop3A_513 = tpu.vector_load %arg9[%parallel_loop3A_510, %parallel_loop3A_511, %parallel_loop3A_512] {strides = array<i32>} : memref<2x16x1024xf32, #tpu.memory_space<vmem>>, vector<16xf32>,
        tpu.vector_store %arg9[%parallel_loop3A_510, %parallel_loop3A_511, %parallel_loop3A_512], %parallel_loop3A_465 {strides = array<i32>} : memref<2x16x1024xf32, #tpu.memory_space<vmem>>, vector<16xf32>,
        %parallel_loop3A_514 = arith.constant 1 : i32
        %parallel_loop3A_515 = arith.constant 11 : i32
        %parallel_loop3A_516 = arith.index_cast %parallel_loop3A_514 : i32 to index
        %parallel_loop3A_517 = arith.index_cast %parallel_loop3A_515 : i32 to index
        %parallel_loop3A_518 = arith.index_cast %parallel_loop3A_219 : i32 to index
        %parallel_loop3A_519 = tpu.vector_load %arg9[%parallel_loop3A_516, %parallel_loop3A_517, %parallel_loop3A_518] {strides = array<i32>} : memref<2x16x1024xf32, #tpu.memory_space<vmem>>, vector<16xf32>,
        tpu.vector_store %arg9[%parallel_loop3A_516, %parallel_loop3A_517, %parallel_loop3A_518], %parallel_loop3A_471 {strides = array<i32>} : memref<2x16x1024xf32, #tpu.memory_space<vmem>>, vector<16xf32>,
        %parallel_loop3A_520 = arith.constant 1 : i32
        %parallel_loop3A_521 = arith.constant 12 : i32
        %parallel_loop3A_522 = arith.index_cast %parallel_loop3A_520 : i32 to index
        %parallel_loop3A_523 = arith.index_cast %parallel_loop3A_521 : i32 to index
        %parallel_loop3A_524 = arith.index_cast %parallel_loop3A_219 : i32 to index
        %parallel_loop3A_525 = tpu.vector_load %arg9[%parallel_loop3A_522, %parallel_loop3A_523, %parallel_loop3A_524] {strides = array<i32>} : memref<2x16x1024xf32, #tpu.memory_space<vmem>>, vector<16xf32>,
        tpu.vector_store %arg9[%parallel_loop3A_522, %parallel_loop3A_523, %parallel_loop3A_524], %parallel_loop3A_477 {strides = array<i32>} : memref<2x16x1024xf32, #tpu.memory_space<vmem>>, vector<16xf32>,
        %parallel_loop3A_526 = arith.constant 1 : i32
        %parallel_loop3A_527 = arith.constant 13 : i32
        %parallel_loop3A_528 = arith.index_cast %parallel_loop3A_526 : i32 to index
        %parallel_loop3A_529 = arith.index_cast %parallel_loop3A_527 : i32 to index
        %parallel_loop3A_530 = arith.index_cast %parallel_loop3A_219 : i32 to index
        %parallel_loop3A_531 = tpu.vector_load %arg9[%parallel_loop3A_528, %parallel_loop3A_529, %parallel_loop3A_530] {strides = array<i32>} : memref<2x16x1024xf32, #tpu.memory_space<vmem>>, vector<16xf32>,
        tpu.vector_store %arg9[%parallel_loop3A_528, %parallel_loop3A_529, %parallel_loop3A_530], %parallel_loop3A_483 {strides = array<i32>} : memref<2x16x1024xf32, #tpu.memory_space<vmem>>, vector<16xf32>,
        %parallel_loop3A_532 = arith.constant 1 : i32
        %parallel_loop3A_533 = arith.constant 14 : i32
        %parallel_loop3A_534 = arith.index_cast %parallel_loop3A_532 : i32 to index
        %parallel_loop3A_535 = arith.index_cast %parallel_loop3A_533 : i32 to index
        %parallel_loop3A_536 = arith.index_cast %parallel_loop3A_219 : i32 to index
        %parallel_loop3A_537 = tpu.vector_load %arg9[%parallel_loop3A_534, %parallel_loop3A_535, %parallel_loop3A_536] {strides = array<i32>} : memref<2x16x1024xf32, #tpu.memory_space<vmem>>, vector<16xf32>,
        tpu.vector_store %arg9[%parallel_loop3A_534, %parallel_loop3A_535, %parallel_loop3A_536], %parallel_loop3A_489 {strides = array<i32>} : memref<2x16x1024xf32, #tpu.memory_space<vmem>>, vector<16xf32>,
        %parallel_loop3A_538 = arith.constant 1 : i32
        %parallel_loop3A_539 = arith.constant 15 : i32
        %parallel_loop3A_540 = arith.index_cast %parallel_loop3A_538 : i32 to index
        %parallel_loop3A_541 = arith.index_cast %parallel_loop3A_539 : i32 to index
        %parallel_loop3A_542 = arith.index_cast %parallel_loop3A_219 : i32 to index
        %parallel_loop3A_543 = tpu.vector_load %arg9[%parallel_loop3A_540, %parallel_loop3A_541, %parallel_loop3A_542] {strides = array<i32>} : memref<2x16x1024xf32, #tpu.memory_space<vmem>>, vector<16xf32>,
        tpu.vector_store %arg9[%parallel_loop3A_540, %parallel_loop3A_541, %parallel_loop3A_542], %parallel_loop3A_495 {strides = array<i32>} : memref<2x16x1024xf32, #tpu.memory_space<vmem>>, vector<16xf32>,
      } {sc.loop_unroll_factor = 2 : i64, sc.parallel_access}
      %mul3A_198 = arith.constant 1024 : i32
      %mul3A_199 = arith.muli %add3A_159, %mul3A_198 : i32
      %dma_start3A_200 = arith.constant 1 : i32
      %dma_start3A_201 = arith.constant 0 : i32
      %dma_start3A_202 = arith.constant 0 : i32
      %dma_start3A_203 = tpu.memref_slice %arg9[%dma_start3A_200, %dma_start3A_201, %dma_start3A_202] : memref<2x16x1024xf32, #tpu.memory_space<vmem>> -> memref<1x16x1024xf32, #tpu.memory_space<vmem>>
      %dma_start3A_204 = tpu.memref_squeeze %dma_start3A_203 : memref<1x16x1024xf32, #tpu.memory_space<vmem>> -> memref<16x1024xf32, #tpu.memory_space<vmem>>
      %dma_start3A_205 = tpu.memref_slice %arg5[%mul3A_2, %mul3A_199] : memref<1024x16384xf32, #tpu.memory_space<hbm>> -> memref<16x1024xf32, #tpu.memory_space<hbm>>
      %dma_start3A_206 = tpu.memref_slice %arg5[%mul3A_2, %mul3A_199] : memref<1024x16384xf32, #tpu.memory_space<hbm>> -> memref<16x1024xf32, #tpu.memory_space<hbm>>
      %dma_start3A_207 = arith.constant 0 : i32
      %dma_start3A_208 = arith.constant 0 : i32
      %dma_start3A_209 = tpu.memref_slice %arg9[%dma_start3A_200, %dma_start3A_207, %dma_start3A_208] : memref<2x16x1024xf32, #tpu.memory_space<vmem>> -> memref<1x16x1024xf32, #tpu.memory_space<vmem>>
      %dma_start3A_210 = tpu.memref_squeeze %dma_start3A_209 : memref<1x16x1024xf32, #tpu.memory_space<vmem>> -> memref<16x1024xf32, #tpu.memory_space<vmem>>
      tpu.enqueue_dma source(%dma_start3A_210 : memref<16x1024xf32, #tpu.memory_space<vmem>>) target(%dma_start3A_206 : memref<16x1024xf32, #tpu.memory_space<hbm>>) target_semaphore(%arg14 : memref<!tpu.dma_semaphore, #tpu.memory_space<semaphore_mem>>)
      %lt3A_211 = arith.constant 7 : i32
      %lt3A_212 = arith.cmpi slt, %scan3A_99, %lt3A_211 : i32
      %convert_element_type3A_213 = arith.extui %lt3A_212 : i1 to i32
      %cond3A_214 = arith.constant 0 : i32
      %cond3A_215 = arith.cmpi ne, %convert_element_type3A_213, %cond3A_214 : i32
      scf.if %cond3A_215 {
        %add3A_217 = arith.constant 2 : i32
        %add3A_218 = arith.addi %add3A_159, %add3A_217 : i32
        %mul3A_219 = arith.constant 1024 : i32
        %mul3A_220 = arith.muli %add3A_218, %mul3A_219 : i32
        %dma_start3A_221 = arith.constant 1 : i32
        %dma_start3A_222 = arith.constant 0 : i32
        %dma_start3A_223 = arith.constant 0 : i32
        %dma_start3A_224 = tpu.memref_slice %arg7[%dma_start3A_221, %dma_start3A_222, %dma_start3A_223] : memref<2x4x1024xf32, #tpu.memory_space<vmem>> -> memref<1x4x1024xf32, #tpu.memory_space<vmem>>
        %dma_start3A_225 = tpu.memref_squeeze %dma_start3A_224 : memref<1x4x1024xf32, #tpu.memory_space<vmem>> -> memref<4x1024xf32, #tpu.memory_space<vmem>>
        %dma_start3A_226 = arith.constant 0 : i32
        %dma_start3A_227 = tpu.memref_slice %arg3[%dma_start3A_226, %mul3A_220] : memref<4x16384xf32, #tpu.memory_space<hbm>> -> memref<4x1024xf32, #tpu.memory_space<hbm>>
        %dma_start3A_228 = arith.constant 0 : i32
        %dma_start3A_229 = arith.constant 0 : i32
        %dma_start3A_230 = tpu.memref_slice %arg7[%dma_start3A_221, %dma_start3A_228, %dma_start3A_229] : memref<2x4x1024xf32, #tpu.memory_space<vmem>> -> memref<1x4x1024xf32, #tpu.memory_space<vmem>>
        %dma_start3A_231 = tpu.memref_squeeze %dma_start3A_230 : memref<1x4x1024xf32, #tpu.memory_space<vmem>> -> memref<4x1024xf32, #tpu.memory_space<vmem>>
        %dma_start3A_232 = arith.constant 0 : i32
        %dma_start3A_233 = tpu.memref_slice %arg3[%dma_start3A_232, %mul3A_220] : memref<4x16384xf32, #tpu.memory_space<hbm>> -> memref<4x1024xf32, #tpu.memory_space<hbm>>
        tpu.enqueue_dma source(%dma_start3A_233 : memref<4x1024xf32, #tpu.memory_space<hbm>>) target(%dma_start3A_231 : memref<4x1024xf32, #tpu.memory_space<vmem>>) target_semaphore(%arg12 : memref<!tpu.dma_semaphore, #tpu.memory_space<semaphore_mem>>)
        %dma_start3A_234 = arith.constant 1 : i32
        %dma_start3A_235 = arith.constant 0 : i32
        %dma_start3A_236 = arith.constant 0 : i32
        %dma_start3A_237 = tpu.memref_slice %arg8[%dma_start3A_234, %dma_start3A_235, %dma_start3A_236] : memref<2x2x1024xi32, #tpu.memory_space<vmem>> -> memref<1x2x1024xi32, #tpu.memory_space<vmem>>
        %dma_start3A_238 = tpu.memref_squeeze %dma_start3A_237 : memref<1x2x1024xi32, #tpu.memory_space<vmem>> -> memref<2x1024xi32, #tpu.memory_space<vmem>>
        %dma_start3A_239 = arith.constant 0 : i32
        %dma_start3A_240 = tpu.memref_slice %arg4[%dma_start3A_239, %mul3A_220] : memref<2x16384xi32, #tpu.memory_space<hbm>> -> memref<2x1024xi32, #tpu.memory_space<hbm>>
        %dma_start3A_241 = arith.constant 0 : i32
        %dma_start3A_242 = arith.constant 0 : i32
        %dma_start3A_243 = tpu.memref_slice %arg8[%dma_start3A_234, %dma_start3A_241, %dma_start3A_242] : memref<2x2x1024xi32, #tpu.memory_space<vmem>> -> memref<1x2x1024xi32, #tpu.memory_space<vmem>>
        %dma_start3A_244 = tpu.memref_squeeze %dma_start3A_243 : memref<1x2x1024xi32, #tpu.memory_space<vmem>> -> memref<2x1024xi32, #tpu.memory_space<vmem>>
        %dma_start3A_245 = arith.constant 0 : i32
        %dma_start3A_246 = tpu.memref_slice %arg4[%dma_start3A_245, %mul3A_220] : memref<2x16384xi32, #tpu.memory_space<hbm>> -> memref<2x1024xi32, #tpu.memory_space<hbm>>
        tpu.enqueue_dma source(%dma_start3A_246 : memref<2x1024xi32, #tpu.memory_space<hbm>>) target(%dma_start3A_244 : memref<2x1024xi32, #tpu.memory_space<vmem>>) target_semaphore(%arg12 : memref<!tpu.dma_semaphore, #tpu.memory_space<semaphore_mem>>)
      } else {
      }
      %scan3A_216 = arith.constant 0 : i32
      scf.yield %scan3A_216 : i32
    }
    %scan3A_72 = arith.constant 8 : i32
    %dma_wait3A_73 = arith.constant 0 : i32
    %dma_wait3A_74 = arith.constant 0 : i32
    %dma_wait3A_75 = arith.constant 0 : i32
    %dma_wait3A_76 = tpu.memref_slice %arg9[%dma_wait3A_73, %dma_wait3A_74, %dma_wait3A_75] : memref<2x16x1024xf32, #tpu.memory_space<vmem>> -> memref<1x16x1024xf32, #tpu.memory_space<vmem>>
    %dma_wait3A_77 = tpu.memref_squeeze %dma_wait3A_76 : memref<1x16x1024xf32, #tpu.memory_space<vmem>> -> memref<16x1024xf32, #tpu.memory_space<vmem>>
    %dma_wait3A_78 = arith.constant 0 : i32
    %dma_wait3A_79 = tpu.memref_slice %arg5[%mul3A_2, %dma_wait3A_78] : memref<1024x16384xf32, #tpu.memory_space<hbm>> -> memref<16x1024xf32, #tpu.memory_space<hbm>>
    %dma_wait3A_80 = arith.constant 0 : i32
    %dma_wait3A_81 = tpu.memref_slice %arg5[%mul3A_2, %dma_wait3A_80] : memref<1024x16384xf32, #tpu.memory_space<hbm>> -> memref<16x1024xf32, #tpu.memory_space<hbm>>
    %dma_wait3A_82 = arith.constant 0 : i32
    %dma_wait3A_83 = arith.constant 0 : i32
    %dma_wait3A_84 = tpu.memref_slice %arg9[%dma_wait3A_73, %dma_wait3A_82, %dma_wait3A_83] : memref<2x16x1024xf32, #tpu.memory_space<vmem>> -> memref<1x16x1024xf32, #tpu.memory_space<vmem>>
    %dma_wait3A_85 = tpu.memref_squeeze %dma_wait3A_84 : memref<1x16x1024xf32, #tpu.memory_space<vmem>> -> memref<16x1024xf32, #tpu.memory_space<vmem>>
    tpu.wait_dma2 semaphore(%arg13 : memref<!tpu.dma_semaphore, #tpu.memory_space<semaphore_mem>>) src(%dma_wait3A_85 : memref<16x1024xf32, #tpu.memory_space<vmem>>) dst(%dma_wait3A_81 : memref<16x1024xf32, #tpu.memory_space<hbm>>)
    %dma_wait3A_86 = arith.constant 1 : i32
    %dma_wait3A_87 = arith.constant 0 : i32
    %dma_wait3A_88 = arith.constant 0 : i32
    %dma_wait3A_89 = tpu.memref_slice %arg9[%dma_wait3A_86, %dma_wait3A_87, %dma_wait3A_88] : memref<2x16x1024xf32, #tpu.memory_space<vmem>> -> memref<1x16x1024xf32, #tpu.memory_space<vmem>>
    %dma_wait3A_90 = tpu.memref_squeeze %dma_wait3A_89 : memref<1x16x1024xf32, #tpu.memory_space<vmem>> -> memref<16x1024xf32, #tpu.memory_space<vmem>>
    %dma_wait3A_91 = arith.constant 0 : i32
    %dma_wait3A_92 = tpu.memref_slice %arg5[%mul3A_2, %dma_wait3A_91] : memref<1024x16384xf32, #tpu.memory_space<hbm>> -> memref<16x1024xf32, #tpu.memory_space<hbm>>
    %dma_wait3A_93 = arith.constant 0 : i32
    %dma_wait3A_94 = tpu.memref_slice %arg5[%mul3A_2, %dma_wait3A_93] : memref<1024x16384xf32, #tpu.memory_space<hbm>> -> memref<16x1024xf32, #tpu.memory_space<hbm>>
    %dma_wait3A_95 = arith.constant 0 : i32
    %dma_wait3A_96 = arith.constant 0 : i32
    %dma_wait3A_97 = tpu.memref_slice %arg9[%dma_wait3A_86, %dma_wait3A_95, %dma_wait3A_96] : memref<2x16x1024xf32, #tpu.memory_space<vmem>> -> memref<1x16x1024xf32, #tpu.memory_space<vmem>>
    %dma_wait3A_98 = tpu.memref_squeeze %dma_wait3A_97 : memref<1x16x1024xf32, #tpu.memory_space<vmem>> -> memref<16x1024xf32, #tpu.memory_space<vmem>>
    tpu.wait_dma2 semaphore(%arg14 : memref<!tpu.dma_semaphore, #tpu.memory_space<semaphore_mem>>) src(%dma_wait3A_98 : memref<16x1024xf32, #tpu.memory_space<vmem>>) dst(%dma_wait3A_94 : memref<16x1024xf32, #tpu.memory_space<hbm>>)
    return
  }
}

module attributes {stable_mosaic.version = 14 : i64} {
  func.func @_coef_body(%arg0: memref<8x16384xf32, #tpu.memory_space<vmem>>, %arg1: memref<4x16384xf32, #tpu.memory_space<vmem>>) attributes {dimension_semantics = [], scalar_prefetch = 0 : i64, scratch_operands = 0 : i64, tpu.core_type = #tpu.core_type<tc>} {
    %get3A = arith.constant 0 : index
    %get3A_0 = arith.constant 0 : index
    %get3A_1 = vector.load %arg0[%get3A, %get3A_0] : memref<8x16384xf32, #tpu.memory_space<vmem>>, vector<8x16384xf32>
    %slice3A = vector.extract_strided_slice %get3A_1 {offsets = [0, 0], sizes = [4, 16384], strides = [1, 1]} : vector<8x16384xf32> to vector<4x16384xf32>
    %slice3A_2 = vector.extract_strided_slice %get3A_1 {offsets = [4, 0], sizes = [4, 16384], strides = [1, 1]} : vector<8x16384xf32> to vector<4x16384xf32>
    %sub3A = arith.subf %slice3A, %slice3A_2 : vector<4x16384xf32>
    %logistic3A = arith.negf %sub3A : vector<4x16384xf32>
    %logistic3A_3 = math.exp %logistic3A : vector<4x16384xf32>
    %logistic3A_4 = arith.constant 1.000000e+00 : f32
    %logistic3A_5 = vector.broadcast %logistic3A_4 : f32 to vector<4x16384xf32>
    %logistic3A_6 = arith.addf %logistic3A_5, %logistic3A_3 : vector<4x16384xf32>
    %logistic3A_7 = arith.divf %logistic3A_5, %logistic3A_6 : vector<4x16384xf32>
    %slice3A_8 = vector.extract_strided_slice %logistic3A_7 {offsets = [0, 0], sizes = [1, 16384], strides = [1, 1]} : vector<4x16384xf32> to vector<1x16384xf32>
    %slice3A_9 = vector.extract_strided_slice %logistic3A_7 {offsets = [1, 0], sizes = [1, 16384], strides = [1, 1]} : vector<4x16384xf32> to vector<1x16384xf32>
    %slice3A_10 = vector.extract_strided_slice %logistic3A_7 {offsets = [2, 0], sizes = [1, 16384], strides = [1, 1]} : vector<4x16384xf32> to vector<1x16384xf32>
    %slice3A_11 = vector.extract_strided_slice %logistic3A_7 {offsets = [3, 0], sizes = [1, 16384], strides = [1, 1]} : vector<4x16384xf32> to vector<1x16384xf32>
    %sub3A_12 = arith.subf %slice3A_10, %slice3A_8 : vector<1x16384xf32>
    %sub3A_13 = arith.subf %slice3A_9, %slice3A_8 : vector<1x16384xf32>
    %add3A = arith.addf %slice3A_8, %slice3A_11 : vector<1x16384xf32>
    %add3A_14 = arith.addf %slice3A_9, %slice3A_10 : vector<1x16384xf32>
    %sub3A_15 = arith.subf %add3A, %add3A_14 : vector<1x16384xf32>
    %concatenate3A = tpu.concatenate %slice3A_8, %sub3A_12, %sub3A_13, %sub3A_15 in 0 : vector<1x16384xf32>, vector<1x16384xf32>, vector<1x16384xf32>, vector<1x16384xf32> -> vector<4x16384xf32>
    %swap3A = arith.constant 0 : index
    %swap3A_16 = arith.constant 0 : index
    %swap3A_17 = vector.load %arg1[%swap3A, %swap3A_16] : memref<4x16384xf32, #tpu.memory_space<vmem>>, vector<4x16384xf32>
    tpu.vector_store %arg1[%swap3A, %swap3A_16], %concatenate3A {strides = array<i32>} : memref<4x16384xf32, #tpu.memory_space<vmem>>, vector<4x16384xf32>,
    return
  }
}

module attributes {stable_mosaic.version = 14 : i64} {
  func.func @_tc_body(%arg0: i32, %arg1: memref<512x1024xbf16, #tpu.memory_space<vmem>>, %arg2: memref<2x1024xi32, #tpu.memory_space<vmem>>, %arg3: memref<4x1024xf32, #tpu.memory_space<vmem>>, %arg4: memref<512x1024xf32, #tpu.memory_space<vmem>>) attributes {dimension_semantics = [#tpu.dimension_semantics<arbitrary>], iteration_bounds = array<i64: 16>, scalar_prefetch = 0 : i64, scratch_operands = 0 : i64, tpu.core_type = #tpu.core_type<tc>, window_params = [{pipeline_mode = #tpu.pipeline_mode<synchronous>, transform_indices = @transform_0, window_bounds = array<i64: 512, 1024>}, {transform_indices = @transform_1, window_bounds = array<i64: 2, 1024>}, {transform_indices = @transform_2, window_bounds = array<i64: 4, 1024>}, {transform_indices = @transform_3, window_bounds = array<i64: 512, 1024>}]} {
    %iota3A = tpu.iota {dimensions = array<i32: 0>} : vector<1024x1024xi32>
    %get3A = arith.constant 0 : index
    %get3A_0 = arith.constant 0 : index
    %get3A_1 = vector.load %arg2[%get3A, %get3A_0] : memref<2x1024xi32, #tpu.memory_space<vmem>>, vector<1x1024xi32>
    %eq3A = vector.broadcast %get3A_1 : vector<1x1024xi32> to vector<1024x1024xi32>
    %eq3A_2 = arith.cmpi eq, %iota3A, %eq3A : vector<1024x1024xi32>
    %convert_element_type3A = arith.extui %eq3A_2 : vector<1024x1024xi1> to vector<1024x1024xi32>
    %convert_element_type3A_3 = arith.sitofp %convert_element_type3A : vector<1024x1024xi32> to vector<1024x1024xf32>
    %convert_element_type3A_4 = arith.truncf %convert_element_type3A_3 : vector<1024x1024xf32> to vector<1024x1024xbf16>
    %get3A_5 = arith.constant 1 : index
    %get3A_6 = arith.constant 0 : index
    %get3A_7 = vector.load %arg2[%get3A_5, %get3A_6] : memref<2x1024xi32, #tpu.memory_space<vmem>>, vector<1x1024xi32>
    %eq3A_8 = vector.broadcast %get3A_7 : vector<1x1024xi32> to vector<1024x1024xi32>
    %eq3A_9 = arith.cmpi eq, %iota3A, %eq3A_8 : vector<1024x1024xi32>
    %convert_element_type3A_10 = arith.extui %eq3A_9 : vector<1024x1024xi1> to vector<1024x1024xi32>
    %convert_element_type3A_11 = arith.sitofp %convert_element_type3A_10 : vector<1024x1024xi32> to vector<1024x1024xf32>
    %convert_element_type3A_12 = arith.truncf %convert_element_type3A_11 : vector<1024x1024xf32> to vector<1024x1024xbf16>
    %get3A_13 = arith.constant 0 : index
    %get3A_14 = arith.constant 0 : index
    %get3A_15 = vector.load %arg1[%get3A_13, %get3A_14] : memref<512x1024xbf16, #tpu.memory_space<vmem>>, vector<512x1024xbf16>
    %dot_general3A = arith.constant dense<0.000000e+00> : vector<512x1024xf32>
    %dot_general3A_16 = tpu.matmul %get3A_15, %convert_element_type3A_4, %dot_general3A {dimension_numbers = #tpu.dot_dimension_numbers<[1], [0], [0], [1], [0, 0, 1, 1], [], []>, transpose_lhs_hint = false} : vector<512x1024xbf16>, vector<1024x1024xbf16>, vector<512x1024xf32> -> vector<512x1024xf32>
    %dot_general3A_17 = arith.constant dense<0.000000e+00> : vector<512x1024xf32>
    %dot_general3A_18 = tpu.matmul %get3A_15, %convert_element_type3A_12, %dot_general3A_17 {dimension_numbers = #tpu.dot_dimension_numbers<[1], [0], [0], [1], [0, 0, 1, 1], [], []>, transpose_lhs_hint = false} : vector<512x1024xbf16>, vector<1024x1024xbf16>, vector<512x1024xf32> -> vector<512x1024xf32>
    %get3A_19 = arith.constant 0 : index
    %get3A_20 = arith.constant 0 : index
    %get3A_21 = vector.load %arg3[%get3A_19, %get3A_20] : memref<4x1024xf32, #tpu.memory_space<vmem>>, vector<1x1024xf32>
    %get3A_22 = arith.constant 1 : index
    %get3A_23 = arith.constant 0 : index
    %get3A_24 = vector.load %arg3[%get3A_22, %get3A_23] : memref<4x1024xf32, #tpu.memory_space<vmem>>, vector<1x1024xf32>
    %get3A_25 = arith.constant 2 : index
    %get3A_26 = arith.constant 0 : index
    %get3A_27 = vector.load %arg3[%get3A_25, %get3A_26] : memref<4x1024xf32, #tpu.memory_space<vmem>>, vector<1x1024xf32>
    %get3A_28 = arith.constant 3 : index
    %get3A_29 = arith.constant 0 : index
    %get3A_30 = vector.load %arg3[%get3A_28, %get3A_29] : memref<4x1024xf32, #tpu.memory_space<vmem>>, vector<1x1024xf32>
    %mul3A = vector.broadcast %get3A_24 : vector<1x1024xf32> to vector<512x1024xf32>
    %mul3A_31 = arith.mulf %dot_general3A_16, %mul3A : vector<512x1024xf32>
    %add3A = vector.broadcast %get3A_21 : vector<1x1024xf32> to vector<512x1024xf32>
    %add3A_32 = arith.addf %mul3A_31, %add3A : vector<512x1024xf32>
    %mul3A_33 = vector.broadcast %get3A_30 : vector<1x1024xf32> to vector<512x1024xf32>
    %mul3A_34 = arith.mulf %dot_general3A_16, %mul3A_33 : vector<512x1024xf32>
    %add3A_35 = vector.broadcast %get3A_27 : vector<1x1024xf32> to vector<512x1024xf32>
    %add3A_36 = arith.addf %mul3A_34, %add3A_35 : vector<512x1024xf32>
    %mul3A_37 = arith.mulf %dot_general3A_18, %add3A_36 : vector<512x1024xf32>
    %add3A_38 = arith.addf %add3A_32, %mul3A_37 : vector<512x1024xf32>
    %swap3A = arith.constant 0 : index
    %swap3A_39 = arith.constant 0 : index
    %swap3A_40 = vector.load %arg4[%swap3A, %swap3A_39] : memref<512x1024xf32, #tpu.memory_space<vmem>>, vector<512x1024xf32>
    tpu.vector_store %arg4[%swap3A, %swap3A_39], %add3A_38 {strides = array<i32>} : memref<512x1024xf32, #tpu.memory_space<vmem>>, vector<512x1024xf32>,
    return
  }
  func.func @transform_0(%arg0: i32) -> (i32, i32) {
    %c0_i32 = arith.constant 0 : i32
    %c0_i32_0 = arith.constant 0 : i32
    %c0_i32_1 = arith.constant 0 : i32
    return %c0_i32, %c0_i32_0 : i32, i32
  }
  func.func @transform_1(%arg0: i32) -> (i32, i32) {
    %c0_i32 = arith.constant 0 : i32
    %c0_i32_0 = arith.constant 0 : i32
    return %c0_i32, %arg0 : i32, i32
  }
  func.func @transform_2(%arg0: i32) -> (i32, i32) {
    %c0_i32 = arith.constant 0 : i32
    %c0_i32_0 = arith.constant 0 : i32
    return %c0_i32, %arg0 : i32, i32
  }
  func.func @transform_3(%arg0: i32) -> (i32, i32) {
    %c0_i32 = arith.constant 0 : i32
    %c0_i32_0 = arith.constant 0 : i32
    return %c0_i32, %arg0 : i32, i32
  }
}

</mosaic_0001>

<sc_bundles>
// kernel: _lutlayer.5.cloned.1.call-start
scs
__scs_entry_jumppad:
0x0: {  	(pc) =	sbr.rel $0x88, $3  }
0x1: {  	(tag) =	ssettag $0x0;
	lr =	simm.s32 $0x1  }
0x2: {  	[smem:$0x3F9D] =	sst lr;
	_ =	strace $0xD0000000  }
0x3: {  	_ = 	snop  }
0x4: {  	_ = 	snop  }
0x5: {  	_ = 	snop  }
0x6: {  	_ = 	snop  }
0x7: {  	_ = 	snop  }
__scs_overlays_trampoline_lowered:
0x8: {  	[smem:$0x3FAC] =	sst s0  }
0x9: {  	[smem:$0x3FAD] =	sst s1  }
0xa: {  	[smem:$0x3FAE] =	sst s2  }
0xb: {  	[smem:$0x3FAF] =	sst s3  }
0xc: {  	[smem:$0x3FB0] =	sst s4  }
0xd: {  	[smem:$0x3FB1] =	sst s5  }
0xe: {  	[smem:$0x3FB2] =	sst s6  }
0xf: {  	[smem:$0x3FB3] =	sst s7  }
0x10: {  	[smem:$0x3FB4] =	sst s8  }
0x11: {  	[smem:$0x3FB5] =	sst s9;
	s0 =	simm.s32 @!p0 $0x0  }
0x12: {  	s1 =	sld [smem:$0x3F9B];
	s0 =	simm.s32 @p0 $0x1  }
0x13: {  	[smem:$0x3FB6] =	sst s0;
	s0 =	simm.s32 @!p1 $0x0  }
0x14: {  	s2 =	sld [smem:$0x3F9A];
	s0 =	simm.s32 @p1 $0x1  }
0x15: {  	[smem:$0x3FB7] =	sst s0;
	s0 =	simm.s32 @!p2 $0x0  }
0x16: {  	s3 =	sld [smem:$0x3FDB];
	s0 =	simm.s32 @p2 $0x1  }
0x17: {  	s4 =	simm.s32 $0x1BF5;
	[smem:$0x3FB9] =	sst s0  }
0x18: {  	s0 =	sld [smem:$0x3F9C];
	_ =	swait.ge [sflag:s4], $0x0  }
0x19: {  	s7 =	sld [smem:$0x3F9D]  }
0x1a: {  	s8 =	sadd.s32 $0xFFFFE003, lr  }
0x1b: {  	s9 =	sadd.s32 $0xFFFFFEF7, lr;
	s5 =	simm.s32 $0xFFFFFFFF;
	p2 =	slt.u32 s8, $0xFFFFF086  }
0x1c: {  	p1 =	slt.u32 s9, $0xF7A;
	s5 =	simm.s32 @!p2 $0x0  }
0x1d: {  	s5 =	simm.s32 @p1 $0x1;
	p0 =	seq.s32 s7, s2  }
0x1e: {  	s7 =	smul.u32 @!p0 $0xF7A, s2;
	p2 =	seq.s32 @!p0 s5, $0x0  }
0x1f: {  	s9 =	smul.u32 $0xF7A, s1;
	s8 =	simm.s32 @!p0 $0x1BF5;
	p2 =	por !p2, p0  }
0x20: {  	[sflag:s8] =	ssyncset.s32 @!p0 $0xFFFFF086;
	s6 =	sadd.s32 @!p0 s3, s7;
	s7 =	simm.s32 @!p0 $0x108  }
0x21: {  	s3 =	sadd.s32 s3, s9;
	s6 =	sadd.s32 @!p0 $0x88, s6;
	s7 =	simm.s32 @p2 $0x1082  }
0x22: {  	[simem:s7], [sflag:s8] =	dma.local @!p0 [hbm:s6], $0xF7A  }
0x23: {  	s9 =	sor.u32 $0xD0000000, s2;
	s6 =	simm.s32 $0x108;
	_ =	swait.ge @!p0 [sflag:s8], $0x0  }
0x24: {  	s3 =	sadd.s32 $0x88, s3;
	s6 =	simm.s32 @!p1 $0x1082;
	[sflag:s4] =	ssyncset.s32 $0xFFFFF086  }
0x25: {  	[simem:s6], [sflag:s4] =	dma.local [hbm:s3], $0xF7A  }
0x26: {  	[smem:$0x3F9D] =	sst s1;
	(tag) =	ssettag s2;
	_ =	strace s9  }
0x27: {  	s1 =	sld [smem:$0x3FAD]  }
0x28: {  	s2 =	sld [smem:$0x3FAE]  }
0x29: {  	s4 =	sld [smem:$0x3FB0]  }
0x2a: {  	p0 =	seq.s32 s5, $0x0;
	s5 =	sld [smem:$0x3FB1]  }
0x2b: {  	s6 =	sld [smem:$0x3FB2]  }
0x2c: {  	s7 =	sld [smem:$0x3FB3]  }
0x2d: {  	s3 =	simm.s32 $0x108;
	s8 =	sld [smem:$0x3FB4]  }
0x2e: {  	s3 =	simm.s32 @!p0 $0x1082;
	s9 =	sld [smem:$0x3FB5]  }
0x2f: {  	lr =	sadd.s32 s0, s3;
	s0 =	sld [smem:$0x3FAC]  }
0x30: {  	s3 =	sld [smem:$0x3FAF]  }
0x31: {  	[smem:$0x3FB8] =	sst s10  }
0x32: {  	s10 =	sld [smem:$0x3FB6];
	_ =	sdelay $0x3  }
0x33: {  	p0 =	seq.s32 s10, $0x1;
	s10 =	sld [smem:$0x3FB8];
	_ =	sdelay $0x3  }
0x34: {  	[smem:$0x3FB8] =	sst s10  }
0x35: {  	s10 =	sld [smem:$0x3FB7];
	_ =	sdelay $0x3  }
0x36: {  	p1 =	seq.s32 s10, $0x1;
	s10 =	sld [smem:$0x3FB8];
	_ =	sdelay $0x3  }
0x37: {  	[smem:$0x3FB8] =	sst s10  }
0x38: {  	s10 =	sld [smem:$0x3FB9]  }
0x39: {  	_ = 	snop;
	(pc) =	sbr.ind lr, $3  }
0x3a: {  	_ = 	snop  }
0x3b: {  	_ = 	snop  }
0x3c: {  	p2 =	seq.s32 s10, $0x1;
	s10 =	sld [smem:$0x3FB8]  }
0x3d: {  	_ =	shalt  }
0x3e: {  	_ =	shalt  }
0x3f: {  	_ =	shalt  }
0x40: {  	_ =	shalt  }
0x41: {  	_ =	shalt  }
0x42: {  	_ =	shalt  }
0x43: {  	_ =	shalt  }
0x44: {  	_ =	shalt  }
0x45: {  	_ =	shalt  }
0x46: {  	_ =	shalt  }
0x47: {  	_ =	shalt  }
0x48: {  	_ =	shalt  }
0x49: {  	_ =	shalt  }
0x4a: {  	_ =	shalt  }
0x4b: {  	_ =	shalt  }
0x4c: {  	_ =	shalt  }
0x4d: {  	_ =	shalt  }
0x4e: {  	_ =	shalt  }
0x4f: {  	_ =	shalt  }
0x50: {  	_ =	shalt  }
0x51: {  	_ =	shalt  }
0x52: {  	_ =	shalt  }
0x53: {  	_ =	shalt  }
0x54: {  	_ =	shalt  }
0x55: {  	_ =	shalt  }
0x56: {  	_ =	shalt  }
0x57: {  	_ =	shalt  }
0x58: {  	_ =	shalt  }
0x59: {  	_ =	shalt  }
0x5a: {  	_ =	shalt  }
0x5b: {  	_ =	shalt  }
0x5c: {  	_ =	shalt  }
0x5d: {  	_ =	shalt  }
0x5e: {  	_ =	shalt  }
0x5f: {  	_ =	shalt  }
0x60: {  	_ =	shalt  }
0x61: {  	_ =	shalt  }
0x62: {  	_ =	shalt  }
0x63: {  	_ =	shalt  }
0x64: {  	_ =	shalt  }
0x65: {  	_ =	shalt  }
0x66: {  	_ =	shalt  }
0x67: {  	_ =	shalt  }
0x68: {  	_ =	shalt  }
0x69: {  	_ =	shalt  }
0x6a: {  	_ =	shalt  }
0x6b: {  	_ =	shalt  }
0x6c: {  	_ =	shalt  }
0x6d: {  	_ =	shalt  }
0x6e: {  	_ =	shalt  }
0x6f: {  	_ =	shalt  }
0x70: {  	_ =	shalt  }
0x71: {  	_ =	shalt  }
0x72: {  	_ =	shalt  }
0x73: {  	_ =	shalt  }
0x74: {  	_ =	shalt  }
0x75: {  	_ =	shalt  }
0x76: {  	_ =	shalt  }
0x77: {  	_ =	shalt  }
0x78: {  	_ =	shalt  }
0x79: {  	_ =	shalt  }
0x7a: {  	_ =	shalt  }
0x7b: {  	_ =	shalt  }
0x7c: {  	_ =	shalt  }
0x7d: {  	_ =	shalt  }
0x7e: {  	_ =	shalt  }
0x7f: {  	_ =	shalt  }
0x80: {  	_ =	shalt  }
0x81: {  	_ =	shalt  }
0x82: {  	_ =	shalt  }
0x83: {  	_ =	shalt  }
0x84: {  	_ =	shalt  }
0x85: {  	_ =	shalt  }
0x86: {  	_ =	shalt  }
0x87: {  	_ =	shalt  }
.Lfunc_end0:
.L_simem_size_0:
called_computation_lowered:
.L_overlay_start_0:
0x88: {  	s2 =	sld [smem:$0x3FD9]  }
0x89: {  	s3 =	sld [smem:$0x3FFE];
	_ =	sdelay $0x1  }
0x8a: {  	s1 =	srdreg.scid  }
0x8b: {  	s0 =	sand.u32 $0x1, s1  }
0x8c: {  	s17 =	sshll.u32 s0, $0xA;
	s2 =	sadd.s32 s3, s2  }
0x8d: {  	s2 =	sadd.s32 s2, s17  }
0x8e: {  	[smem:$0x3FC4] =	sst s2  }
0x8f: {  	_ = 	snop  }
0x90: {  	s2 =	sld [smem:$0x3FC6]  }
0x91: {  	s18 =	sld [smem:$0x3FD0];
	(tm) =	ssettm $0x1  }
0x92: {  	s4 =	sld [smem:$0x3FFB];
	_ =	sdelay $0x3  }
0x93: {  	_ =	strace s4  }
0x94: {  	s4 =	sld [smem:$0x3FFC];
	_ =	sdelay $0x3  }
0x95: {  	_ =	strace s4  }
0x96: {  	s4 =	sld [smem:$0x3FFD];
	_ =	sdelay $0x3  }
0x97: {  	_ =	strace s4  }
0x98: {  	_ =	strace $0x8FFFFFFF  }
0x99: {  	s19 =	sld [smem:$0x3FDB];
	_ =	sdelay $0x1  }
0x9a: {  	s5 =	simm.s32 $_scs_section_size  }
0x9b: {  	s6 =	simm.s32 $_size__tile_overlayer_lowered;
	s7 =	simm.s32 $_tile_overlayer_lowered  }
0x9c: {  	s22 =	simm.s32 $0x1BFF;
	s21 =	sshll.u32 s7, $0x1;
	s4 =	sadd.s32 s5, s19  }
0x9d: {  	s8 =	simm.s32 $0x0;
	s20 =	sshll.u32 s6, $0x1;
	s6 =	sadd.s32 s21, s4  }
0x9e: {  	[timem:s8], [sflag:s22] =	dma.local [hbm:s6], s20  }
0x9f: {  	_ =	swait.ge [sflag:s22], s20  }
0xa0: {  	s5 =	ssub.s32 $0x0, s20;
	[sflag:s22] =	ssyncset.done $0x0  }
0xa1: {  	[sflag:s22] =	ssyncadd.s32 s5;
	_ =	sdelay $0x1  }
0xa2: {  	s23 =	simm.s32 $0x1B8B  }
0xa3: {  	_ =	swait.ge [sflag:s23], $0x1  }
0xa4: {  	[sflag:s23] =	ssyncset.done $0x0  }
0xa5: {  	s25 =	simm.s32 $0x1B8E;
	s24 =	sld [smem:$0x3FFE];
	[sflag:s23] =	ssyncadd.s32 $0xFFFFFFFF  }
0xa6: {  	s26 =	simm.s32 $execute0_lowered;
	[smem:$0x3FD2] =	sst s25  }
0xa7: {  	s6 =	sshll.u32 s26, $0x1;
	_ =	strace $0x80000046;
	[dreg:$0x1] =	wrdreg $0xFFFFFFFF  }
0xa8: {  	s28 =	simm.s32 $_size_execute0_lowered;
	s4 =	sadd.s32 s4, s6;
	[dreg:$0x0] =	wrdreg $0x0  }
0xa9: {  	s6 =	sshll.u32 s28, $0x1;
	[dreg:$0x2] =	wrdreg s4  }
0xaa: {  	[dreg:$0x3] =	wrdreg s6  }
0xab: {  	[dreg:$0x4] =	wrdreg $0xC0  }
0xac: {  	_ =	task [dreg:s8], $0x5FFFF  }
0xad: {  	[dreg:$0x1] =	wrdreg $0xFFFFFFFF  }
0xae: {  	[dreg:$0x0] =	wrdreg $0x60  }
0xaf: {  	[dreg:$0x2] =	wrdreg s24  }
0xb0: {  	[dreg:$0x3] =	wrdreg s2  }
0xb1: {  	[dreg:$0x4] =	wrdreg s18  }
0xb2: {  	[dreg:$0x5] =	wrdreg $0x9  }
0xb3: {  	_ =	task.clear_ibuf [dreg:s8], $0x6FFFF;
	_ =	strace $0x90000046  }
0xb4: {  	s29 =	simm.s32 $0x9;
	_ =	strace $0x80000048  }
0xb5: {  	_ =	swait.ge [sflag:s29], $0x1  }
0xb6: {  	[sflag:s29] =	ssyncadd.s32 $0xFFFFFFFF  }
0xb7: {  	_ =	strace $0x90000048  }
0xb8: {  	_ =	sfence  }
0xb9: {  	s30 =	sld [smem:$0x0];
	_ =	sdelay $0x2  }
0xba: {  	s31 =	sshll.u32 s1, $0xD;
	s1 =	sshrl.u32 s1, $0x2  }
0xbb: {  	s3 =	sand.u32 $0x4000, s31;
	s1 =	sadd.s32 s1, s30  }
0xbc: {  	s0 =	sor.u32 s3, s0;
	s1 =	sshll.u32 s1, $0x11  }
0xbd: {  	s0 =	sor.u32 s1, s0  }
0xbe: {  	s0 =	sadd.s32 $0x8F2B, s0  }
0xbf: {  	[sflag:s0] =	ssyncadd.remote.s32 $0x1  }
0xc0: {  	_ =	sfence.sel $0xFFFF  }
0xc1: {  	[dreg:$0x0] =	wrdreg $0xFFFFFFFF;
	(pc) =	sbr.abs _section_cstart, $3  }
0xc2: {  	[dreg:$0x1] =	wrdreg $0xFFFFFFFF  }
0xc3: {  	_ =	task.clear_ibuf [dreg:s8], $0x2FFFF;
	_ =	strace $0x9FFFFFFF  }
0xc4: {  	(tm) =	ssettm $0x7FFFFFFF  }
0xc5: {  	_ =	shalt  }
tec
execute0_lowered:
.L_overlay_start_1:
0x0: {  	(tag) =	ssettag $0x1  }
0x1: {  	s0 =	rddreg [dreg:$0x0]  }
0x2: {  	s31 =	rddreg [dreg:$0x1];
	s1 =	srdreg.scid  }
0x3: {  	s2 =	stileid.u32;
	s3 =	simm.s32 $0x0;
	s17 =	simm.s32 $0x800  }
0x4: {  	s19 =	simm.s32 $0xC00;
	s20 =	simm.s32 $0x1000;
	s21 =	simm.s32 $0x1400  }
0x5: {  	s22 =	simm.s32 $0x1800;
	s6 =	simm.s32 $0x1C00;
	s9 =	simm.s32 $0x2000  }
0x6: {  	s12 =	simm.s32 $0x2400;
	s29 =	simm.s32 $0x3000;
	s7 =	simm.s32 $0x3400  }
0x7: {  	s10 =	simm.s32 $0x3800;
	s15 =	simm.s32 $0x3C00;
	s1 =	sand.u32 $0x1, s1  }
0x8: {  	s2 =	sshll.u32 s2, $0x1;
	[smem:$0x7FF] =	sst s3;
	s5 =	sadd.s32 $0xA00, s0  }
0x9: {  	s26 =	sadd.s32 $0x100, s31;
	s2 =	sor.u32 s1, s2;
	s1 =	ssub.s32 $0x2, s1  }
0xa: {  	_ =	strace $0x80000047;
	[dreg:$0xa] =	wrdreg s5;
	s25 =	sshll.u32 s2, $0xB  }
0xb: {  	[dreg:$0xd] =	wrdreg s26;
	s28 =	sshll.u32 s2, $0x12;
	s3 =	sadd.s32 s25, s0  }
.Ltmp0:
0xc: {  	s0 =	sadd.s32 $0xC00, s0;
	[dreg:$0xe] =	wrdreg s28;
	(pc) =	sbr.rel .LBB2_1-.Ltmp0, $4  }
0xd: {  	s4 =	sshrl.u32 s1, $0x1;
	s3 =	sadd.s32 $0x2A00, s3;
	[dreg:$0xc] =	wrdreg s0  }
0xe: {  	s1 =	ssub.s32 s1, s4;
	s0 =	sor.u32 $0x2000, s28;
	[dreg:$0xb] =	wrdreg s3  }
0xf: {  	s26 =	simm.s32 $0x2C00;
	s30 =	smax.u32 s1, $0x1;
	[dreg:$0xf] =	wrdreg s0  }
0x10: {  	s2 =	simm.s32 $0x0;
	s25 =	simm.s32 $0x2800;
	[dreg:$0x10] =	wrdreg s30  }
.LBB2_8:
0x11: {  	s0 =	simm.s32 $0x4  }
0x12: {  	_ =	swait.ge [sflag:s0], $0x4000  }
0x13: {  	[sflag:s0] =	ssyncset.done $0x0  }
0x14: {  	s1 =	simm.s32 $0x5;
	[sflag:s0] =	ssyncadd.s32 $0xFFFFC000  }
0x15: {  	_ =	swait.ge [sflag:s1], $0x4000  }
0x16: {  	s2 =	rddreg [dreg:$0x11]  }
0x17: {  	s30 =	rddreg [dreg:$0x10];
	s2 =	sadd.s32 $0x1, s2  }
0x18: {  	p0 =	sne.s32 s2, s30  }
.Ltmp1:
0x19: {  	_ = 	snop;
	(pc) =	sbr.rel @!p0 .LBB2_9-.Ltmp1, $4  }
0x1a: {  	_ = 	snop  }
0x1b: {  	s17 =	simm.s32 $0x800;
	s19 =	simm.s32 $0xC00;
	[sflag:s1] =	ssyncset.done $0x0  }
0x1c: {  	s20 =	simm.s32 $0x1000;
	s21 =	simm.s32 $0x1400;
	[sflag:s1] =	ssyncadd.s32 $0xFFFFC000  }
0x1d: {  	s22 =	simm.s32 $0x1800;
	s6 =	simm.s32 $0x1C00;
	s31 =	rddreg [dreg:$0x1]  }
.LBB2_1:
0x1e: {  	s1 =	simm.s32 $0x0;
	s0 =	rddreg [dreg:$0xb]  }
0x1f: {  	[tilespmem:s1], [sflag:$0x1] =	stream.linear.gather [hbm4b:s0+s1], $0x4000, $0x38;
	[tilespmem:$0xF000] =	vst v63  }
0x20: {  	s14 =	rddreg [dreg:$0xa];
	s16 =	simm.s32 $0x4000  }
0x21: {  	[tilespmem:s16], [sflag:$0x2] =	stream.linear.gather [hbm4b:s14+s1], $0x1000, $0x38;
	[tilespmem:$0xF000] =	vst v63  }
0x22: {  	[dreg:$0x11] =	wrdreg s2;
	s18 =	simm.s32 $0x6000  }
0x23: {  	[tilespmem:s18], [sflag:$0x2] =	stream.linear.gather [hbm4b:s31+s1], $0x800, $0x38;
	[tilespmem:$0xF000] =	vst v63  }
0x24: {  	s23 =	rddreg [dreg:$0xc];
	s24 =	simm.s32 $0x5000  }
0x25: {  	[tilespmem:s24], [sflag:$0x3] =	stream.linear.gather [hbm4b:s23+s1], $0x1000, $0x38;
	[tilespmem:$0xF000] =	vst v63  }
0x26: {  	s28 =	rddreg [dreg:$0xd];
	s30 =	simm.s32 $0x6800;
	s31 =	simm.s32 $0x1  }
0x27: {  	[tilespmem:s30], [sflag:$0x3] =	stream.linear.gather [hbm4b:s28+s1], $0x800, $0x38;
	[tilespmem:$0xF000] =	vst v63  }
0x28: {  	_ =	swait.ge [sflag:s31], $0x4000  }
0x29: {  	[sflag:s31] =	ssyncset.done $0x0  }
0x2a: {  	s1 =	simm.s32 $0x0;
	[sflag:s31] =	ssyncadd.s32 $0xFFFFC000  }
.LBB2_2:
0x2b: {  	[dreg:$0x12] =	wrdreg s1;
	s0 =	simm.s32 $0x2  }
0x2c: {  	_ =	swait.ge [sflag:s0], $0x1000  }
0x2d: {  	[sflag:s0] =	ssyncset.done $0x0  }
0x2e: {  	[sflag:s0] =	ssyncadd.s32 $0xFFFFF000  }
0x2f: {  	_ =	swait.ge [sflag:s0], $0x800  }
0x30: {  	p1 =	seq.s32 s1, $0x0;
	s2 =	simm.s32 $0x0;
	[sflag:s0] =	ssyncset.done $0x0  }
0x31: {  	s4 =	simm.s32 $0x0;
	s3 =	simm.s32 @!p1 $0x4;
	[sflag:s0] =	ssyncadd.s32 $0xFFFFF800  }
0x32: {  	s11 =	sand.u32 $0x60, s2;
	s5 =	sand.u32 $0xFFFFFF00, s4;
	_ =	swait.ge @!p1 [sflag:s3], $0x4000  }
0x33: {  	s4 =	sadd.s32 $0x6000, s5;
	s2 =	sor.u32 $0x10, s11;
	[sflag:s3] =	ssyncset.done @!p1 $0x0  }
0x34: {  	s5 =	simm.s32 $0x0;
	s8 =	sor.u32 s2, s4;
	[sflag:s3] =	ssyncadd.s32 @!p1 $0xFFFFC000  }
0x35: {  	s4 =	sor.u32 s11, s4;
	s5 =	sand.u32 $0x3FFFFE00, s5;
	v8 =	vld [tilespmem:s8+$0x0]  }
0x36: {  	s5 =	sadd.s32 $0x4000, s5;
	v2 =	vld [tilespmem:s4+$0x0]  }
0x37: {  	s13 =	sor.u32 s2, s5;
	v0 =	vld [tilespmem:s4+$0x80]  }
0x38: {  	v6 =	vld [tilespmem:s13+$0x80]  }
0x39: {  	v7 =	vld [tilespmem:s8+$0x80]  }
0x3a: {  	v1 =	vld [tilespmem:s13+$0x180]  }
0x3b: {  	v3 =	vld [tilespmem:s13+$0x0]  }
0x3c: {  	s1 =	simm.s32 $0x0;
	v4 =	vld [tilespmem:s13+$0x100]  }
0x3d: {  	s24 =	simm.s32 $0x400;
	v5 =	vld.idx.msk [tilespmem:v8+s1+$0x0], $0xffff  }
0x3e: {  	v9 =	vld.idx.msk [tilespmem:v8+s24+$0x0], $0xffff  }
0x3f: {  	v10 =	vld.idx.msk [tilespmem:v8+s17+$0x0], $0xffff  }
0x40: {  	v11 =	vld.idx.msk [tilespmem:v8+s19+$0x0], $0xffff  }
0x41: {  	v12 =	vld.idx.msk [tilespmem:v8+s20+$0x0], $0xffff  }
0x42: {  	v13 =	vld.idx.msk [tilespmem:v8+s21+$0x0], $0xffff  }
0x43: {  	v14 =	vld.idx.msk [tilespmem:v8+s22+$0x0], $0xffff  }
0x44: {  	v15 =	vld.idx.msk [tilespmem:v8+s6+$0x0], $0xffff  }
0x45: {  	v16 =	vld.idx.msk [tilespmem:v2+s1+$0x0], $0xffff  }
0x46: {  	v18 =	vld.idx.msk [tilespmem:v2+s24+$0x0], $0xffff  }
0x47: {  	v25 =	vld.idx.msk [tilespmem:v7+s1+$0x0], $0xffff;
	v17 =	vmul.f32 v5, v6  }
0x48: {  	v27 =	vld.idx.msk [tilespmem:v7+s24+$0x0], $0xffff;
	v19 =	vmul.f32 v9, v6;
	v20 =	vmul.f32 v10, v6  }
0x49: {  	v28 =	vld.idx.msk [tilespmem:v7+s17+$0x0], $0xffff;
	v21 =	vmul.f32 v11, v6;
	v22 =	vmul.f32 v12, v6  }
0x4a: {  	v29 =	vld.idx.msk [tilespmem:v7+s19+$0x0], $0xffff;
	v23 =	vmul.f32 v13, v6;
	v24 =	vmul.f32 v14, v6  }
0x4b: {  	v30 =	vld.idx.msk [tilespmem:v7+s20+$0x0], $0xffff;
	v5 =	vmul.f32 v5, v1;
	v26 =	vmul.f32 v15, v6  }
0x4c: {  	v31 =	vld.idx.msk [tilespmem:v7+s21+$0x0], $0xffff;
	v9 =	vmul.f32 v9, v1;
	v10 =	vmul.f32 v10, v1  }
0x4d: {  	v33 =	vld.idx.msk [tilespmem:v7+s22+$0x0], $0xffff;
	v11 =	vmul.f32 v11, v1;
	v12 =	vmul.f32 v12, v1;
	v17 =	vadd.f32 v17, v3  }
0x4e: {  	v34 =	vld.idx.msk [tilespmem:v0+s24+$0x0], $0xffff;
	v13 =	vmul.f32 v13, v1;
	v19 =	vadd.f32 v19, v3;
	v5 =	vadd.f32 v5, v4  }
0x4f: {  	v36 =	vld.idx.msk [tilespmem:v0+s17+$0x0], $0xffff;
	v14 =	vmul.f32 v14, v1;
	v20 =	vadd.f32 v20, v3;
	v9 =	vadd.f32 v9, v4  }
0x50: {  	v38 =	vld.idx.msk [tilespmem:v0+s19+$0x0], $0xffff;
	v32 =	vmul.f32 v15, v1;
	v21 =	vadd.f32 v21, v3;
	v10 =	vadd.f32 v10, v4  }
0x51: {  	s14 =	simm.s32 $0x0;
	v39 =	vld.idx.msk [tilespmem:v0+s20+$0x0], $0xffff;
	v22 =	vadd.f32 v22, v3;
	v11 =	vadd.f32 v11, v4;
	v5 =	vmul.f32 v5, v25  }
0x52: {  	s3 =	sand.u32 $0x3FFFFC00, s14;
	v23 =	vadd.f32 v23, v3;
	v12 =	vadd.f32 v12, v4;
	v25 =	vld.idx.msk [tilespmem:v7+s6+$0x0], $0xffff;
	v9 =	vmul.f32 v9, v27  }
0x53: {  	s16 =	sadd.s32 $0x7000, s3;
	v13 =	vadd.f32 v13, v4;
	v27 =	vld.idx.msk [tilespmem:v2+s17+$0x0], $0xffff;
	v10 =	vmul.f32 v10, v28;
	v15 =	vadd.f32 v5, v17  }
0x54: {  	s18 =	sor.u32 s2, s16;
	v14 =	vadd.f32 v14, v4;
	v11 =	vmul.f32 v11, v29;
	v29 =	vld.idx.msk [tilespmem:v0+s1+$0x0], $0xffff;
	v9 =	vadd.f32 v9, v19  }
0x55: {  	s5 =	sor.u32 s11, s5;
	v12 =	vmul.f32 v12, v30;
	v17 =	vld.idx.msk [tilespmem:v2+s19+$0x0], $0xffff;
	v10 =	vadd.f32 v10, v20;
	[tilespmem:s18+$0x0] =	vst v15  }
0x56: {  	v5 =	vld [tilespmem:s5+$0x180];
	v11 =	vadd.f32 v11, v21;
	v19 =	vmul.f32 v13, v31;
	v20 =	vadd.f32 v32, v4;
	[tilespmem:s18+$0x80] =	vst v9  }
0x57: {  	v13 =	vld [tilespmem:s5+$0x100];
	v21 =	vmul.f32 v14, v33;
	v9 =	vadd.f32 v12, v22;
	v12 =	vadd.f32 v24, v3;
	[tilespmem:s18+$0x100] =	vst v10  }
0x58: {  	v14 =	vld [tilespmem:s5+$0x0];
	v10 =	vadd.f32 v19, v23;
	v19 =	vadd.f32 v26, v3;
	[tilespmem:s18+$0x180] =	vst v11;
	v20 =	vmul.f32 v20, v25  }
0x59: {  	v15 =	vld [tilespmem:s5+$0x80];
	v12 =	vadd.f32 v21, v12;
	[tilespmem:s18+$0x200] =	vst v9  }
0x5a: {  	v11 =	vld.idx.msk [tilespmem:v2+s20+$0x0], $0xffff;
	[tilespmem:s18+$0x280] =	vst v10;
	v19 =	vadd.f32 v20, v19  }
0x5b: {  	v9 =	vld.idx.msk [tilespmem:v2+s21+$0x0], $0xffff;
	[tilespmem:s18+$0x300] =	vst v12  }
0x5c: {  	v10 =	vld.idx.msk [tilespmem:v2+s22+$0x0], $0xffff;
	[tilespmem:s18+$0x380] =	vst v19  }
0x5d: {  	v20 =	vld.idx.msk [tilespmem:v8+s9+$0x0], $0xffff  }
0x5e: {  	v21 =	vld.idx.msk [tilespmem:v8+s12+$0x0], $0xffff  }
0x5f: {  	v24 =	vld.idx.msk [tilespmem:v8+s25+$0x0], $0xffff  }
0x60: {  	v22 =	vmul.f32 v18, v5;
	v25 =	vld.idx.msk [tilespmem:v8+s26+$0x0], $0xffff  }
0x61: {  	v23 =	vmul.f32 v27, v5;
	v28 =	vmul.f32 v17, v5;
	v26 =	vld.idx.msk [tilespmem:v8+s29+$0x0], $0xffff  }
0x62: {  	v19 =	vmul.f32 v16, v5;
	v16 =	vmul.f32 v16, v15;
	v22 =	vadd.f32 v22, v13;
	v30 =	vld.idx.msk [tilespmem:v8+s7+$0x0], $0xffff  }
0x63: {  	v23 =	vadd.f32 v23, v13;
	v18 =	vmul.f32 v18, v15;
	v27 =	vmul.f32 v27, v15;
	v31 =	vld.idx.msk [tilespmem:v8+s10+$0x0], $0xffff  }
0x64: {  	v28 =	vadd.f32 v28, v13;
	v60 =	vld.idx.msk [tilespmem:v8+s15+$0x0], $0xffff;
	v8 =	vadd.f32 v16, v14;
	v16 =	vmul.f32 v17, v15  }
0x65: {  	s30 =	simm.s32 $0x1C00;
	v40 =	vld.idx.msk [tilespmem:v0+s21+$0x0], $0xffff;
	v19 =	vadd.f32 v19, v13;
	v17 =	vmul.f32 v11, v5;
	v61 =	vmul.f32 v9, v5  }
0x66: {  	v12 =	vld.idx.msk [tilespmem:v2+s30+$0x0], $0xffff;
	v18 =	vadd.f32 v18, v14;
	v9 =	vmul.f32 v9, v15;
	v35 =	vmul.f32 v10, v5  }
0x67: {  	v63 =	vld.idx.msk [tilespmem:v7+s9+$0x0], $0xffff;
	v10 =	vmul.f32 v10, v15;
	v27 =	vadd.f32 v27, v14;
	v22 =	vmul.f32 v22, v34  }
0x68: {  	s31 =	simm.s32 $0x40;
	s14 =	simm.s32 $0x20;
	v52 =	vld.idx.msk [tilespmem:v7+s12+$0x0], $0xffff;
	v23 =	vmul.f32 v23, v36;
	v17 =	vadd.f32 v17, v13;
	v33 =	vadd.f32 v61, v13  }
0x69: {  	s0 =	simm.s32 $0x80;
	s4 =	sand.u32 $0xFFFFFF00, s31;
	s5 =	sand.u32 $0x60, s14;
	v19 =	vmul.f32 v19, v29;
	v29 =	vadd.f32 v9, v14;
	v9 =	vld.idx.msk [tilespmem:v0+s22+$0x0], $0xffff;
	v62 =	vadd.f32 v10, v14  }
0x6a: {  	s4 =	sadd.s32 $0x6000, s4;
	s6 =	sor.u32 $0x10, s5;
	s7 =	sand.u32 $0x3FFFFE00, s0;
	v10 =	vld.idx.msk [tilespmem:v0+s30+$0x0], $0xffff;
	v18 =	vadd.f32 v22, v18;
	v22 =	vadd.f32 v23, v27  }
0x6b: {  	s28 =	sor.u32 s11, s16;
	s8 =	sor.u32 s6, s4;
	s13 =	sadd.s32 $0x4000, s7;
	v37 =	vmul.f32 v12, v5;
	v35 =	vadd.f32 v35, v13;
	v12 =	vmul.f32 v12, v15;
	v23 =	vld.idx.msk [tilespmem:v7+s25+$0x0], $0xffff  }
0x6c: {  	v11 =	vmul.f32 v11, v15;
	s7 =	sor.u32 s6, s13;
	v16 =	vadd.f32 v16, v14;
	v8 =	vadd.f32 v19, v8;
	[tilespmem:s28+$0x100] =	vst v22;
	v22 =	vld [tilespmem:s8+$0x80]  }
0x6d: {  	v19 =	vadd.f32 v12, v14;
	v12 =	vmul.f32 v28, v38;
	v27 =	vmul.f32 v20, v6;
	v28 =	vld [tilespmem:s7+$0x180]  }
0x6e: {  	v11 =	vadd.f32 v11, v14;
	v56 =	vmul.f32 v26, v6;
	v45 =	vmul.f32 v26, v1;
	v26 =	vld [tilespmem:s7+$0x0]  }
0x6f: {  	[tilespmem:s28+$0x0] =	vst v8;
	v8 =	vmul.f32 v33, v40;
	v16 =	vadd.f32 v12, v16;
	v12 =	vld.idx.msk [tilespmem:v7+s26+$0x0], $0xffff  }
0x70: {  	v37 =	vadd.f32 v37, v13;
	v17 =	vmul.f32 v17, v39;
	v46 =	vadd.f32 v27, v3;
	v27 =	vld [tilespmem:s7+$0x100]  }
0x71: {  	s23 =	simm.s32 $0x3400;
	[tilespmem:s28+$0x80] =	vst v18;
	v18 =	vmul.f32 v35, v9;
	v9 =	vld.idx.msk [tilespmem:v7+s29+$0x0], $0xffff;
	v8 =	vadd.f32 v8, v29  }
0x72: {  	v11 =	vadd.f32 v17, v11;
	v17 =	vmul.f32 v37, v10;
	v10 =	vld.idx.msk [tilespmem:v7+s23+$0x0], $0xffff;
	[tilespmem:s28+$0x180] =	vst v16  }
0x73: {  	v16 =	vadd.f32 v18, v62;
	[tilespmem:s28+$0x280] =	vst v8;
	v8 =	vld [tilespmem:s8+$0x0]  }
0x74: {  	[tilespmem:s28+$0x200] =	vst v11;
	v11 =	vld.idx.msk [tilespmem:v7+s10+$0x0], $0xffff;
	v17 =	vadd.f32 v17, v19  }
0x75: {  	v7 =	vld.idx.msk [tilespmem:v7+s15+$0x0], $0xffff;
	[tilespmem:s28+$0x300] =	vst v16  }
0x76: {  	v53 =	vmul.f32 v21, v6;
	v29 =	vld [tilespmem:s7+$0x80];
	[tilespmem:s28+$0x380] =	vst v17  }
0x77: {  	v54 =	vmul.f32 v24, v6;
	v55 =	vmul.f32 v25, v6;
	v18 =	vld.idx.msk [tilespmem:v2+s9+$0x0], $0xffff  }
0x78: {  	v41 =	vmul.f32 v30, v6;
	v34 =	vmul.f32 v31, v6;
	v19 =	vld.idx.msk [tilespmem:v2+s12+$0x0], $0xffff  }
0x79: {  	v20 =	vmul.f32 v20, v1;
	v6 =	vmul.f32 v60, v6;
	v17 =	vld.idx.msk [tilespmem:v2+s25+$0x0], $0xffff  }
0x7a: {  	v21 =	vmul.f32 v21, v1;
	v24 =	vmul.f32 v24, v1;
	v16 =	vld.idx.msk [tilespmem:v2+s26+$0x0], $0xffff  }
0x7b: {  	v25 =	vmul.f32 v25, v1;
	v47 =	vadd.f32 v53, v3;
	v20 =	vadd.f32 v20, v4;
	v57 =	vld.idx.msk [tilespmem:v8+s1+$0x0], $0xffff  }
0x7c: {  	v48 =	vmul.f32 v31, v1;
	v21 =	vadd.f32 v21, v4;
	v31 =	vadd.f32 v24, v4;
	v42 =	vld.idx.msk [tilespmem:v8+s24+$0x0], $0xffff  }
0x7d: {  	v30 =	vmul.f32 v30, v1;
	v36 =	vadd.f32 v56, v3;
	v39 =	vadd.f32 v25, v4;
	v43 =	vld.idx.msk [tilespmem:v8+s17+$0x0], $0xffff  }
0x7e: {  	v49 =	vmul.f32 v60, v1;
	v41 =	vadd.f32 v41, v3;
	v56 =	vadd.f32 v45, v4;
	v44 =	vld.idx.msk [tilespmem:v8+s19+$0x0], $0xffff  }
0x7f: {  	v34 =	vadd.f32 v34, v3;
	v1 =	vmul.f32 v20, v63;
	v38 =	vmul.f32 v21, v52;
	v33 =	vld.idx.msk [tilespmem:v8+s20+$0x0], $0xffff  }
0x80: {  	v35 =	vadd.f32 v54, v3;
	v23 =	vmul.f32 v31, v23;
	v25 =	vld.idx.msk [tilespmem:v8+s21+$0x0], $0xffff;
	v21 =	vmul.f32 v57, v28  }
0x81: {  	v46 =	vadd.f32 v1, v46;
	v20 =	vld.idx.msk [tilespmem:v22+s1+$0x0], $0xffff;
	v1 =	vmul.f32 v57, v29;
	v58 =	vmul.f32 v42, v28  }
0x82: {  	v37 =	vadd.f32 v55, v3;
	v24 =	vld.idx.msk [tilespmem:v22+s24+$0x0], $0xffff;
	v59 =	vmul.f32 v42, v29;
	v60 =	vmul.f32 v43, v29  }
0x83: {  	v3 =	vadd.f32 v6, v3;
	v50 =	vld.idx.msk [tilespmem:v22+s17+$0x0], $0xffff;
	v51 =	vmul.f32 v44, v29;
	v43 =	vmul.f32 v43, v28  }
0x84: {  	v52 =	vld.idx.msk [tilespmem:v22+s19+$0x0], $0xffff;
	v44 =	vmul.f32 v44, v28;
	v54 =	vmul.f32 v33, v28;
	v21 =	vadd.f32 v21, v27  }
0x85: {  	v61 =	vld.idx.msk [tilespmem:v22+s20+$0x0], $0xffff;
	v63 =	vmul.f32 v25, v28;
	v32 =	vadd.f32 v58, v27;
	v1 =	vadd.f32 v1, v26  }
0x86: {  	v62 =	vld.idx.msk [tilespmem:v22+s21+$0x0], $0xffff;
	v33 =	vmul.f32 v33, v29;
	v43 =	vadd.f32 v43, v27;
	v44 =	vadd.f32 v44, v27  }
0x87: {  	s8 =	sadd.s32 $0x9000, s3;
	v53 =	vld.idx.msk [tilespmem:v8+s22+$0x0], $0xffff;
	v42 =	vadd.f32 v60, v26;
	v57 =	vadd.f32 v54, v27;
	v20 =	vmul.f32 v21, v20  }
0x88: {  	s16 =	sor.u32 s5, s4;
	s28 =	sor.u32 s2, s8;
	s9 =	simm.s32 $0x100;
	v51 =	vadd.f32 v51, v26;
	v33 =	vadd.f32 v33, v26;
	v24 =	vmul.f32 v32, v24;
	v32 =	vld.idx.msk [tilespmem:v8+s30+$0x0], $0xffff  }
0x89: {  	[tilespmem:s28+$0x0] =	vst v46;
	s7 =	sand.u32 $0x3FFFFC00, s9;
	v21 =	vadd.f32 v59, v26;
	v43 =	vmul.f32 v43, v50;
	v20 =	vadd.f32 v20, v1;
	v1 =	vld [tilespmem:s16+$0x0]  }
0x8a: {  	s4 =	sadd.s32 $0x7000, s7;
	v58 =	vld.idx.msk [tilespmem:v22+s22+$0x0], $0xffff;
	v59 =	vmul.f32 v25, v29;
	v40 =	vmul.f32 v57, v61;
	v25 =	vadd.f32 v63, v27  }
0x8b: {  	s23 =	simm.s32 $0x3400;
	s18 =	sor.u32 s6, s4;
	v60 =	vld.idx.msk [tilespmem:v22+s30+$0x0], $0xffff;
	v21 =	vadd.f32 v24, v21;
	v24 =	vmul.f32 v44, v52;
	v42 =	vadd.f32 v43, v42  }
0x8c: {  	v50 =	vmul.f32 v25, v62;
	v25 =	vld.idx.msk [tilespmem:v2+s23+$0x0], $0xffff;
	[tilespmem:s18+$0x0] =	vst v20;
	v20 =	vmul.f32 v53, v28  }
0x8d: {  	v63 =	vadd.f32 v59, v26;
	v61 =	vadd.f32 v24, v51;
	v24 =	vld.idx.msk [tilespmem:v2+s29+$0x0], $0xffff;
	v62 =	vmul.f32 v32, v28  }
0x8e: {  	[tilespmem:s18+$0x80] =	vst v21;
	v53 =	vmul.f32 v53, v29;
	v21 =	vld.idx.msk [tilespmem:v2+s15+$0x0], $0xffff;
	v55 =	vadd.f32 v20, v27  }
0x8f: {  	v40 =	vadd.f32 v40, v33;
	v32 =	vmul.f32 v32, v29;
	v20 =	vld.idx.msk [tilespmem:v2+s10+$0x0], $0xffff;
	v51 =	vadd.f32 v62, v27  }
0x90: {  	[tilespmem:s18+$0x100] =	vst v42;
	v54 =	vadd.f32 v50, v63;
	v53 =	vadd.f32 v53, v26;
	v2 =	vld [tilespmem:s16+$0x80];
	v43 =	vmul.f32 v55, v58  }
0x91: {  	[tilespmem:s18+$0x200] =	vst v40;
	v55 =	vadd.f32 v32, v26;
	v51 =	vmul.f32 v51, v60;
	v33 =	vld.idx.msk [tilespmem:v1+s1+$0x0], $0xffff  }
0x92: {  	v35 =	vadd.f32 v23, v35;
	[tilespmem:s18+$0x180] =	vst v61;
	v43 =	vadd.f32 v43, v53;
	v32 =	vld.idx.msk [tilespmem:v1+s24+$0x0], $0xffff  }
0x93: {  	v23 =	vadd.f32 v48, v4;
	[tilespmem:s18+$0x280] =	vst v54;
	v31 =	vld.idx.msk [tilespmem:v1+s17+$0x0], $0xffff;
	v57 =	vadd.f32 v51, v55  }
0x94: {  	v12 =	vmul.f32 v39, v12;
	v58 =	vadd.f32 v30, v4;
	v30 =	vld.idx.msk [tilespmem:v1+s19+$0x0], $0xffff;
	[tilespmem:s18+$0x300] =	vst v43  }
0x95: {  	v38 =	vadd.f32 v38, v47;
	s9 =	sadd.s32 $0x9080, s3;
	v6 =	vmul.f32 v18, v5;
	v46 =	vld.idx.msk [tilespmem:v1+s20+$0x0], $0xffff;
	[tilespmem:s18+$0x380] =	vst v57;
	s18 =	simm.s32 $0x2000  }
0x96: {  	v9 =	vmul.f32 v56, v9;
	v12 =	vadd.f32 v12, v37;
	v11 =	vmul.f32 v23, v11;
	s31 =	sor.u32 s2, s9;
	v59 =	vld.idx.msk [tilespmem:v8+s18+$0x0], $0xffff  }
0x97: {  	[tilespmem:s31+$0x0] =	vst v38;
	v18 =	vmul.f32 v18, v15;
	v23 =	vadd.f32 v6, v13;
	v60 =	vld.idx.msk [tilespmem:v8+s12+$0x0], $0xffff  }
0x98: {  	v6 =	vmul.f32 v16, v5;
	v16 =	vmul.f32 v16, v15;
	v4 =	vadd.f32 v49, v4;
	v38 =	vld.idx.msk [tilespmem:v8+s25+$0x0], $0xffff  }
0x99: {  	v34 =	vadd.f32 v11, v34;
	v11 =	vmul.f32 v25, v5;
	v48 =	vmul.f32 v21, v5;
	v39 =	vld.idx.msk [tilespmem:v8+s26+$0x0], $0xffff  }
0x9a: {  	v36 =	vadd.f32 v9, v36;
	v10 =	vmul.f32 v58, v10;
	v4 =	vmul.f32 v4, v7;
	v42 =	vld.idx.msk [tilespmem:v8+s29+$0x0], $0xffff  }
0x9b: {  	s16 =	simm.s32 $0x3800;
	v58 =	vadd.f32 v11, v13;
	v61 =	vmul.f32 v20, v5;
	v55 =	vadd.f32 v6, v13;
	v44 =	vld.idx.msk [tilespmem:v8+s23+$0x0], $0xffff  }
0x9c: {  	s10 =	sadd.s32 $0x9100, s3;
	v43 =	vadd.f32 v4, v3;
	v3 =	vmul.f32 v19, v5;
	v4 =	vmul.f32 v17, v5;
	v45 =	vld.idx.msk [tilespmem:v8+s16+$0x0], $0xffff  }
0x9d: {  	v41 =	vadd.f32 v10, v41;
	v10 =	vmul.f32 v24, v5;
	v47 =	vld.idx.msk [tilespmem:v8+s15+$0x0], $0xffff;
	s16 =	sor.u32 s2, s10;
	v62 =	vmul.f32 v59, v29  }
0x9e: {  	s12 =	sadd.s32 $0x9180, s3;
	v9 =	vadd.f32 v4, v13;
	[tilespmem:s16+$0x0] =	vst v35;
	v35 =	vmul.f32 v60, v29;
	v4 =	vmul.f32 v59, v28  }
0x9f: {  	v49 =	vld.idx.msk [tilespmem:v1+s22+$0x0], $0xffff;
	v57 =	vadd.f32 v61, v13;
	s23 =	sor.u32 s2, s12;
	s16 =	sadd.s32 $0x9200, s3;
	v40 =	vmul.f32 v38, v29;
	v50 =	vmul.f32 v39, v29  }
0xa0: {  	s13 =	sor.u32 s5, s13;
	v7 =	vadd.f32 v3, v13;
	[tilespmem:s23+$0x0] =	vst v12;
	s15 =	sor.u32 s2, s16;
	v51 =	vmul.f32 v42, v29;
	v52 =	vmul.f32 v44, v29  }
0xa1: {  	v6 =	vld [tilespmem:s13+$0x80];
	v56 =	vadd.f32 v10, v13;
	[tilespmem:s15+$0x0] =	vst v36;
	v36 =	vmul.f32 v45, v29;
	v37 =	vmul.f32 v60, v28  }
0xa2: {  	v3 =	vld [tilespmem:s13+$0x180];
	v13 =	vadd.f32 v48, v13;
	v29 =	vmul.f32 v47, v29;
	v38 =	vmul.f32 v38, v28  }
0xa3: {  	s31 =	simm.s32 $0x2400;
	v5 =	vld.idx.msk [tilespmem:v22+s18+$0x0], $0xffff;
	v39 =	vmul.f32 v39, v28;
	v42 =	vmul.f32 v42, v28;
	v63 =	vadd.f32 v4, v27  }
0xa4: {  	v53 =	vld.idx.msk [tilespmem:v22+s31+$0x0], $0xffff;
	v44 =	vmul.f32 v44, v28;
	v61 =	vadd.f32 v62, v26;
	v37 =	vadd.f32 v37, v27  }
0xa5: {  	v60 =	vld.idx.msk [tilespmem:v22+s25+$0x0], $0xffff;
	v45 =	vmul.f32 v45, v28;
	v38 =	vadd.f32 v38, v27;
	v35 =	vadd.f32 v35, v26  }
0xa6: {  	v54 =	vld.idx.msk [tilespmem:v2+s21+$0x0], $0xffff;
	v28 =	vmul.f32 v47, v28;
	v40 =	vadd.f32 v40, v26;
	v39 =	vadd.f32 v39, v27  }
0xa7: {  	v47 =	vmul.f32 v32, v3;
	v62 =	vld.idx.msk [tilespmem:v22+s26+$0x0], $0xffff;
	v42 =	vadd.f32 v42, v27;
	v44 =	vadd.f32 v44, v27  }
0xa8: {  	s18 =	sadd.s32 $0x9280, s3;
	v4 =	vld [tilespmem:s13+$0x100];
	v45 =	vadd.f32 v45, v27;
	v27 =	vadd.f32 v28, v27;
	v28 =	vmul.f32 v31, v3  }
0xa9: {  	s15 =	sor.u32 s2, s18;
	v52 =	vadd.f32 v52, v26;
	v31 =	vmul.f32 v31, v6;
	v59 =	vmul.f32 v63, v5;
	v63 =	vld.idx.msk [tilespmem:v22+s29+$0x0], $0xffff  }
0xaa: {  	s0 =	simm.s32 $0x3400;
	[tilespmem:s15+$0x0] =	vst v41;
	v36 =	vadd.f32 v36, v26;
	v5 =	vld [tilespmem:s13+$0x0];
	v37 =	vmul.f32 v37, v53;
	v38 =	vmul.f32 v38, v60  }
0xab: {  	s28 =	simm.s32 $0x3800;
	v53 =	vmul.f32 v24, v15;
	v60 =	vadd.f32 v50, v26;
	v41 =	vadd.f32 v59, v61;
	v59 =	vld.idx.msk [tilespmem:v22+s0+$0x0], $0xffff  }
0xac: {  	s23 =	simm.s32 $0x3C00;
	v35 =	vadd.f32 v37, v35;
	v61 =	vld.idx.msk [tilespmem:v22+s28+$0x0], $0xffff;
	v39 =	vmul.f32 v39, v62;
	v38 =	vadd.f32 v38, v40  }
0xad: {  	v22 =	vld.idx.msk [tilespmem:v22+s23+$0x0], $0xffff;
	v62 =	vmul.f32 v33, v3;
	v47 =	vadd.f32 v47, v4;
	v28 =	vadd.f32 v28, v4  }
0xae: {  	v37 =	vld.idx.msk [tilespmem:v1+s21+$0x0], $0xffff;
	v33 =	vmul.f32 v33, v6;
	v42 =	vmul.f32 v42, v63;
	v39 =	vadd.f32 v39, v60  }
0xaf: {  	v63 =	vadd.f32 v51, v26;
	v60 =	vld.idx.msk [tilespmem:v2+s24+$0x0], $0xffff;
	v40 =	vadd.f32 v62, v4;
	v62 =	vmul.f32 v30, v3  }
0xb0: {  	v26 =	vadd.f32 v29, v26;
	v29 =	vld.idx.msk [tilespmem:v2+s19+$0x0], $0xffff;
	v33 =	vadd.f32 v33, v5;
	v30 =	vmul.f32 v30, v6  }
0xb1: {  	s19 =	sadd.s32 $0x9300, s3;
	v24 =	vadd.f32 v31, v5;
	v31 =	vmul.f32 v46, v6;
	v44 =	vmul.f32 v44, v59;
	v59 =	vld.idx.msk [tilespmem:v2+s1+$0x0], $0xffff  }
0xb2: {  	s21 =	sadd.s32 $0x9380, s3;
	s24 =	sor.u32 s2, s19;
	v42 =	vadd.f32 v42, v63;
	v45 =	vmul.f32 v45, v61;
	v61 =	vld.idx.msk [tilespmem:v2+s17+$0x0], $0xffff;
	v22 =	vmul.f32 v27, v22  }
0xb3: {  	s2 =	sor.u32 s2, s21;
	v27 =	vld.idx.msk [tilespmem:v2+s20+$0x0], $0xffff;
	v63 =	vmul.f32 v46, v3;
	[tilespmem:s24+$0x0] =	vst v34;
	s20 =	sadd.s32 $0x9000, s7;
	v30 =	vadd.f32 v30, v5  }
0xb4: {  	v17 =	vmul.f32 v17, v15;
	s23 =	sadd.s32 $0x9080, s7;
	v31 =	vadd.f32 v31, v5;
	[tilespmem:s2+$0x0] =	vst v43;
	s25 =	sor.u32 s6, s20;
	v44 =	vadd.f32 v44, v52  }
0xb5: {  	v50 =	vmul.f32 v19, v15;
	s26 =	sor.u32 s6, s23;
	s24 =	sadd.s32 $0x9100, s7;
	v36 =	vadd.f32 v45, v36;
	v51 =	vadd.f32 v63, v4;
	[tilespmem:s25+$0x0] =	vst v41  }
0xb6: {  	s28 =	sor.u32 s6, s24;
	v22 =	vadd.f32 v22, v26;
	s25 =	sadd.s32 $0x9180, s7;
	v47 =	vmul.f32 v47, v60;
	v60 =	vmul.f32 v37, v3;
	[tilespmem:s26+$0x0] =	vst v35  }
0xb7: {  	v52 =	vld.idx.msk [tilespmem:v1+s30+$0x0], $0xffff;
	s26 =	sadd.s32 $0x9200, s7;
	s29 =	sor.u32 s6, s25;
	v37 =	vmul.f32 v37, v6;
	[tilespmem:s28+$0x0] =	vst v38;
	v40 =	vmul.f32 v40, v59  }
0xb8: {  	s28 =	sadd.s32 $0x9280, s7;
	s0 =	sor.u32 s6, s26;
	v59 =	vadd.f32 v62, v4;
	v28 =	vmul.f32 v28, v61;
	v62 =	vmul.f32 v49, v3;
	[tilespmem:s29+$0x0] =	vst v39  }
0xb9: {  	v61 =	vld.idx.msk [tilespmem:v2+s22+$0x0], $0xffff;
	v26 =	vmul.f32 v51, v27;
	v27 =	vmul.f32 v32, v6;
	s1 =	sor.u32 s6, s28;
	s29 =	sadd.s32 $0x9300, s7;
	[tilespmem:s0+$0x0] =	vst v42  }
0xba: {  	v63 =	vadd.f32 v60, v4;
	[tilespmem:s1+$0x0] =	vst v44;
	v28 =	vadd.f32 v28, v24;
	v24 =	vld.idx.msk [tilespmem:v2+s30+$0x0], $0xffff;
	s30 =	sadd.s32 $0x9380, s7;
	s7 =	sor.u32 s6, s29  }
0xbb: {  	v60 =	vmul.f32 v21, v15;
	v19 =	vadd.f32 v27, v5;
	v27 =	vadd.f32 v40, v33;
	[tilespmem:s7+$0x0] =	vst v36;
	s13 =	sor.u32 s6, s30  }
0xbc: {  	s17 =	sor.u32 s5, s4;
	v21 =	vadd.f32 v17, v14;
	v17 =	vadd.f32 v16, v14;
	v29 =	vmul.f32 v59, v29;
	[tilespmem:s13+$0x0] =	vst v22  }
0xbd: {  	v45 =	vmul.f32 v63, v54;
	v34 =	vadd.f32 v62, v4;
	v19 =	vadd.f32 v47, v19;
	[tilespmem:s17+$0x0] =	vst v27  }
0xbe: {  	s10 =	sor.u32 s11, s10;
	s12 =	sor.u32 s11, s12;
	v54 =	vmul.f32 v49, v6;
	v29 =	vadd.f32 v29, v30;
	v30 =	vmul.f32 v52, v3;
	[tilespmem:s17+$0x100] =	vst v28  }
0xbf: {  	s15 =	simm.s32 $0x2000;
	s3 =	simm.s32 $0x2800;
	s2 =	sor.u32 s11, s21;
	v31 =	vadd.f32 v26, v31;
	v22 =	vmul.f32 v20, v15;
	v20 =	vadd.f32 v37, v5;
	[tilespmem:s17+$0x80] =	vst v19  }
0xc0: {  	v25 =	vmul.f32 v25, v15;
	s22 =	simm.s32 $0x2C00;
	s4 =	sor.u32 s5, s29;
	v62 =	vld.idx.msk [tilespmem:v0+s15+$0x0], $0xffff;
	v59 =	vadd.f32 v54, v5;
	v15 =	vadd.f32 v30, v4;
	s21 =	rddreg [dreg:$0x12]  }
0xc1: {  	s1 =	simm.s32 $0x3000;
	s15 =	sor.u32 s11, s8;
	v26 =	vld.idx.msk [tilespmem:v0+s3+$0x0], $0xffff;
	v51 =	vmul.f32 v34, v61;
	v34 =	vmul.f32 v52, v6;
	v30 =	vadd.f32 v45, v20;
	s0 =	sshll.u32 s21, $0xB  }
0xc2: {  	s3 =	sor.u32 s11, s19;
	s19 =	sor.u32 s5, s25;
	v19 =	vadd.f32 v18, v14;
	v20 =	vadd.f32 v50, v14;
	v63 =	vmul.f32 v15, v24;
	v24 =	vld.idx.msk [tilespmem:v0+s31+$0x0], $0xffff;
	[dreg:$0x13] =	wrdreg s0  }
0xc3: {  	s7 =	sor.u32 s11, s18;
	s18 =	sor.u32 s5, s23;
	s8 =	sor.u32 s5, s30;
	v18 =	vadd.f32 v25, v14;
	v16 =	vadd.f32 v22, v14;
	[tilespmem:s17+$0x180] =	vst v29;
	v27 =	vld.idx.msk [tilespmem:v0+s22+$0x0], $0xffff  }
0xc4: {  	s13 =	sor.u32 s11, s9;
	v61 =	vadd.f32 v51, v59;
	s21 =	sor.u32 s5, s28;
	s28 =	simm.s32 $0x3400;
	v29 =	vadd.f32 v34, v5;
	[tilespmem:s17+$0x200] =	vst v31;
	v28 =	vld.idx.msk [tilespmem:v0+s1+$0x0], $0xffff  }
0xc5: {  	s9 =	sor.u32 s11, s16;
	s11 =	sor.u32 s5, s24;
	v22 =	vmul.f32 v23, v62;
	v15 =	vadd.f32 v53, v14;
	s31 =	simm.s32 $0x3800;
	[tilespmem:s17+$0x280] =	vst v30;
	v25 =	vld.idx.msk [tilespmem:v0+s28+$0x0], $0xffff  }
0xc6: {  	v14 =	vadd.f32 v60, v14;
	s22 =	sor.u32 s5, s20;
	s20 =	sor.u32 s5, s26;
	[tilespmem:s17+$0x300] =	vst v61;
	s5 =	simm.s32 $0x2;
	v23 =	vld.idx.msk [tilespmem:v0+s31+$0x0], $0xffff;
	v29 =	vadd.f32 v63, v29  }
.LBB2_3:
0xc7: {  	_ = 	snop  }
0xc8: {  	s5 =	sadd.s32 $0x2, s5;
	[tilespmem:s17+$0x380] =	vst v29;
	s23 =	simm.s32 $0x3C00  }
0xc9: {  	s0 =	simm.s32 $0x2000;
	v29 =	vld.idx.msk [tilespmem:v0+s23+$0x0], $0xffff;
	s17 =	sshll.u32 s5, $0x7  }
0xca: {  	s29 =	simm.s32 $0x2400;
	s14 =	sadd.s32 $0x20, s14;
	v0 =	vmov v2;
	v2 =	vld.idx.msk [tilespmem:v1+s0+$0x0], $0xffff;
	v19 =	vadd.f32 v22, v19;
	s16 =	sshra.s32 s17, $0x2;
	v7 =	vmul.f32 v7, v24  }
0xcb: {  	s28 =	simm.s32 $0x2800;
	v22 =	vld.idx.msk [tilespmem:v1+s29+$0x0], $0xffff;
	s6 =	sand.u32 $0x60, s14;
	s16 =	sand.u32 $0xFFFFFF00, s16;
	v8 =	vmul.f32 v9, v26  }
0xcc: {  	s29 =	simm.s32 $0x2C00;
	v9 =	vmul.f32 v55, v27;
	s30 =	sadd.s32 $0x6000, s16;
	s16 =	sor.u32 $0x10, s6;
	v7 =	vadd.f32 v7, v20;
	v20 =	vld.idx.msk [tilespmem:v1+s28+$0x0], $0xffff;
	[tilespmem:s15+$0x0] =	vst v19  }
0xcd: {  	v10 =	vmul.f32 v56, v28;
	v8 =	vadd.f32 v8, v21;
	s15 =	smov.u32 s22;
	s22 =	sor.u32 s16, s30;
	v19 =	vld.idx.msk [tilespmem:v1+s29+$0x0], $0xffff  }
0xce: {  	s26 =	simm.s32 $0x3000;
	v12 =	vmul.f32 v58, v25;
	v9 =	vadd.f32 v9, v17;
	v25 =	vld [tilespmem:s22+$0x0];
	[tilespmem:s13+$0x0] =	vst v7  }
0xcf: {  	s0 =	sshll.u32 s5, $0x6;
	v7 =	vadd.f32 v10, v15;
	v17 =	vld.idx.msk [tilespmem:v1+s26+$0x0], $0xffff;
	[tilespmem:s10+$0x0] =	vst v8  }
0xd0: {  	s31 =	sor.u32 s6, s30;
	v10 =	vmul.f32 v57, v23;
	v23 =	vld [tilespmem:s22+$0x80];
	s10 =	smov.u32 s11;
	s11 =	sand.u32 $0x3FFFFE00, s0;
	[tilespmem:s12+$0x0] =	vst v9  }
0xd1: {  	v11 =	vmul.f32 v13, v29;
	v8 =	vadd.f32 v12, v18;
	s1 =	sadd.s32 $0x4000, s11;
	v12 =	vld [tilespmem:s31+$0x0];
	[tilespmem:s9+$0x0] =	vst v7  }
0xd2: {  	v13 =	vmul.f32 v2, v3;
	s13 =	smov.u32 s18;
	v9 =	vmul.f32 v2, v6;
	s18 =	sor.u32 s16, s1;
	v2 =	vld [tilespmem:s31+$0x80]  }
0xd3: {  	v27 =	vld [tilespmem:s18+$0x80]  }
0xd4: {  	[tilespmem:s7+$0x0] =	vst v8;
	s31 =	simm.s32 $0x3400;
	v28 =	vld [tilespmem:s18+$0x180]  }
0xd5: {  	s30 =	simm.s32 $0x3800;
	v11 =	vadd.f32 v11, v14;
	v14 =	vld.idx.msk [tilespmem:v1+s31+$0x0], $0xffff  }
0xd6: {  	v10 =	vadd.f32 v10, v16;
	v16 =	vld.idx.msk [tilespmem:v1+s30+$0x0], $0xffff  }
0xd7: {  	s9 =	smov.u32 s20;
	s20 =	simm.s32 $0x0;
	v24 =	vld.idx.msk [tilespmem:v1+s23+$0x0], $0xffff  }
0xd8: {  	s7 =	smov.u32 s21;
	s21 =	simm.s32 $0x400;
	v29 =	vld.idx.msk [tilespmem:v25+s20+$0x0], $0xffff  }
0xd9: {  	s11 =	sor.u32 s6, s1;
	s1 =	simm.s32 $0x800;
	v30 =	vld.idx.msk [tilespmem:v25+s21+$0x0], $0xffff  }
0xda: {  	s25 =	simm.s32 $0xC00;
	v31 =	vld.idx.msk [tilespmem:v25+s1+$0x0], $0xffff  }
0xdb: {  	v15 =	vmul.f32 v22, v6;
	s0 =	simm.s32 $0x1000;
	v7 =	vmul.f32 v22, v3;
	v8 =	vadd.f32 v13, v4;
	v32 =	vld.idx.msk [tilespmem:v25+s25+$0x0], $0xffff  }
0xdc: {  	s22 =	simm.s32 $0x1400;
	v13 =	vmul.f32 v20, v6;
	v18 =	vmul.f32 v19, v6;
	v33 =	vld.idx.msk [tilespmem:v25+s0+$0x0], $0xffff  }
0xdd: {  	v7 =	vadd.f32 v7, v4;
	[tilespmem:$0x1FFE0] =	vst v8;
	v8 =	vmul.f32 v20, v3;
	v34 =	vld.idx.msk [tilespmem:v25+s22+$0x0], $0xffff  }
0xde: {  	[tilespmem:s3+$0x0] =	vst v10;
	v20 =	vmul.f32 v19, v3;
	v26 =	vmul.f32 v17, v6;
	v42 =	vld.idx.msk [tilespmem:v23+s20+$0x0], $0xffff  }
0xdf: {  	v17 =	vmul.f32 v17, v3;
	v19 =	vadd.f32 v9, v5;
	[tilespmem:s2+$0x0] =	vst v11;
	v44 =	vld.idx.msk [tilespmem:v23+s21+$0x0], $0xffff  }
0xe0: {  	v21 =	vadd.f32 v13, v5;
	[tilespmem:$0x1FFD0] =	vst v7;
	v7 =	vadd.f32 v20, v4;
	v1 =	vmov v12;
	v45 =	vld.idx.msk [tilespmem:v23+s1+$0x0], $0xffff  }
0xe1: {  	v20 =	vadd.f32 v15, v5;
	v15 =	vadd.f32 v26, v5;
	v46 =	vld.idx.msk [tilespmem:v23+s25+$0x0], $0xffff;
	v11 =	vmul.f32 v14, v6  }
0xe2: {  	v26 =	vld [tilespmem:s18+$0x100];
	[tilespmem:$0x1FFB0] =	vst v7;
	v7 =	vadd.f32 v17, v4;
	v12 =	vmul.f32 v14, v3;
	v14 =	vmul.f32 v16, v3  }
0xe3: {  	v47 =	vld.idx.msk [tilespmem:v23+s0+$0x0], $0xffff;
	v17 =	vadd.f32 v18, v5;
	v13 =	vmul.f32 v16, v6;
	v6 =	vmul.f32 v24, v6  }
0xe4: {  	s12 =	smov.u32 s19;
	s19 =	simm.s32 $0x1800;
	v49 =	vld.idx.msk [tilespmem:v23+s22+$0x0], $0xffff;
	v3 =	vmul.f32 v24, v3;
	v18 =	vadd.f32 v11, v5;
	v22 =	vadd.f32 v14, v4  }
0xe5: {  	v58 =	vld.idx.msk [tilespmem:v23+s19+$0x0], $0xffff;
	v16 =	vadd.f32 v13, v5;
	v14 =	vadd.f32 v6, v5;
	v5 =	vmul.f32 v29, v27  }
0xe6: {  	v8 =	vadd.f32 v8, v4;
	v24 =	vld [tilespmem:s18+$0x0];
	v6 =	vmul.f32 v30, v27;
	v37 =	vmul.f32 v31, v27  }
0xe7: {  	[tilespmem:$0x1FFA0] =	vst v7;
	v7 =	vadd.f32 v12, v4;
	v38 =	vmul.f32 v32, v27;
	v29 =	vmul.f32 v29, v28  }
0xe8: {  	s24 =	simm.s32 $0x1C00;
	v13 =	vadd.f32 v3, v4;
	v3 =	vld.idx.msk [tilespmem:v25+s19+$0x0], $0xffff;
	v31 =	vmul.f32 v31, v28;
	v32 =	vmul.f32 v32, v28  }
0xe9: {  	v4 =	vld.idx.msk [tilespmem:v25+s24+$0x0], $0xffff;
	v40 =	vmul.f32 v34, v27;
	v34 =	vmul.f32 v34, v28;
	v29 =	vadd.f32 v29, v26  }
0xea: {  	v59 =	vld.idx.msk [tilespmem:v23+s24+$0x0], $0xffff;
	v39 =	vmul.f32 v33, v27;
	v31 =	vadd.f32 v31, v26;
	v32 =	vadd.f32 v32, v26  }
0xeb: {  	v30 =	vmul.f32 v30, v28;
	v35 =	vld.idx.msk [tilespmem:v1+s20+$0x0], $0xffff;
	v34 =	vadd.f32 v34, v26;
	v5 =	vadd.f32 v5, v24  }
0xec: {  	v33 =	vmul.f32 v33, v28;
	v36 =	vld.idx.msk [tilespmem:v1+s21+$0x0], $0xffff;
	v6 =	vadd.f32 v6, v24;
	v37 =	vadd.f32 v37, v24  }
0xed: {  	v60 =	vld.idx.msk [tilespmem:v1+s1+$0x0], $0xffff;
	v39 =	vadd.f32 v39, v24;
	v29 =	vmul.f32 v29, v42;
	v32 =	vmul.f32 v32, v46  }
0xee: {  	v61 =	vld.idx.msk [tilespmem:v1+s25+$0x0], $0xffff;
	v40 =	vadd.f32 v40, v24;
	v41 =	vmul.f32 v3, v27;
	v43 =	vmul.f32 v4, v27  }
0xef: {  	s2 =	smov.u32 s8;
	s8 =	sand.u32 $0x3FFFFC00, s17;
	v52 =	vld.idx.msk [tilespmem:v1+s0+$0x0], $0xffff;
	v48 =	vmul.f32 v3, v28;
	v3 =	vadd.f32 v30, v26;
	v30 =	vadd.f32 v38, v24  }
0xf0: {  	s18 =	sadd.s32 $0x7000, s8;
	v53 =	vld.idx.msk [tilespmem:v1+s22+$0x0], $0xffff;
	v5 =	vadd.f32 v29, v5;
	v29 =	vmul.f32 v31, v45;
	v31 =	vadd.f32 v33, v26  }
0xf1: {  	s3 =	smov.u32 s4;
	s4 =	sor.u32 s16, s18;
	v54 =	vld.idx.msk [tilespmem:v1+s19+$0x0], $0xffff;
	v4 =	vmul.f32 v4, v28;
	v3 =	vmul.f32 v3, v44;
	v30 =	vadd.f32 v32, v30  }
0xf2: {  	v29 =	vadd.f32 v29, v37;
	v31 =	vmul.f32 v31, v47;
	v47 =	vadd.f32 v48, v26;
	[tilespmem:s4+$0x0] =	vst v5  }
0xf3: {  	v48 =	vmul.f32 v34, v49;
	v49 =	vadd.f32 v4, v26;
	v63 =	vadd.f32 v3, v6;
	v3 =	vld [tilespmem:s11+$0x180];
	[tilespmem:s4+$0x180] =	vst v30  }
0xf4: {  	v50 =	vadd.f32 v41, v24;
	v31 =	vadd.f32 v31, v39;
	v37 =	vmul.f32 v47, v58;
	[tilespmem:s4+$0x100] =	vst v29  }
0xf5: {  	v51 =	vadd.f32 v43, v24;
	v6 =	vld [tilespmem:s11+$0x80];
	v29 =	vadd.f32 v48, v40;
	v34 =	vmul.f32 v49, v59;
	[tilespmem:s4+$0x80] =	vst v63  }
0xf6: {  	v56 =	vld.idx.msk [tilespmem:v1+s24+$0x0], $0xffff;
	v30 =	vadd.f32 v37, v50;
	[tilespmem:s4+$0x200] =	vst v31  }
0xf7: {  	v4 =	vld [tilespmem:s11+$0x100];
	v32 =	vadd.f32 v34, v51;
	[tilespmem:s4+$0x280] =	vst v29  }
0xf8: {  	v5 =	vld [tilespmem:s11+$0x0];
	v31 =	vmul.f32 v35, v3;
	v29 =	vmul.f32 v36, v3;
	[tilespmem:s4+$0x300] =	vst v30  }
0xf9: {  	s11 =	simm.s32 $0x2000;
	v48 =	vld.idx.msk [tilespmem:v2+s21+$0x0], $0xffff;
	v55 =	vmul.f32 v60, v3;
	v30 =	vmul.f32 v61, v3;
	[tilespmem:s4+$0x380] =	vst v32  }
0xfa: {  	s17 =	sor.u32 s6, s18;
	s18 =	simm.s32 $0x2400;
	v35 =	vmul.f32 v35, v6;
	v36 =	vmul.f32 v36, v6;
	v46 =	vld.idx.msk [tilespmem:v25+s11+$0x0], $0xffff  }
0xfb: {  	v62 =	vmul.f32 v60, v6;
	v63 =	vmul.f32 v61, v6;
	v44 =	vld.idx.msk [tilespmem:v25+s18+$0x0], $0xffff  }
0xfc: {  	[tilespmem:$0x1FFF0] =	vst v8;
	v57 =	vmul.f32 v52, v3;
	v58 =	vmul.f32 v52, v6;
	v45 =	vld.idx.msk [tilespmem:v25+s28+$0x0], $0xffff  }
0xfd: {  	[tilespmem:$0x1FFC0] =	vst v7;
	v59 =	vmul.f32 v53, v3;
	v60 =	vmul.f32 v53, v6;
	v47 =	vld.idx.msk [tilespmem:v25+s29+$0x0], $0xffff  }
0xfe: {  	v61 =	vmul.f32 v54, v3;
	v49 =	vld.idx.msk [tilespmem:v25+s26+$0x0], $0xffff;
	v34 =	vadd.f32 v31, v4;
	v31 =	vadd.f32 v29, v4  }
0xff: {  	v50 =	vmul.f32 v54, v6;
	v52 =	vld.idx.msk [tilespmem:v25+s31+$0x0], $0xffff;
	v32 =	vadd.f32 v55, v4;
	v29 =	vadd.f32 v30, v4  }
0x100: {  	v51 =	vmul.f32 v56, v3;
	v54 =	vld.idx.msk [tilespmem:v25+s30+$0x0], $0xffff;
	v33 =	vadd.f32 v35, v5;
	v30 =	vadd.f32 v36, v5  }
0x101: {  	v53 =	vmul.f32 v56, v6;
	v7 =	vld.idx.msk [tilespmem:v23+s11+$0x0], $0xffff;
	v38 =	vadd.f32 v57, v4;
	v36 =	vadd.f32 v59, v4  }
0x102: {  	v8 =	vld.idx.msk [tilespmem:v23+s18+$0x0], $0xffff;
	v37 =	vadd.f32 v62, v5;
	v40 =	vadd.f32 v50, v5;
	v50 =	vmul.f32 v46, v27  }
0x103: {  	v9 =	vld.idx.msk [tilespmem:v23+s28+$0x0], $0xffff;
	v39 =	vadd.f32 v63, v5;
	v56 =	vmul.f32 v44, v27;
	v57 =	vmul.f32 v45, v27  }
0x104: {  	v10 =	vld.idx.msk [tilespmem:v23+s29+$0x0], $0xffff;
	v43 =	vadd.f32 v60, v5;
	v59 =	vmul.f32 v47, v27;
	v60 =	vmul.f32 v49, v27  }
0x105: {  	v35 =	vadd.f32 v51, v4;
	v51 =	vld.idx.msk [tilespmem:v25+s23+$0x0], $0xffff;
	v62 =	vmul.f32 v52, v27;
	v63 =	vmul.f32 v54, v27  }
0x106: {  	v11 =	vld.idx.msk [tilespmem:v23+s26+$0x0], $0xffff;
	v41 =	vadd.f32 v61, v4;
	v46 =	vmul.f32 v46, v28;
	v44 =	vmul.f32 v44, v28  }
0x107: {  	v12 =	vld.idx.msk [tilespmem:v23+s31+$0x0], $0xffff;
	v42 =	vadd.f32 v58, v5;
	v45 =	vmul.f32 v45, v28;
	v47 =	vmul.f32 v47, v28  }
0x108: {  	v55 =	vld.idx.msk [tilespmem:v2+s20+$0x0], $0xffff;
	v25 =	vadd.f32 v53, v5;
	v49 =	vmul.f32 v49, v28;
	v52 =	vmul.f32 v52, v28  }
0x109: {  	v53 =	vld.idx.msk [tilespmem:v2+s1+$0x0], $0xffff;
	v54 =	vmul.f32 v54, v28;
	v50 =	vadd.f32 v50, v24;
	v56 =	vadd.f32 v56, v24  }
0x10a: {  	v58 =	vld.idx.msk [tilespmem:v2+s25+$0x0], $0xffff;
	v27 =	vmul.f32 v51, v27;
	v46 =	vadd.f32 v46, v26;
	v57 =	vadd.f32 v57, v24  }
0x10b: {  	v61 =	vld.idx.msk [tilespmem:v2+s0+$0x0], $0xffff;
	v28 =	vmul.f32 v51, v28;
	v44 =	vadd.f32 v44, v26;
	v59 =	vadd.f32 v59, v24  }
0x10c: {  	v51 =	vld.idx.msk [tilespmem:v23+s30+$0x0], $0xffff;
	v45 =	vadd.f32 v45, v26;
	v7 =	vmul.f32 v46, v7;
	v46 =	vadd.f32 v60, v24  }
0x10d: {  	v23 =	vld.idx.msk [tilespmem:v23+s23+$0x0], $0xffff;
	v8 =	vmul.f32 v44, v8;
	v44 =	vadd.f32 v47, v26;
	v47 =	vadd.f32 v62, v24  }
0x10e: {  	s18 =	sadd.s32 $0x9000, s8;
	v60 =	vld.idx.msk [tilespmem:v2+s22+$0x0], $0xffff;
	v9 =	vmul.f32 v45, v9;
	v62 =	vadd.f32 v49, v26;
	v7 =	vadd.f32 v7, v50  }
0x10f: {  	s21 =	sadd.s32 $0x9100, s8;
	s20 =	sadd.s32 $0x9080, s8;
	s4 =	sor.u32 s16, s18;
	v52 =	vadd.f32 v52, v26;
	v49 =	vld.idx.msk [tilespmem:v2+s19+$0x0], $0xffff;
	v8 =	vadd.f32 v8, v56;
	v10 =	vmul.f32 v44, v10  }
0x110: {  	s11 =	sor.u32 s6, s21;
	s25 =	sadd.s32 $0x9180, s8;
	s23 =	sor.u32 s16, s20;
	v9 =	vadd.f32 v9, v57;
	v11 =	vmul.f32 v62, v11;
	v62 =	vadd.f32 v54, v26;
	[tilespmem:s4+$0x0] =	vst v7  }
0x111: {  	s22 =	sor.u32 s6, s18;
	s18 =	sor.u32 s6, s20;
	v7 =	vadd.f32 v10, v59;
	v10 =	vmul.f32 v52, v12;
	v12 =	vadd.f32 v28, v26;
	[tilespmem:s23+$0x0] =	vst v8;
	s23 =	sor.u32 s16, s21  }
0x112: {  	s19 =	sor.u32 s6, s25;
	s25 =	sor.u32 s16, s25;
	v26 =	vmul.f32 v62, v51;
	s21 =	sadd.s32 $0x9200, s8;
	v8 =	vadd.f32 v11, v46;
	v11 =	vadd.f32 v63, v24;
	[tilespmem:s23+$0x0] =	vst v9  }
0x113: {  	s20 =	sor.u32 s6, s21;
	s23 =	sadd.s32 $0x9280, s8;
	v9 =	vadd.f32 v10, v47;
	v10 =	vadd.f32 v27, v24;
	v12 =	vmul.f32 v12, v23;
	[tilespmem:s25+$0x0] =	vst v7;
	s25 =	sor.u32 s16, s21  }
0x114: {  	v23 =	vmul.f32 v34, v55;
	v7 =	vld.idx.msk [tilespmem:v2+s24+$0x0], $0xffff;
	s21 =	sor.u32 s6, s23;
	s24 =	sadd.s32 $0x9300, s8;
	v11 =	vadd.f32 v26, v11;
	s23 =	sor.u32 s16, s23;
	[tilespmem:s25+$0x0] =	vst v8  }
0x115: {  	v8 =	vmul.f32 v31, v48;
	s4 =	sor.u32 s6, s24;
	s25 =	sadd.s32 $0x9380, s8;
	v10 =	vadd.f32 v12, v10;
	s24 =	sor.u32 s16, s24;
	[tilespmem:s23+$0x0] =	vst v9  }
0x116: {  	v24 =	vmul.f32 v32, v53;
	v9 =	vadd.f32 v23, v33;
	s8 =	sor.u32 s6, s25;
	s25 =	sor.u32 s16, s25;
	[tilespmem:s24+$0x0] =	vst v11  }
0x117: {  	v12 =	vmul.f32 v29, v58;
	v8 =	vadd.f32 v8, v30;
	[tilespmem:s25+$0x0] =	vst v10  }
0x118: {  	s0 =	simm.s32 $0x2000;
	v56 =	vld [tilespmem:$0x1FFA0];
	v26 =	vmul.f32 v41, v49;
	v23 =	vmul.f32 v38, v61;
	v10 =	vadd.f32 v24, v37;
	[tilespmem:s17+$0x0] =	vst v9  }
0x119: {  	s1 =	simm.s32 $0x2400;
	v11 =	vmul.f32 v36, v60;
	v12 =	vadd.f32 v12, v39;
	v9 =	vld.idx.msk [tilespmem:v0+s0+$0x0], $0xffff;
	[tilespmem:s17+$0x80] =	vst v8  }
0x11a: {  	v23 =	vadd.f32 v23, v42;
	v24 =	vld.idx.msk [tilespmem:v0+s1+$0x0], $0xffff;
	[tilespmem:s17+$0x100] =	vst v10  }
0x11b: {  	v11 =	vadd.f32 v11, v43;
	v8 =	vadd.f32 v26, v40;
	v26 =	vld.idx.msk [tilespmem:v0+s28+$0x0], $0xffff;
	[tilespmem:s17+$0x180] =	vst v12  }
0x11c: {  	v7 =	vmul.f32 v35, v7;
	v27 =	vld.idx.msk [tilespmem:v0+s29+$0x0], $0xffff;
	[tilespmem:s17+$0x200] =	vst v23  }
0x11d: {  	v28 =	vld.idx.msk [tilespmem:v0+s26+$0x0], $0xffff;
	[tilespmem:s17+$0x280] =	vst v11  }
0x11e: {  	v29 =	vadd.f32 v7, v25;
	v25 =	vld.idx.msk [tilespmem:v0+s31+$0x0], $0xffff  }
0x11f: {  	p0 =	slt.u32 s5, $0x3E;
	[tilespmem:s17+$0x300] =	vst v8;
	v8 =	vld [tilespmem:$0x1FFE0]  }
.Ltmp2:
0x120: {  	v55 =	vld [tilespmem:$0x1FFB0];
	(pc) =	sbr.rel @p0 .LBB2_3-.Ltmp2, $4  }
0x121: {  	v58 =	vld [tilespmem:$0x1FFC0]  }
0x122: {  	v7 =	vld [tilespmem:$0x1FFD0]  }
0x123: {  	v23 =	vld.idx.msk [tilespmem:v0+s30+$0x0], $0xffff  }
0x124: {  	v57 =	vmov v22;
	v22 =	vmul.f32 v8, v9;
	v9 =	vld [tilespmem:$0x1FFF0]  }
0x125: {  	_ =	sdelay $0x2  }
0x126: {  	s0 =	simm.s32 $0x3C00  }
0x127: {  	[tilespmem:s17+$0x380] =	vst v29;
	s24 =	simm.s32 $0x2000;
	v0 =	vld.idx.msk [tilespmem:v0+s0+$0x0], $0xffff  }
0x128: {  	s26 =	simm.s32 $0x2800;
	v8 =	vld.idx.msk [tilespmem:v1+s24+$0x0], $0xffff;
	v10 =	vadd.f32 v22, v19  }
0x129: {  	v12 =	vmul.f32 v55, v27;
	s30 =	simm.s32 $0x2C00;
	v19 =	vld.idx.msk [tilespmem:v1+s26+$0x0], $0xffff;
	v7 =	vmul.f32 v7, v24  }
0x12a: {  	s25 =	simm.s32 $0x2400;
	[tilespmem:s15+$0x0] =	vst v10;
	v10 =	vld.idx.msk [tilespmem:v1+s30+$0x0], $0xffff;
	v9 =	vmul.f32 v9, v26  }
0x12b: {  	s1 =	simm.s32 $0x2C00;
	v11 =	vld.idx.msk [tilespmem:v1+s25+$0x0], $0xffff;
	v12 =	vadd.f32 v12, v17;
	v7 =	vadd.f32 v7, v20  }
0x12c: {  	s31 =	simm.s32 $0x3000;
	v17 =	vmul.f32 v57, v23;
	v23 =	vld.idx.msk [tilespmem:v2+s1+$0x0], $0xffff;
	v20 =	vmul.f32 v56, v28;
	v9 =	vadd.f32 v9, v21  }
0x12d: {  	v21 =	vmul.f32 v58, v25;
	[tilespmem:s13+$0x0] =	vst v7;
	v7 =	vld.idx.msk [tilespmem:v1+s31+$0x0], $0xffff;
	v0 =	vmul.f32 v13, v0  }
0x12e: {  	v15 =	vadd.f32 v20, v15;
	v13 =	vadd.f32 v17, v16;
	s13 =	simm.s32 $0x3800;
	v17 =	vmul.f32 v19, v6;
	[tilespmem:s10+$0x0] =	vst v9  }
0x12f: {  	v9 =	vadd.f32 v21, v18;
	v0 =	vadd.f32 v0, v14;
	v14 =	vld.idx.msk [tilespmem:v1+s13+$0x0], $0xffff;
	v18 =	vmul.f32 v10, v6  }
0x130: {  	s10 =	simm.s32 $0x3400;
	v10 =	vmul.f32 v10, v3;
	v17 =	vadd.f32 v17, v5;
	[tilespmem:s12+$0x0] =	vst v12;
	v12 =	vmul.f32 v8, v6  }
0x131: {  	s16 =	simm.s32 $0x3C00;
	v8 =	vmul.f32 v8, v3;
	v16 =	vld.idx.msk [tilespmem:v1+s10+$0x0], $0xffff;
	[tilespmem:s9+$0x0] =	vst v15;
	v15 =	vmul.f32 v11, v6  }
0x132: {  	s14 =	simm.s32 $0x2000;
	v1 =	vld.idx.msk [tilespmem:v1+s16+$0x0], $0xffff;
	v11 =	vmul.f32 v11, v3;
	v10 =	vadd.f32 v10, v4;
	v18 =	vadd.f32 v18, v5  }
0x133: {  	s6 =	simm.s32 $0x2400;
	[tilespmem:s7+$0x0] =	vst v9;
	v9 =	vmul.f32 v19, v3;
	v8 =	vadd.f32 v8, v4;
	v19 =	vld.idx.msk [tilespmem:v2+s14+$0x0], $0xffff  }
0x134: {  	s5 =	simm.s32 $0x2800;
	v21 =	vld.idx.msk [tilespmem:v2+s6+$0x0], $0xffff;
	v20 =	vmul.f32 v7, v6;
	v7 =	vmul.f32 v7, v3;
	v12 =	vadd.f32 v12, v5  }
0x135: {  	s26 =	simm.s32 $0x3000;
	[tilespmem:s3+$0x0] =	vst v13;
	v13 =	vadd.f32 v15, v5;
	v15 =	vld.idx.msk [tilespmem:v2+s5+$0x0], $0xffff;
	v10 =	vmul.f32 v10, v23  }
0x136: {  	v25 =	vld.idx.msk [tilespmem:v2+s26+$0x0], $0xffff;
	v11 =	vadd.f32 v11, v4;
	v24 =	vmul.f32 v14, v6;
	v14 =	vmul.f32 v14, v3  }
0x137: {  	s12 =	simm.s32 $0x3400;
	v9 =	vadd.f32 v9, v4;
	v22 =	vmul.f32 v16, v6;
	v16 =	vmul.f32 v16, v3  }
0x138: {  	v26 =	vld.idx.msk [tilespmem:v2+s12+$0x0], $0xffff;
	v7 =	vadd.f32 v7, v4;
	v6 =	vmul.f32 v1, v6;
	v8 =	vmul.f32 v8, v19  }
0x139: {  	v20 =	vadd.f32 v20, v5;
	v11 =	vmul.f32 v11, v21;
	v1 =	vmul.f32 v1, v3  }
0x13a: {  	s15 =	simm.s32 $0x3800;
	[tilespmem:s2+$0x0] =	vst v0;
	v16 =	vadd.f32 v16, v4;
	v3 =	vadd.f32 v8, v12;
	v8 =	vmul.f32 v9, v15  }
0x13b: {  	v7 =	vmul.f32 v7, v25;
	v19 =	vld.idx.msk [tilespmem:v2+s15+$0x0], $0xffff;
	v0 =	vadd.f32 v22, v5;
	v9 =	vadd.f32 v11, v13  }
0x13c: {  	v2 =	vld.idx.msk [tilespmem:v2+s16+$0x0], $0xffff;
	v1 =	vadd.f32 v1, v4;
	v8 =	vadd.f32 v8, v17;
	[tilespmem:s22+$0x0] =	vst v3  }
0x13d: {  	v11 =	vadd.f32 v14, v4;
	v4 =	vmul.f32 v16, v26;
	v3 =	vadd.f32 v10, v18;
	[tilespmem:s18+$0x0] =	vst v9  }
0x13e: {  	v7 =	vadd.f32 v7, v20;
	[tilespmem:s11+$0x0] =	vst v8  }
0x13f: {  	v0 =	vadd.f32 v4, v0;
	[tilespmem:s19+$0x0] =	vst v3  }
0x140: {  	v9 =	vadd.f32 v24, v5;
	v10 =	vmul.f32 v11, v19;
	[tilespmem:s20+$0x0] =	vst v7  }
0x141: {  	v5 =	vadd.f32 v6, v5;
	v1 =	vmul.f32 v1, v2;
	s16 =	rddreg [dreg:$0x12];
	[tilespmem:s21+$0x0] =	vst v0  }
0x142: {  	v2 =	vadd.f32 v10, v9;
	s17 =	sshll.u32 s16, $0xE;
	s18 =	rddreg [dreg:$0xe]  }
0x143: {  	v1 =	vadd.f32 v1, v5;
	[dreg:$0x14] =	wrdreg s17;
	s19 =	sor.u32 s18, s17  }
0x144: {  	s20 =	rddreg [dreg:$0x2];
	[tilespmem:s4+$0x0] =	vst v2;
	s2 =	sshrl.u32 s19, $0x3  }
0x145: {  	s22 =	simm.s32 $0x7000;
	s21 =	simm.s32 $0x20000;
	[tilespmem:s8+$0x0] =	vst v1;
	s2 =	sadd.s32 s20, s2  }
0x146: {  	[hbm4b:s2+s14] =	stream.strided.scatter [tilespmem:s22], [sflag:$0x4], $0x4000, s21, s14, $0x38;
	[tilespmem:$0xF000] =	vst v63  }
0x147: {  	p0 =	seq.s32 s16, $0x7;
	s0 =	rddreg [dreg:$0x13]  }
0x148: {  	s5 =	simm.s32 @!p0 $0x4000;
	s2 =	sadd.s32 @!p0 $0x800, s0  }
0x149: {  	s4 =	simm.s32 @!p0 $0x0;
	s0 =	rddreg [dreg:$0xa];
	s3 =	sshrl.u32 @!p0 s2, $0x1  }
0x14a: {  	s2 =	sshrl.u32 @!p0 s2, $0x2;
	s3 =	sadd.s32 @!p0 s0, s3;
	s0 =	rddreg [dreg:$0x1]  }
0x14b: {  	[tilespmem:s5], [sflag:$0x2] =	stream.linear.gather @!p0 [hbm4b:s3+s4], $0x1000, $0x38;
	[tilespmem:$0xF000] =	vst v63  }
0x14c: {  	s23 =	simm.s32 $0x3;
	s2 =	sadd.s32 @!p0 s0, s2;
	s3 =	simm.s32 @!p0 $0x6000  }
0x14d: {  	[tilespmem:s3], [sflag:$0x2] =	stream.linear.gather @!p0 [hbm4b:s2+s4], $0x800, $0x38;
	[tilespmem:$0xF000] =	vst v63  }
0x14e: {  	_ =	swait.ge [sflag:s23], $0x1000  }
0x14f: {  	[sflag:s23] =	ssyncset.done $0x0  }
0x150: {  	[sflag:s23] =	ssyncadd.s32 $0xFFFFF000  }
0x151: {  	_ =	swait.ge [sflag:s23], $0x800  }
0x152: {  	s24 =	simm.s32 $0x0;
	[sflag:s23] =	ssyncset.done $0x0  }
0x153: {  	s25 =	simm.s32 $0x0;
	s3 =	simm.s32 @!p1 $0x5;
	[sflag:s23] =	ssyncadd.s32 $0xFFFFF800  }
0x154: {  	s15 =	sand.u32 $0x60, s24;
	s4 =	sand.u32 $0xFFFFFF00, s25;
	_ =	swait.ge @!p1 [sflag:s3], $0x4000  }
0x155: {  	s2 =	sor.u32 $0x10, s15;
	s30 =	sadd.s32 $0x6800, s4;
	[sflag:s3] =	ssyncset.done @!p1 $0x0  }
0x156: {  	s0 =	simm.s32 $0x0;
	s31 =	sor.u32 s2, s30;
	[sflag:s3] =	ssyncadd.s32 @!p1 $0xFFFFC000  }
0x157: {  	s1 =	sand.u32 $0x3FFFFE00, s0;
	s4 =	sadd.s32 $0x6880, s4;
	s5 =	sor.u32 s15, s30;
	v4 =	vld [tilespmem:s31+$0x0]  }
0x158: {  	s11 =	sadd.s32 $0x5180, s1;
	s9 =	sor.u32 s2, s4;
	v6 =	vld [tilespmem:s5+$0x0]  }
0x159: {  	s13 =	sor.u32 s2, s11;
	v3 =	vld [tilespmem:s9+$0x0]  }
0x15a: {  	s17 =	sadd.s32 $0x5000, s1;
	s4 =	sor.u32 s15, s4;
	v10 =	vld [tilespmem:s13+$0x0]  }
0x15b: {  	s18 =	sadd.s32 $0x5100, s1;
	s19 =	sor.u32 s2, s17;
	v0 =	vld [tilespmem:s4+$0x0]  }
0x15c: {  	s20 =	sor.u32 s2, s18;
	s3 =	sadd.s32 $0x5080, s1;
	v8 =	vld [tilespmem:s19+$0x0]  }
0x15d: {  	s8 =	sor.u32 s2, s3;
	v9 =	vld [tilespmem:s20+$0x0]  }
0x15e: {  	s31 =	simm.s32 $0x0;
	v7 =	vld [tilespmem:s8+$0x0]  }
0x15f: {  	s10 =	simm.s32 $0x400;
	v1 =	vld.idx.msk [tilespmem:v4+s31+$0x0], $0xffff  }
0x160: {  	s25 =	simm.s32 $0x800;
	v2 =	vld.idx.msk [tilespmem:v4+s10+$0x0], $0xffff  }
0x161: {  	s23 =	simm.s32 $0xC00;
	v5 =	vld.idx.msk [tilespmem:v4+s25+$0x0], $0xffff  }
0x162: {  	s24 =	simm.s32 $0x1000;
	v11 =	vld.idx.msk [tilespmem:v4+s23+$0x0], $0xffff  }
0x163: {  	s22 =	simm.s32 $0x1400;
	v12 =	vld.idx.msk [tilespmem:v4+s24+$0x0], $0xffff  }
0x164: {  	s12 =	simm.s32 $0x1800;
	v13 =	vld.idx.msk [tilespmem:v4+s22+$0x0], $0xffff  }
0x165: {  	s16 =	simm.s32 $0x1C00;
	v14 =	vld.idx.msk [tilespmem:v4+s12+$0x0], $0xffff  }
0x166: {  	v15 =	vld.idx.msk [tilespmem:v4+s16+$0x0], $0xffff  }
0x167: {  	v18 =	vld.idx.msk [tilespmem:v6+s31+$0x0], $0xffff  }
0x168: {  	v24 =	vld.idx.msk [tilespmem:v3+s31+$0x0], $0xffff;
	v16 =	vmul.f32 v1, v7  }
0x169: {  	v26 =	vld.idx.msk [tilespmem:v3+s10+$0x0], $0xffff;
	v17 =	vmul.f32 v2, v7;
	v19 =	vmul.f32 v5, v7  }
0x16a: {  	v27 =	vld.idx.msk [tilespmem:v3+s25+$0x0], $0xffff;
	v20 =	vmul.f32 v11, v7;
	v21 =	vmul.f32 v12, v7  }
0x16b: {  	v28 =	vld.idx.msk [tilespmem:v3+s23+$0x0], $0xffff;
	v22 =	vmul.f32 v13, v7;
	v1 =	vmul.f32 v1, v10  }
0x16c: {  	v29 =	vld.idx.msk [tilespmem:v3+s24+$0x0], $0xffff;
	v23 =	vmul.f32 v14, v7;
	v2 =	vmul.f32 v2, v10  }
0x16d: {  	s29 =	simm.s32 $0x1800;
	v30 =	vld.idx.msk [tilespmem:v3+s22+$0x0], $0xffff;
	v5 =	vmul.f32 v5, v10;
	v11 =	vmul.f32 v11, v10;
	v1 =	vadd.f32 v1, v9  }
0x16e: {  	s14 =	simm.s32 $0x1C00;
	v31 =	vld.idx.msk [tilespmem:v3+s29+$0x0], $0xffff;
	v12 =	vmul.f32 v12, v10;
	v13 =	vmul.f32 v13, v10;
	v2 =	vadd.f32 v2, v9  }
0x16f: {  	s28 =	simm.s32 $0x400;
	v14 =	vmul.f32 v14, v10;
	v5 =	vadd.f32 v5, v9;
	v1 =	vmul.f32 v1, v24;
	v24 =	vld.idx.msk [tilespmem:v3+s14+$0x0], $0xffff  }
0x170: {  	v16 =	vadd.f32 v16, v8;
	v11 =	vadd.f32 v11, v9;
	v2 =	vmul.f32 v2, v26;
	v26 =	vld.idx.msk [tilespmem:v6+s28+$0x0], $0xffff  }
0x171: {  	v17 =	vadd.f32 v17, v8;
	v19 =	vadd.f32 v19, v8;
	v5 =	vmul.f32 v5, v27;
	v27 =	vld.idx.msk [tilespmem:v6+s25+$0x0], $0xffff  }
0x172: {  	s21 =	simm.s32 $0x0;
	s7 =	sor.u32 s15, s11;
	v20 =	vadd.f32 v20, v8;
	v14 =	vadd.f32 v14, v9;
	v11 =	vmul.f32 v11, v28;
	v28 =	vld.idx.msk [tilespmem:v0+s28+$0x0], $0xffff  }
0x173: {  	s6 =	sand.u32 $0x3FFFFC00, s21;
	s3 =	sor.u32 s15, s3;
	v25 =	vmul.f32 v15, v7;
	v1 =	vadd.f32 v1, v16;
	v16 =	vadd.f32 v12, v9;
	v12 =	vld [tilespmem:s7+$0x0]  }
0x174: {  	s8 =	sadd.s32 $0xB000, s6;
	v15 =	vmul.f32 v15, v10;
	v2 =	vadd.f32 v2, v17;
	v17 =	vadd.f32 v13, v9;
	v13 =	vld [tilespmem:s3+$0x0]  }
0x175: {  	s5 =	sor.u32 s15, s18;
	s30 =	sor.u32 s2, s8;
	v14 =	vmul.f32 v14, v31;
	v5 =	vadd.f32 v5, v19;
	v19 =	vadd.f32 v23, v8;
	v23 =	vld.idx.msk [tilespmem:v0+s31+$0x0], $0xffff  }
0x176: {  	s9 =	sadd.s32 $0xB080, s6;
	v21 =	vadd.f32 v21, v8;
	v22 =	vadd.f32 v22, v8;
	[tilespmem:s30+$0x0] =	vst v1;
	v1 =	vld [tilespmem:s5+$0x0]  }
0x177: {  	s0 =	sor.u32 s2, s9;
	v15 =	vadd.f32 v15, v9;
	s7 =	sadd.s32 $0xB100, s6;
	v16 =	vmul.f32 v16, v29;
	v14 =	vadd.f32 v14, v19;
	v19 =	vld.idx.msk [tilespmem:v6+s22+$0x0], $0xffff  }
0x178: {  	s4 =	sor.u32 s15, s17;
	s10 =	sadd.s32 $0xB180, s6;
	v11 =	vadd.f32 v11, v20;
	s1 =	sor.u32 s2, s7;
	v17 =	vmul.f32 v17, v30;
	v30 =	vld.idx.msk [tilespmem:v0+s25+$0x0], $0xffff;
	[tilespmem:s0+$0x0] =	vst v2  }
0x179: {  	s11 =	sadd.s32 $0xB200, s6;
	s5 =	sor.u32 s2, s10;
	v2 =	vld [tilespmem:s4+$0x0];
	v15 =	vmul.f32 v15, v24;
	v16 =	vadd.f32 v16, v21;
	[tilespmem:s1+$0x0] =	vst v5  }
0x17a: {  	s13 =	sor.u32 s2, s11;
	s12 =	sadd.s32 $0xB280, s6;
	v5 =	vadd.f32 v17, v22;
	v17 =	vadd.f32 v25, v8;
	v22 =	vld.idx.msk [tilespmem:v6+s14+$0x0], $0xffff;
	[tilespmem:s5+$0x0] =	vst v11  }
0x17b: {  	s17 =	sadd.s32 $0xB300, s6;
	s16 =	sor.u32 s2, s12;
	v11 =	vld.idx.msk [tilespmem:v6+s23+$0x0], $0xffff;
	v21 =	vmul.f32 v18, v12;
	[tilespmem:s13+$0x0] =	vst v16  }
0x17c: {  	s20 =	sadd.s32 $0xB380, s6;
	s18 =	sor.u32 s2, s17;
	v24 =	vmul.f32 v26, v12;
	v16 =	vld.idx.msk [tilespmem:v6+s24+$0x0], $0xffff;
	v15 =	vadd.f32 v15, v17;
	[tilespmem:s16+$0x0] =	vst v5  }
0x17d: {  	s19 =	sor.u32 s2, s20;
	v29 =	vadd.f32 v21, v1;
	v21 =	vmul.f32 v26, v13;
	v26 =	vld.idx.msk [tilespmem:v0+s23+$0x0], $0xffff;
	[tilespmem:s18+$0x0] =	vst v14  }
0x17e: {  	s21 =	simm.s32 $0x2000;
	v14 =	vld.idx.msk [tilespmem:v6+s29+$0x0], $0xffff;
	[tilespmem:s19+$0x0] =	vst v15  }
0x17f: {  	v25 =	vmul.f32 v27, v12;
	s16 =	simm.s32 $0x2400;
	v15 =	vld.idx.msk [tilespmem:v4+s21+$0x0], $0xffff  }
0x180: {  	s4 =	simm.s32 $0x2800;
	v18 =	vmul.f32 v18, v13;
	v20 =	vld.idx.msk [tilespmem:v4+s16+$0x0], $0xffff  }
0x181: {  	v27 =	vmul.f32 v27, v13;
	v24 =	vadd.f32 v24, v1;
	v25 =	vadd.f32 v25, v1;
	s18 =	simm.s32 $0x2C00;
	v17 =	vld.idx.msk [tilespmem:v4+s4+$0x0], $0xffff  }
0x182: {  	v41 =	vmul.f32 v19, v13;
	v19 =	vmul.f32 v19, v12;
	v18 =	vadd.f32 v18, v2;
	s19 =	simm.s32 $0x20;
	v5 =	vld.idx.msk [tilespmem:v4+s18+$0x0], $0xffff  }
0x183: {  	v27 =	vadd.f32 v27, v2;
	v23 =	vmul.f32 v29, v23;
	v24 =	vmul.f32 v24, v28;
	v32 =	vld.idx.msk [tilespmem:v3+s21+$0x0], $0xffff;
	[dreg:$0x4] =	wrdreg s19  }
0x184: {  	v33 =	vadd.f32 v21, v2;
	v25 =	vmul.f32 v25, v30;
	v46 =	vmul.f32 v22, v12;
	v34 =	vld.idx.msk [tilespmem:v3+s16+$0x0], $0xffff  }
0x185: {  	v19 =	vadd.f32 v19, v1;
	v22 =	vmul.f32 v22, v13;
	v31 =	vmul.f32 v11, v13;
	v37 =	vld.idx.msk [tilespmem:v3+s4+$0x0], $0xffff  }
0x186: {  	s30 =	simm.s32 $0x40;
	s1 =	simm.s32 $0x20;
	v21 =	vmul.f32 v11, v12;
	v35 =	vmul.f32 v16, v13;
	v42 =	vld.idx.msk [tilespmem:v3+s18+$0x0], $0xffff;
	v18 =	vadd.f32 v23, v18  }
0x187: {  	s5 =	sand.u32 $0x60, s1;
	s21 =	sand.u32 $0xFFFFFF00, s30;
	v40 =	vmul.f32 v16, v12;
	v58 =	vld.idx.msk [tilespmem:v0+s24+$0x0], $0xffff;
	v24 =	vadd.f32 v24, v33;
	v25 =	vadd.f32 v25, v27  }
0x188: {  	s3 =	sor.u32 $0x10, s5;
	v43 =	vld.idx.msk [tilespmem:v0+s22+$0x0], $0xffff;
	s19 =	sadd.s32 $0x6880, s21;
	v59 =	vadd.f32 v21, v1;
	v60 =	vmul.f32 v14, v13;
	v14 =	vmul.f32 v14, v12  }
0x189: {  	s16 =	sadd.s32 $0x6800, s21;
	v29 =	vld.idx.msk [tilespmem:v0+s14+$0x0], $0xffff;
	v31 =	vadd.f32 v31, v2;
	s14 =	sor.u32 s3, s19;
	v62 =	vadd.f32 v40, v1;
	v11 =	vmul.f32 v15, v10  }
0x18a: {  	s0 =	simm.s32 $0x80;
	s30 =	sor.u32 s3, s16;
	v28 =	vadd.f32 v35, v2;
	v36 =	vmul.f32 v20, v10;
	v63 =	vadd.f32 v14, v1;
	v14 =	vld [tilespmem:s14+$0x0]  }
0x18b: {  	s18 =	sand.u32 $0x3FFFFE00, s0;
	v26 =	vmul.f32 v59, v26;
	v15 =	vmul.f32 v15, v7;
	v39 =	vadd.f32 v11, v9;
	v11 =	vld [tilespmem:s30+$0x0]  }
0x18c: {  	v61 =	vld.idx.msk [tilespmem:v0+s29+$0x0], $0xffff;
	v20 =	vmul.f32 v20, v7;
	v23 =	vmul.f32 v62, v58;
	v16 =	vadd.f32 v36, v9;
	s30 =	sor.u32 s15, s8;
	s8 =	sadd.s32 $0x5180, s18  }
0x18d: {  	s9 =	sor.u32 s15, s9;
	v56 =	vld.idx.msk [tilespmem:v4+s26+$0x0], $0xffff;
	s4 =	sadd.s32 $0x5080, s18;
	v26 =	vadd.f32 v26, v31;
	v15 =	vadd.f32 v15, v8;
	s0 =	sor.u32 s3, s8;
	v32 =	vmul.f32 v39, v32  }
0x18e: {  	s13 =	sadd.s32 $0x5000, s18;
	s1 =	sor.u32 s3, s4;
	v49 =	vmul.f32 v19, v43;
	v20 =	vadd.f32 v20, v8;
	s18 =	sadd.s32 $0x5100, s18;
	[tilespmem:s30+$0x0] =	vst v18;
	v34 =	vmul.f32 v16, v34;
	v19 =	vld [tilespmem:s0+$0x0]  }
0x18f: {  	s7 =	sor.u32 s15, s7;
	v28 =	vadd.f32 v23, v28;
	[tilespmem:s9+$0x0] =	vst v24;
	s9 =	sor.u32 s3, s18;
	v16 =	vadd.f32 v32, v15;
	v15 =	vld [tilespmem:s1+$0x0]  }
0x190: {  	s10 =	sor.u32 s15, s10;
	v24 =	vadd.f32 v22, v2;
	[tilespmem:s7+$0x0] =	vst v25;
	s1 =	sor.u32 s3, s13;
	v22 =	vadd.f32 v34, v20;
	v20 =	vld [tilespmem:s9+$0x0]  }
0x191: {  	s11 =	sor.u32 s15, s11;
	[tilespmem:s10+$0x0] =	vst v26;
	v18 =	vld [tilespmem:s1+$0x0]  }
0x192: {  	[tilespmem:s11+$0x0] =	vst v28;
	v28 =	vld.idx.msk [tilespmem:v14+s31+$0x0], $0xffff  }
0x193: {  	v38 =	vmul.f32 v17, v10;
	v44 =	vld.idx.msk [tilespmem:v11+s31+$0x0], $0xffff  }
0x194: {  	v31 =	vmul.f32 v5, v10;
	v23 =	vadd.f32 v46, v1;
	v45 =	vld.idx.msk [tilespmem:v11+s28+$0x0], $0xffff  }
0x195: {  	v30 =	vadd.f32 v41, v2;
	v57 =	vadd.f32 v38, v9;
	v35 =	vmul.f32 v63, v61;
	v27 =	vld.idx.msk [tilespmem:v11+s25+$0x0], $0xffff  }
0x196: {  	v31 =	vadd.f32 v31, v9;
	v29 =	vmul.f32 v23, v29;
	v32 =	vadd.f32 v60, v2;
	v47 =	vld.idx.msk [tilespmem:v11+s23+$0x0], $0xffff  }
0x197: {  	v21 =	vmul.f32 v57, v37;
	v25 =	vadd.f32 v49, v30;
	v48 =	vld.idx.msk [tilespmem:v11+s24+$0x0], $0xffff  }
0x198: {  	s14 =	sor.u32 s15, s12;
	v23 =	vmul.f32 v31, v42;
	v24 =	vadd.f32 v29, v24;
	v26 =	vadd.f32 v35, v32;
	v30 =	vld.idx.msk [tilespmem:v14+s28+$0x0], $0xffff  }
0x199: {  	s17 =	sor.u32 s15, s17;
	[tilespmem:s14+$0x0] =	vst v25;
	v52 =	vld.idx.msk [tilespmem:v14+s25+$0x0], $0xffff;
	v25 =	vmul.f32 v44, v15;
	v29 =	vmul.f32 v45, v15  }
0x19a: {  	s21 =	sor.u32 s15, s20;
	[tilespmem:s17+$0x0] =	vst v26;
	v53 =	vld.idx.msk [tilespmem:v11+s29+$0x0], $0xffff;
	v31 =	vmul.f32 v44, v19;
	v50 =	vmul.f32 v45, v19  }
0x19b: {  	v55 =	vld.idx.msk [tilespmem:v14+s23+$0x0], $0xffff;
	[tilespmem:s21+$0x0] =	vst v24;
	v24 =	vmul.f32 v27, v15;
	v51 =	vmul.f32 v47, v15  }
0x19c: {  	v58 =	vld.idx.msk [tilespmem:v14+s29+$0x0], $0xffff;
	v27 =	vmul.f32 v27, v19;
	v54 =	vmul.f32 v48, v15;
	v31 =	vadd.f32 v31, v20  }
0x19d: {  	s30 =	simm.s32 $0x1C00;
	v26 =	vld.idx.msk [tilespmem:v11+s22+$0x0], $0xffff;
	s25 =	simm.s32 $0x100;
	v38 =	vmul.f32 v47, v19;
	v33 =	vmul.f32 v48, v19  }
0x19e: {  	v57 =	vld.idx.msk [tilespmem:v11+s30+$0x0], $0xffff;
	s12 =	sand.u32 $0x3FFFFC00, s25;
	v32 =	vadd.f32 v50, v20;
	v25 =	vadd.f32 v25, v18;
	v28 =	vmul.f32 v31, v28  }
0x19f: {  	s7 =	sadd.s32 $0xB000, s12;
	v36 =	vmul.f32 v53, v15;
	v27 =	vadd.f32 v27, v20;
	v29 =	vadd.f32 v29, v18;
	v31 =	vld.idx.msk [tilespmem:v14+s24+$0x0], $0xffff  }
0x1a0: {  	v24 =	vadd.f32 v24, v18;
	v30 =	vmul.f32 v32, v30;
	v25 =	vadd.f32 v28, v25;
	v28 =	vld.idx.msk [tilespmem:v14+s22+$0x0], $0xffff;
	[dreg:$0x16] =	wrdreg s7  }
0x1a1: {  	s1 =	simm.s32 $0x3400;
	v38 =	vadd.f32 v38, v20;
	v33 =	vadd.f32 v33, v20;
	v27 =	vmul.f32 v27, v52;
	v59 =	vld.idx.msk [tilespmem:v14+s30+$0x0], $0xffff  }
0x1a2: {  	v34 =	vadd.f32 v51, v18;
	v29 =	vadd.f32 v30, v29;
	v30 =	vmul.f32 v26, v19;
	v60 =	vld.idx.msk [tilespmem:v4+s1+$0x0], $0xffff  }
0x1a3: {  	v37 =	vadd.f32 v54, v18;
	v38 =	vmul.f32 v38, v55;
	v24 =	vadd.f32 v27, v24;
	v61 =	vld.idx.msk [tilespmem:v3+s26+$0x0], $0xffff  }
0x1a4: {  	s20 =	simm.s32 $0x3C00;
	s9 =	sadd.s32 $0xB080, s12;
	v27 =	vmul.f32 v53, v19;
	s7 =	sor.u32 s3, s7;
	v26 =	vmul.f32 v26, v15;
	v62 =	vld.idx.msk [tilespmem:v3+s1+$0x0], $0xffff;
	v30 =	vadd.f32 v30, v20  }
0x1a5: {  	s14 =	sor.u32 s3, s9;
	v40 =	vld.idx.msk [tilespmem:v3+s20+$0x0], $0xffff;
	[tilespmem:s7+$0x0] =	vst v25;
	v25 =	vadd.f32 v38, v34;
	s7 =	sadd.s32 $0xB100, s12;
	v31 =	vmul.f32 v33, v31  }
0x1a6: {  	s11 =	simm.s32 $0x3800;
	v26 =	vadd.f32 v26, v18;
	[tilespmem:s14+$0x0] =	vst v29;
	v29 =	vld.idx.msk [tilespmem:v4+s20+$0x0], $0xffff;
	s21 =	sor.u32 s3, s7;
	v28 =	vmul.f32 v30, v28  }
0x1a7: {  	s10 =	sadd.s32 $0xB180, s12;
	s22 =	sadd.s32 $0xB200, s12;
	[tilespmem:s21+$0x0] =	vst v24;
	v30 =	vld.idx.msk [tilespmem:v4+s11+$0x0], $0xffff;
	v4 =	vadd.f32 v31, v37;
	v31 =	vmul.f32 v57, v19  }
0x1a8: {  	s23 =	sor.u32 s3, s10;
	v27 =	vadd.f32 v27, v20;
	v24 =	vmul.f32 v57, v15;
	v26 =	vadd.f32 v28, v26;
	v28 =	vld.idx.msk [tilespmem:v3+s11+$0x0], $0xffff;
	[dreg:$0x15] =	wrdreg s22  }
0x1a9: {  	s17 =	simm.s32 $0x2000;
	s24 =	sadd.s32 $0xB280, s12;
	v31 =	vadd.f32 v31, v20;
	[tilespmem:s23+$0x0] =	vst v25  }
0x1aa: {  	v63 =	vadd.f32 v36, v18;
	s25 =	sor.u32 s3, s22;
	v27 =	vmul.f32 v27, v58;
	v3 =	vadd.f32 v24, v18;
	v24 =	vld.idx.msk [tilespmem:v6+s17+$0x0], $0xffff;
	[dreg:$0x17] =	wrdreg s24  }
0x1ab: {  	s0 =	sadd.s32 $0xB300, s12;
	s26 =	simm.s32 $0x2400;
	v31 =	vmul.f32 v31, v59;
	[tilespmem:s25+$0x0] =	vst v4  }
0x1ac: {  	v17 =	vmul.f32 v17, v7;
	v5 =	vmul.f32 v5, v7;
	s30 =	sor.u32 s5, s16;
	s1 =	sor.u32 s3, s24;
	v27 =	vadd.f32 v27, v63;
	v25 =	vld.idx.msk [tilespmem:v6+s26+$0x0], $0xffff;
	[dreg:$0x18] =	wrdreg s0  }
0x1ad: {  	v32 =	vmul.f32 v56, v10;
	s20 =	sor.u32 s5, s19;
	s19 =	sadd.s32 $0xB380, s12;
	s22 =	sor.u32 s3, s0;
	v3 =	vadd.f32 v31, v3;
	[tilespmem:s1+$0x0] =	vst v26;
	v4 =	vld [tilespmem:s30+$0x0]  }
0x1ae: {  	v41 =	vmul.f32 v56, v7;
	v17 =	vadd.f32 v17, v8;
	v43 =	vadd.f32 v5, v8;
	s8 =	sor.u32 s5, s8;
	s23 =	sor.u32 s3, s19;
	v5 =	vld [tilespmem:s20+$0x0];
	[tilespmem:s22+$0x0] =	vst v27  }
0x1af: {  	v32 =	vadd.f32 v32, v9;
	s20 =	sadd.s32 $0xD000, s6;
	[tilespmem:s23+$0x0] =	vst v3;
	v3 =	vld [tilespmem:s8+$0x0]  }
0x1b0: {  	v17 =	vadd.f32 v21, v17;
	v33 =	vadd.f32 v41, v8;
	s21 =	sadd.s32 $0xD080, s6;
	v42 =	vmul.f32 v60, v7;
	s24 =	sor.u32 s2, s20;
	v21 =	vld.idx.msk [tilespmem:v11+s17+$0x0], $0xffff  }
0x1b1: {  	s14 =	simm.s32 $0x2800;
	v32 =	vmul.f32 v32, v61;
	s25 =	sor.u32 s2, s21;
	v31 =	vmul.f32 v30, v7;
	[tilespmem:s24+$0x0] =	vst v16;
	v16 =	vld.idx.msk [tilespmem:v11+s26+$0x0], $0xffff  }
0x1b2: {  	s29 =	simm.s32 $0x3C00;
	v7 =	vmul.f32 v29, v7;
	v26 =	vmul.f32 v60, v10;
	[tilespmem:s25+$0x0] =	vst v22;
	v22 =	vld.idx.msk [tilespmem:v11+s14+$0x0], $0xffff  }
0x1b3: {  	v23 =	vadd.f32 v23, v43;
	v27 =	vmul.f32 v30, v10;
	v10 =	vmul.f32 v29, v10;
	v29 =	vld.idx.msk [tilespmem:v11+s29+$0x0], $0xffff  }
0x1b4: {  	s11 =	simm.s32 $0x3000;
	v32 =	vadd.f32 v32, v33;
	v30 =	vadd.f32 v42, v8;
	v44 =	vld.idx.msk [tilespmem:v14+s14+$0x0], $0xffff  }
0x1b5: {  	s28 =	simm.s32 $0x3800;
	s22 =	sadd.s32 $0xD100, s6;
	v31 =	vadd.f32 v31, v8;
	v26 =	vadd.f32 v26, v9;
	v45 =	vld.idx.msk [tilespmem:v14+s11+$0x0], $0xffff  }
0x1b6: {  	s16 =	simm.s32 $0x2C00;
	s23 =	sadd.s32 $0xD180, s6;
	v27 =	vadd.f32 v27, v9;
	s26 =	sor.u32 s2, s22;
	v9 =	vadd.f32 v10, v9;
	v46 =	vld.idx.msk [tilespmem:v14+s28+$0x0], $0xffff  }
0x1b7: {  	v7 =	vadd.f32 v7, v8;
	s24 =	sadd.s32 $0xD200, s6;
	s30 =	sor.u32 s2, s23;
	v26 =	vmul.f32 v26, v62;
	[tilespmem:s26+$0x0] =	vst v17;
	v17 =	vld.idx.msk [tilespmem:v11+s16+$0x0], $0xffff  }
0x1b8: {  	s1 =	sor.u32 s2, s24;
	v27 =	vmul.f32 v27, v28;
	[tilespmem:s30+$0x0] =	vst v23;
	v23 =	vld.idx.msk [tilespmem:v11+s11+$0x0], $0xffff;
	s30 =	simm.s32 $0x3400;
	v8 =	vmul.f32 v9, v40  }
0x1b9: {  	s17 =	simm.s32 $0x2000;
	s25 =	sadd.s32 $0xD280, s6;
	v26 =	vadd.f32 v26, v30;
	[tilespmem:s1+$0x0] =	vst v32;
	v28 =	vld.idx.msk [tilespmem:v11+s30+$0x0], $0xffff  }
0x1ba: {  	s26 =	sor.u32 s2, s25;
	v10 =	vadd.f32 v27, v31;
	v27 =	vld.idx.msk [tilespmem:v14+s17+$0x0], $0xffff;
	v7 =	vadd.f32 v8, v7;
	v9 =	vmul.f32 v21, v15  }
0x1bb: {  	s0 =	simm.s32 $0x2400;
	[tilespmem:s26+$0x0] =	vst v26;
	s26 =	sadd.s32 $0xD300, s6;
	v26 =	vld.idx.msk [tilespmem:v11+s28+$0x0], $0xffff;
	v11 =	vmul.f32 v21, v19;
	v8 =	vmul.f32 v22, v15  }
0x1bc: {  	s8 =	simm.s32 $0xC00;
	v30 =	vld.idx.msk [tilespmem:v14+s0+$0x0], $0xffff;
	s1 =	sor.u32 s2, s26;
	v21 =	vmul.f32 v17, v15;
	v17 =	vmul.f32 v17, v19  }
0x1bd: {  	s17 =	sadd.s32 $0xD380, s6;
	v50 =	vld.idx.msk [tilespmem:v4+s8+$0x0], $0xffff;
	[tilespmem:s1+$0x0] =	vst v10;
	v10 =	vmul.f32 v16, v15;
	v31 =	vmul.f32 v23, v15  }
0x1be: {  	v53 =	vld.idx.msk [tilespmem:v5+s8+$0x0], $0xffff;
	s2 =	sor.u32 s2, s17;
	v16 =	vmul.f32 v16, v19;
	v11 =	vadd.f32 v11, v20;
	v9 =	vadd.f32 v9, v18  }
0x1bf: {  	v8 =	vadd.f32 v8, v18;
	[tilespmem:s2+$0x0] =	vst v7;
	v7 =	vmul.f32 v22, v19;
	v17 =	vadd.f32 v17, v20  }
0x1c0: {  	s6 =	simm.s32 $0x800;
	v22 =	vld.idx.msk [tilespmem:v14+s16+$0x0], $0xffff;
	v21 =	vadd.f32 v21, v18;
	v16 =	vadd.f32 v16, v20;
	v11 =	vmul.f32 v11, v27  }
0x1c1: {  	v49 =	vld.idx.msk [tilespmem:v4+s6+$0x0], $0xffff;
	v23 =	vmul.f32 v23, v19;
	v10 =	vadd.f32 v10, v18;
	v7 =	vadd.f32 v7, v20  }
0x1c2: {  	s28 =	sadd.s32 $0xD000, s12;
	v27 =	vld.idx.msk [tilespmem:v14+s30+$0x0], $0xffff;
	v51 =	vmul.f32 v26, v19;
	v16 =	vmul.f32 v16, v30;
	v9 =	vadd.f32 v11, v9  }
0x1c3: {  	s11 =	sor.u32 s3, s28;
	v26 =	vmul.f32 v26, v15;
	v30 =	vld.idx.msk [tilespmem:v14+s29+$0x0], $0xffff;
	v11 =	vadd.f32 v23, v20;
	v23 =	vmul.f32 v25, v12  }
0x1c4: {  	s4 =	sor.u32 s5, s4;
	v7 =	vmul.f32 v7, v44;
	v37 =	vadd.f32 v51, v20;
	[tilespmem:s11+$0x0] =	vst v9;
	v9 =	vadd.f32 v16, v10  }
0x1c5: {  	s14 =	simm.s32 $0x2800;
	v14 =	vld [tilespmem:s4+$0x0];
	v10 =	vmul.f32 v17, v22;
	v16 =	vadd.f32 v31, v18;
	v31 =	vmul.f32 v28, v19  }
0x1c6: {  	s16 =	sadd.s32 $0xD080, s12;
	v26 =	vadd.f32 v26, v18;
	v22 =	vld.idx.msk [tilespmem:v6+s14+$0x0], $0xffff;
	v28 =	vmul.f32 v28, v15;
	v19 =	vmul.f32 v29, v19  }
0x1c7: {  	s1 =	simm.s32 $0x3000;
	s30 =	sor.u32 s3, s16;
	v7 =	vadd.f32 v7, v8;
	v8 =	vmul.f32 v11, v45;
	v11 =	vmul.f32 v25, v13;
	v25 =	vld.idx.msk [tilespmem:v4+s31+$0x0], $0xffff  }
0x1c8: {  	v15 =	vmul.f32 v29, v15;
	[tilespmem:s30+$0x0] =	vst v9;
	v9 =	vadd.f32 v10, v21;
	v21 =	vld.idx.msk [tilespmem:v6+s1+$0x0], $0xffff  }
0x1c9: {  	s29 =	sadd.s32 $0xD100, s12;
	v31 =	vadd.f32 v31, v20;
	v19 =	vadd.f32 v19, v20;
	v20 =	vld.idx.msk [tilespmem:v5+s31+$0x0], $0xffff  }
0x1ca: {  	s0 =	simm.s32 $0x2C00;
	s11 =	sor.u32 s3, s29;
	v34 =	vmul.f32 v37, v46;
	s30 =	sadd.s32 $0xD180, s12;
	v28 =	vadd.f32 v28, v18;
	v15 =	vadd.f32 v15, v18;
	v18 =	vld.idx.msk [tilespmem:v5+s6+$0x0], $0xffff  }
0x1cb: {  	s14 =	sor.u32 s5, s18;
	v10 =	vmul.f32 v24, v12;
	[tilespmem:s11+$0x0] =	vst v7;
	v7 =	vld.idx.msk [tilespmem:v6+s0+$0x0], $0xffff;
	v8 =	vadd.f32 v8, v16;
	s0 =	sor.u32 s3, s30  }
0x1cc: {  	s13 =	sor.u32 s5, s13;
	v17 =	vld [tilespmem:s14+$0x0];
	v39 =	vadd.f32 v11, v2;
	v35 =	vmul.f32 v49, v14;
	[tilespmem:s0+$0x0] =	vst v9;
	v9 =	vmul.f32 v24, v13  }
0x1cd: {  	s11 =	sadd.s32 $0xD200, s12;
	v16 =	vld [tilespmem:s13+$0x0];
	v26 =	vadd.f32 v34, v26;
	v36 =	vmul.f32 v50, v14;
	s0 =	simm.s32 $0x400;
	v27 =	vmul.f32 v31, v27  }
0x1ce: {  	s13 =	sor.u32 s3, s11;
	v19 =	vmul.f32 v19, v30;
	v40 =	vadd.f32 v9, v2;
	v9 =	vadd.f32 v23, v1;
	v23 =	vld.idx.msk [tilespmem:v4+s0+$0x0], $0xffff  }
0x1cf: {  	s14 =	simm.s32 $0x1400;
	v30 =	vmul.f32 v49, v3;
	[tilespmem:s13+$0x0] =	vst v8;
	v8 =	vadd.f32 v10, v1;
	v24 =	vmul.f32 v22, v13  }
0x1d0: {  	s4 =	sadd.s32 $0xD280, s12;
	v31 =	vld.idx.msk [tilespmem:v4+s14+$0x0], $0xffff;
	v22 =	vmul.f32 v22, v12;
	v29 =	vmul.f32 v25, v3;
	v27 =	vadd.f32 v27, v28  }
0x1d1: {  	s8 =	sadd.s32 $0xD300, s12;
	s18 =	simm.s32 $0x1000;
	s1 =	sor.u32 s3, s4;
	v52 =	vld.idx.msk [tilespmem:v5+s0+$0x0], $0xffff;
	v19 =	vadd.f32 v19, v15;
	v15 =	vmul.f32 v50, v3;
	v25 =	vmul.f32 v25, v14  }
0x1d2: {  	s6 =	sor.u32 s3, s8;
	v11 =	vadd.f32 v22, v1;
	v22 =	vld.idx.msk [tilespmem:v4+s18+$0x0], $0xffff;
	v47 =	vmul.f32 v7, v13;
	[tilespmem:s1+$0x0] =	vst v27  }
0x1d3: {  	v48 =	vmul.f32 v7, v12;
	v29 =	vadd.f32 v29, v17;
	[tilespmem:s6+$0x0] =	vst v26;
	s6 =	sadd.s32 $0xD380, s12;
	v28 =	vmul.f32 v23, v3  }
0x1d4: {  	v54 =	vld.idx.msk [tilespmem:v5+s14+$0x0], $0xffff;
	v56 =	vadd.f32 v35, v16;
	v26 =	vmul.f32 v21, v13;
	v21 =	vmul.f32 v21, v12;
	s12 =	sor.u32 s3, s6  }
0x1d5: {  	v20 =	vmul.f32 v29, v20;
	[tilespmem:s12+$0x0] =	vst v19;
	v19 =	vmul.f32 v31, v3;
	v27 =	vadd.f32 v28, v17  }
0x1d6: {  	s14 =	simm.s32 $0x1800;
	v29 =	vld.idx.msk [tilespmem:v5+s18+$0x0], $0xffff;
	v23 =	vmul.f32 v23, v14;
	v28 =	vadd.f32 v30, v17;
	v30 =	vadd.f32 v15, v17  }
0x1d7: {  	v55 =	vld.idx.msk [tilespmem:v4+s14+$0x0], $0xffff;
	s3 =	simm.s32 $0x3800;
	v15 =	vadd.f32 v24, v2;
	v24 =	vmul.f32 v22, v3;
	v19 =	vadd.f32 v19, v17  }
0x1d8: {  	v60 =	vld.idx.msk [tilespmem:v6+s3+$0x0], $0xffff;
	v23 =	vadd.f32 v23, v16;
	v27 =	vmul.f32 v27, v52;
	v28 =	vmul.f32 v28, v18  }
0x1d9: {  	s13 =	simm.s32 $0x3400;
	v18 =	vadd.f32 v25, v16;
	v25 =	vmul.f32 v30, v53;
	v24 =	vadd.f32 v24, v17  }
0x1da: {  	v30 =	vld.idx.msk [tilespmem:v6+s13+$0x0], $0xffff;
	v57 =	vmul.f32 v19, v54;
	v19 =	vmul.f32 v22, v14;
	v22 =	vadd.f32 v36, v16  }
0x1db: {  	s19 =	sor.u32 s5, s19;
	s28 =	sor.u32 s5, s28;
	v58 =	vld.idx.msk [tilespmem:v5+s14+$0x0], $0xffff;
	s18 =	simm.s32 $0x1C00;
	v20 =	vadd.f32 v20, v18;
	v24 =	vmul.f32 v24, v29;
	v18 =	vadd.f32 v48, v1  }
0x1dc: {  	s2 =	sor.u32 s15, s25;
	s25 =	simm.s32 $0x2400;
	s31 =	rddreg [dreg:$0x16];
	v29 =	vld.idx.msk [tilespmem:v4+s18+$0x0], $0xffff;
	v23 =	vadd.f32 v27, v23;
	v22 =	vadd.f32 v25, v22;
	v25 =	vmul.f32 v55, v3  }
0x1dd: {  	s4 =	sor.u32 s5, s4;
	s8 =	sor.u32 s5, s8;
	s1 =	sor.u32 s5, s31;
	v63 =	vmul.f32 v60, v13;
	v28 =	vadd.f32 v28, v56;
	v61 =	vadd.f32 v19, v16  }
0x1de: {  	s14 =	sor.u32 s5, s10;
	s12 =	sor.u32 s5, s9;
	v27 =	vld.idx.msk [tilespmem:v5+s18+$0x0], $0xffff;
	v19 =	vadd.f32 v21, v1;
	s18 =	simm.s32 $0x3C00;
	[tilespmem:s1+$0x0] =	vst v20;
	v25 =	vadd.f32 v25, v17  }
0x1df: {  	s10 =	sor.u32 s15, s23;
	s9 =	sor.u32 s15, s21;
	s13 =	sor.u32 s5, s7;
	v6 =	vld.idx.msk [tilespmem:v6+s18+$0x0], $0xffff;
	v59 =	vmul.f32 v30, v13;
	v30 =	vmul.f32 v30, v12;
	[tilespmem:s12+$0x0] =	vst v23  }
0x1e0: {  	s3 =	sor.u32 s15, s22;
	s22 =	simm.s32 $0x2000;
	s31 =	simm.s32 $0x3000;
	v20 =	vadd.f32 v47, v2;
	v23 =	vmul.f32 v31, v14;
	[tilespmem:s13+$0x0] =	vst v28;
	v25 =	vmul.f32 v25, v58  }
0x1e1: {  	s7 =	sor.u32 s15, s26;
	s26 =	simm.s32 $0x2800;
	v38 =	vadd.f32 v24, v61;
	s12 =	sor.u32 s15, s20;
	v24 =	vmul.f32 v29, v3;
	[tilespmem:s14+$0x0] =	vst v22;
	v22 =	vmul.f32 v55, v14  }
0x1e2: {  	s13 =	sor.u32 s15, s17;
	v21 =	vadd.f32 v30, v1;
	v23 =	vadd.f32 v23, v16;
	s14 =	sor.u32 s15, s24;
	v28 =	vmul.f32 v29, v14;
	s20 =	rddreg [dreg:$0x15]  }
0x1e3: {  	v30 =	vmul.f32 v60, v12;
	v29 =	vld.idx.msk [tilespmem:v0+s22+$0x0], $0xffff;
	s22 =	sor.u32 s5, s29;
	s29 =	simm.s32 $0x3000;
	s23 =	rddreg [dreg:$0x17];
	v24 =	vadd.f32 v24, v17;
	v62 =	vadd.f32 v22, v16  }
0x1e4: {  	s24 =	rddreg [dreg:$0x18];
	v34 =	vmul.f32 v6, v12;
	v12 =	vld.idx.msk [tilespmem:v0+s31+$0x0], $0xffff;
	s21 =	sor.u32 s5, s20;
	v31 =	vadd.f32 v57, v23;
	v22 =	vadd.f32 v26, v2;
	s20 =	sor.u32 s5, s23  }
0x1e5: {  	s18 =	sor.u32 s5, s24;
	v23 =	vadd.f32 v28, v16;
	v28 =	vld.idx.msk [tilespmem:v0+s25+$0x0], $0xffff;
	s23 =	sor.u32 s5, s16;
	s24 =	sor.u32 s5, s30;
	v27 =	vmul.f32 v24, v27;
	v24 =	vadd.f32 v30, v1  }
0x1e6: {  	v13 =	vmul.f32 v6, v13;
	v26 =	vld.idx.msk [tilespmem:v0+s26+$0x0], $0xffff;
	s16 =	sor.u32 s5, s11;
	s30 =	simm.s32 $0x2C00;
	s11 =	sor.u32 s5, s6;
	v32 =	vadd.f32 v25, v62;
	v25 =	vadd.f32 v59, v2  }
0x1e7: {  	s5 =	simm.s32 $0x2;
	s25 =	simm.s32 $0x2800;
	s26 =	simm.s32 $0x2C00;
	[tilespmem:s21+$0x0] =	vst v38;
	v30 =	vld.idx.msk [tilespmem:v0+s30+$0x0], $0xffff;
	v33 =	vadd.f32 v27, v23;
	v23 =	vadd.f32 v63, v2  }
.LBB2_5:
0x1e8: {  	[tilespmem:s20+$0x0] =	vst v31;
	s0 =	simm.s32 $0x3400  }
0x1e9: {  	s5 =	sadd.s32 $0x2, s5;
	v27 =	vld.idx.msk [tilespmem:v0+s0+$0x0], $0xffff;
	[tilespmem:s18+$0x0] =	vst v32;
	s18 =	simm.s32 $0x3800  }
0x1ea: {  	v6 =	vmov v14;
	s20 =	sshll.u32 s5, $0x7;
	v14 =	vld.idx.msk [tilespmem:v0+s18+$0x0], $0xffff;
	[tilespmem:s19+$0x0] =	vst v33;
	s19 =	rddreg [dreg:$0x4]  }
0x1eb: {  	s1 =	simm.s32 $0x3C00;
	s6 =	sshra.s32 s20, $0x2;
	s0 =	sadd.s32 $0x20, s19;
	v10 =	vmul.f32 v8, v29  }
0x1ec: {  	s21 =	simm.s32 $0x2000;
	s18 =	sand.u32 $0xFFFFFF00, s6;
	v29 =	vadd.f32 v34, v1;
	v1 =	vmov v17;
	v17 =	vld.idx.msk [tilespmem:v0+s1+$0x0], $0xffff;
	v9 =	vmul.f32 v9, v28;
	s17 =	sand.u32 $0x60, s0  }
0x1ed: {  	v0 =	vmov v5;
	v5 =	vld.idx.msk [tilespmem:v4+s21+$0x0], $0xffff;
	s31 =	sadd.s32 $0x6800, s18;
	s1 =	simm.s32 $0x2400;
	s6 =	sor.u32 $0x10, s17;
	v8 =	vadd.f32 v10, v40;
	v10 =	vmul.f32 v11, v26  }
0x1ee: {  	v11 =	vld.idx.msk [tilespmem:v4+s1+$0x0], $0xffff;
	v7 =	vadd.f32 v9, v39;
	v9 =	vmul.f32 v18, v30;
	s19 =	sor.u32 s6, s31  }
0x1ef: {  	s21 =	smov.u32 s28;
	v26 =	vld [tilespmem:s19+$0x0];
	[tilespmem:s12+$0x0] =	vst v8;
	v10 =	vadd.f32 v10, v15  }
0x1f0: {  	v13 =	vadd.f32 v13, v2;
	[dreg:$0x5] =	wrdreg s21;
	s21 =	sor.u32 s17, s31;
	v9 =	vadd.f32 v9, v20;
	v8 =	vld.idx.msk [tilespmem:v4+s25+$0x0], $0xffff;
	[tilespmem:s9+$0x0] =	vst v7  }
0x1f1: {  	v2 =	vmov v16;
	v16 =	vmul.f32 v21, v27;
	v15 =	vmul.f32 v19, v12;
	v12 =	vld [tilespmem:s21+$0x0];
	[tilespmem:s3+$0x0] =	vst v10  }
0x1f2: {  	s1 =	sshll.u32 s5, $0x6;
	v18 =	vld.idx.msk [tilespmem:v4+s26+$0x0], $0xffff;
	[tilespmem:s10+$0x0] =	vst v9  }
0x1f3: {  	s15 =	simm.s32 $0x3400;
	s19 =	sand.u32 $0x3FFFFE00, s1;
	v7 =	vadd.f32 v15, v22;
	v15 =	vadd.f32 v16, v25;
	v16 =	vld.idx.msk [tilespmem:v4+s29+$0x0], $0xffff  }
0x1f4: {  	s30 =	simm.s32 $0x3800;
	v10 =	vmul.f32 v29, v17;
	s3 =	sadd.s32 $0x5080, s19;
	v17 =	vld.idx.msk [tilespmem:v4+s15+$0x0], $0xffff  }
0x1f5: {  	s25 =	smov.u32 s22;
	s10 =	sadd.s32 $0x6880, s18;
	s21 =	sor.u32 s6, s3;
	v20 =	vld.idx.msk [tilespmem:v4+s30+$0x0], $0xffff  }
0x1f6: {  	[dreg:$0x8] =	wrdreg s25;
	s25 =	sadd.s32 $0x5180, s19;
	s22 =	sor.u32 s6, s10;
	v29 =	vld [tilespmem:s21+$0x0]  }
0x1f7: {  	v22 =	vadd.f32 v10, v13;
	s21 =	smov.u32 s4;
	s4 =	sor.u32 s6, s25;
	s30 =	sadd.s32 $0x5000, s19;
	v13 =	vld [tilespmem:s22+$0x0]  }
0x1f8: {  	[dreg:$0x4] =	wrdreg s0;
	v14 =	vmul.f32 v24, v14;
	s0 =	sadd.s32 $0x5100, s19;
	v31 =	vld [tilespmem:s4+$0x0];
	s1 =	sor.u32 s6, s30  }
0x1f9: {  	v9 =	vmul.f32 v5, v6;
	v5 =	vmul.f32 v5, v3;
	s22 =	smov.u32 s11;
	s11 =	sor.u32 s6, s0;
	v28 =	vld [tilespmem:s1+$0x0]  }
0x1fa: {  	v14 =	vadd.f32 v14, v23;
	v19 =	vmul.f32 v11, v6;
	s12 =	sor.u32 s17, s10;
	[tilespmem:s14+$0x0] =	vst v7;
	s10 =	simm.s32 $0x0;
	v30 =	vld [tilespmem:s11+$0x0]  }
0x1fb: {  	s9 =	smov.u32 s24;
	s24 =	simm.s32 $0x400;
	v5 =	vadd.f32 v5, v1;
	[tilespmem:s2+$0x0] =	vst v15;
	v27 =	vld.idx.msk [tilespmem:v26+s10+$0x0], $0xffff  }
0x1fc: {  	s28 =	simm.s32 $0x800;
	v7 =	vadd.f32 v19, v2;
	[tilespmem:s7+$0x0] =	vst v14;
	v51 =	vld.idx.msk [tilespmem:v26+s24+$0x0], $0xffff  }
0x1fd: {  	v21 =	vmul.f32 v8, v3;
	s7 =	simm.s32 $0xC00;
	[tilespmem:$0x1FF60] =	vst v5;
	v14 =	vld.idx.msk [tilespmem:v26+s28+$0x0], $0xffff  }
0x1fe: {  	s2 =	simm.s32 $0x1000;
	v5 =	vmul.f32 v8, v6;
	v8 =	vadd.f32 v9, v2;
	[tilespmem:$0x1FF30] =	vst v7;
	v52 =	vld.idx.msk [tilespmem:v26+s7+$0x0], $0xffff  }
0x1ff: {  	v53 =	vld.idx.msk [tilespmem:v26+s2+$0x0], $0xffff;
	[tilespmem:s13+$0x0] =	vst v22;
	s13 =	simm.s32 $0x1800;
	v7 =	vadd.f32 v21, v1;
	v23 =	vmul.f32 v16, v6  }
0x200: {  	v35 =	vld.idx.msk [tilespmem:v26+s13+$0x0], $0xffff;
	v5 =	vadd.f32 v5, v2;
	v16 =	vmul.f32 v16, v3;
	v25 =	vmul.f32 v17, v6  }
0x201: {  	[tilespmem:$0x1FF40] =	vst v8;
	v17 =	vmul.f32 v17, v3;
	v24 =	vmul.f32 v20, v3;
	v37 =	vld.idx.msk [tilespmem:v12+s10+$0x0], $0xffff  }
0x202: {  	v57 =	vld.idx.msk [tilespmem:v12+s24+$0x0], $0xffff;
	[tilespmem:$0x1FF70] =	vst v5;
	v5 =	vmul.f32 v18, v6;
	v19 =	vadd.f32 v16, v1  }
0x203: {  	s15 =	smov.u32 s16;
	s14 =	simm.s32 $0x1400;
	v58 =	vld.idx.msk [tilespmem:v12+s28+$0x0], $0xffff;
	v16 =	vmul.f32 v20, v6;
	v21 =	vadd.f32 v17, v1;
	v36 =	vmul.f32 v27, v29  }
0x204: {  	[dreg:$0x7] =	wrdreg s15;
	s15 =	simm.s32 $0x1C00;
	v17 =	vld.idx.msk [tilespmem:v26+s14+$0x0], $0xffff;
	v22 =	vadd.f32 v23, v2;
	v38 =	vmul.f32 v51, v29;
	v54 =	vmul.f32 v14, v29  }
0x205: {  	v55 =	vmul.f32 v52, v29;
	v41 =	vmul.f32 v53, v29;
	v23 =	vadd.f32 v16, v2;
	v16 =	vld.idx.msk [tilespmem:v26+s15+$0x0], $0xffff  }
0x206: {  	[tilespmem:$0x1FF90] =	vst v7;
	v27 =	vmul.f32 v27, v31;
	v32 =	vmul.f32 v51, v31;
	v20 =	vadd.f32 v5, v2;
	v5 =	vld [tilespmem:s12+$0x0]  }
0x207: {  	v14 =	vmul.f32 v14, v31;
	v33 =	vmul.f32 v52, v31;
	v44 =	vld.idx.msk [tilespmem:v13+s10+$0x0], $0xffff;
	v36 =	vadd.f32 v36, v28  }
0x208: {  	v34 =	vmul.f32 v53, v31;
	v46 =	vld.idx.msk [tilespmem:v13+s24+$0x0], $0xffff;
	v38 =	vadd.f32 v38, v28;
	v27 =	vadd.f32 v27, v30  }
0x209: {  	v43 =	vmul.f32 v35, v29;
	v47 =	vld.idx.msk [tilespmem:v13+s28+$0x0], $0xffff;
	v39 =	vadd.f32 v54, v28;
	v32 =	vadd.f32 v32, v30  }
0x20a: {  	v48 =	vld.idx.msk [tilespmem:v13+s7+$0x0], $0xffff;
	v35 =	vmul.f32 v35, v31;
	v40 =	vadd.f32 v55, v28;
	v14 =	vadd.f32 v14, v30  }
0x20b: {  	v49 =	vld.idx.msk [tilespmem:v13+s2+$0x0], $0xffff;
	v41 =	vadd.f32 v41, v28;
	v33 =	vadd.f32 v33, v30;
	v42 =	vmul.f32 v17, v29  }
0x20c: {  	s31 =	smov.u32 s23;
	s18 =	sor.u32 s17, s3;
	v50 =	vld.idx.msk [tilespmem:v13+s14+$0x0], $0xffff;
	v34 =	vadd.f32 v34, v30;
	v17 =	vmul.f32 v17, v31;
	v27 =	vmul.f32 v27, v44  }
0x20d: {  	s3 =	smov.u32 s8;
	s26 =	sor.u32 s17, s25;
	s11 =	sand.u32 $0x3FFFFC00, s20;
	v51 =	vld.idx.msk [tilespmem:v13+s13+$0x0], $0xffff;
	v35 =	vadd.f32 v35, v30;
	v45 =	vmul.f32 v16, v29;
	v32 =	vmul.f32 v32, v46  }
0x20e: {  	s8 =	sor.u32 s17, s0;
	[dreg:$0x9] =	wrdreg s21;
	v56 =	vld.idx.msk [tilespmem:v13+s15+$0x0], $0xffff;
	s12 =	sadd.s32 $0xB000, s11;
	v16 =	vmul.f32 v16, v31;
	v14 =	vmul.f32 v14, v47;
	v36 =	vadd.f32 v27, v36  }
0x20f: {  	s4 =	sor.u32 s17, s30;
	s20 =	sadd.s32 $0xB080, s11;
	v60 =	vld.idx.msk [tilespmem:v12+s2+$0x0], $0xffff;
	s19 =	sor.u32 s6, s12;
	v33 =	vmul.f32 v33, v48;
	v17 =	vadd.f32 v17, v30;
	v32 =	vadd.f32 v32, v38  }
0x210: {  	[dreg:$0x6] =	wrdreg s22;
	s22 =	sadd.s32 $0xB100, s11;
	s23 =	sor.u32 s6, s20;
	v42 =	vadd.f32 v42, v28;
	v34 =	vmul.f32 v34, v49;
	v61 =	vadd.f32 v14, v39;
	[tilespmem:s19+$0x0] =	vst v36  }
0x211: {  	s30 =	sadd.s32 $0xB180, s11;
	s25 =	sor.u32 s17, s20;
	s16 =	sor.u32 s6, s22;
	v27 =	vld [tilespmem:s26+$0x0];
	v33 =	vadd.f32 v33, v40;
	v62 =	vmul.f32 v17, v50;
	v63 =	vadd.f32 v16, v30;
	[tilespmem:s23+$0x0] =	vst v32  }
0x212: {  	s21 =	sor.u32 s17, s12;
	s12 =	sadd.s32 $0xB200, s11;
	v49 =	vadd.f32 v43, v28;
	v35 =	vmul.f32 v35, v51;
	v14 =	vld [tilespmem:s18+$0x0];
	v48 =	vadd.f32 v34, v41;
	s18 =	sor.u32 s6, s30;
	[tilespmem:s16+$0x0] =	vst v61  }
0x213: {  	s29 =	sor.u32 s17, s30;
	v17 =	vld [tilespmem:s8+$0x0];
	v50 =	vadd.f32 v45, v28;
	s8 =	sor.u32 s6, s12;
	s19 =	sadd.s32 $0xB280, s11;
	v36 =	vadd.f32 v62, v42;
	v39 =	vmul.f32 v63, v56;
	[tilespmem:s18+$0x0] =	vst v33  }
0x214: {  	v16 =	vld [tilespmem:s4+$0x0];
	s30 =	sor.u32 s17, s12;
	v59 =	vadd.f32 v35, v49;
	s23 =	sadd.s32 $0xB300, s11;
	s4 =	sor.u32 s6, s19;
	[tilespmem:s8+$0x0] =	vst v48  }
0x215: {  	v18 =	vmul.f32 v18, v3;
	v54 =	vld.idx.msk [tilespmem:v12+s14+$0x0], $0xffff;
	s12 =	sadd.s32 $0xB380, s11;
	v53 =	vadd.f32 v39, v50;
	s18 =	sor.u32 s17, s23;
	s23 =	sor.u32 s6, s23;
	[tilespmem:s4+$0x0] =	vst v36  }
0x216: {  	v11 =	vmul.f32 v11, v3;
	v51 =	vld.idx.msk [tilespmem:v12+s7+$0x0], $0xffff;
	s20 =	sor.u32 s17, s19;
	s19 =	sor.u32 s17, s12;
	s12 =	sor.u32 s6, s12;
	[tilespmem:s23+$0x0] =	vst v59  }
0x217: {  	v7 =	vadd.f32 v18, v1;
	v63 =	vld.idx.msk [tilespmem:v12+s13+$0x0], $0xffff;
	v52 =	vmul.f32 v37, v27;
	[tilespmem:s12+$0x0] =	vst v53;
	s12 =	simm.s32 $0x2000  }
0x218: {  	v8 =	vadd.f32 v11, v1;
	v61 =	vmul.f32 v57, v27;
	v62 =	vmul.f32 v58, v27;
	s4 =	simm.s32 $0x2400;
	v45 =	vld.idx.msk [tilespmem:v26+s12+$0x0], $0xffff  }
0x219: {  	s0 =	simm.s32 $0x2800;
	[tilespmem:$0x1FF50] =	vst v7;
	v55 =	vmul.f32 v37, v14;
	v56 =	vmul.f32 v57, v14;
	v46 =	vld.idx.msk [tilespmem:v26+s4+$0x0], $0xffff  }
0x21a: {  	s1 =	simm.s32 $0x2C00;
	v57 =	vmul.f32 v58, v14;
	v36 =	vadd.f32 v52, v17;
	v37 =	vadd.f32 v61, v17;
	v47 =	vld.idx.msk [tilespmem:v26+s0+$0x0], $0xffff  }
0x21b: {  	s26 =	sor.u32 s17, s22;
	s22 =	simm.s32 $0x3000;
	v40 =	vmul.f32 v51, v27;
	v34 =	vadd.f32 v62, v17;
	v33 =	vadd.f32 v55, v16;
	v49 =	vld.idx.msk [tilespmem:v26+s1+$0x0], $0xffff  }
0x21c: {  	s16 =	simm.s32 $0x3400;
	v58 =	vmul.f32 v51, v14;
	v32 =	vadd.f32 v56, v16;
	v35 =	vadd.f32 v57, v16;
	v51 =	vld.idx.msk [tilespmem:v26+s22+$0x0], $0xffff  }
0x21d: {  	v41 =	vadd.f32 v40, v17;
	v61 =	vmul.f32 v54, v14;
	v43 =	vmul.f32 v63, v27;
	s23 =	simm.s32 $0x3800;
	v53 =	vld.idx.msk [tilespmem:v26+s16+$0x0], $0xffff  }
0x21e: {  	s8 =	simm.s32 $0x3C00;
	v62 =	vmul.f32 v54, v27;
	v52 =	vmul.f32 v63, v14;
	v38 =	vadd.f32 v58, v16;
	v54 =	vld.idx.msk [tilespmem:v26+s23+$0x0], $0xffff  }
0x21f: {  	v59 =	vmul.f32 v60, v14;
	v60 =	vmul.f32 v60, v27;
	v40 =	vadd.f32 v43, v17;
	v48 =	vld.idx.msk [tilespmem:v26+s8+$0x0], $0xffff  }
0x220: {  	v50 =	vld.idx.msk [tilespmem:v5+s10+$0x0], $0xffff;
	v26 =	vadd.f32 v52, v16;
	v52 =	vmul.f32 v45, v29;
	v57 =	vmul.f32 v46, v29  }
0x221: {  	v55 =	vld.idx.msk [tilespmem:v12+s15+$0x0], $0xffff;
	v42 =	vadd.f32 v60, v17;
	v58 =	vmul.f32 v47, v29;
	v60 =	vmul.f32 v49, v29  }
0x222: {  	v56 =	vld.idx.msk [tilespmem:v5+s24+$0x0], $0xffff;
	v43 =	vadd.f32 v61, v16;
	v61 =	vmul.f32 v51, v29;
	v63 =	vmul.f32 v53, v29  }
0x223: {  	v44 =	vadd.f32 v62, v17;
	v62 =	vld.idx.msk [tilespmem:v5+s7+$0x0], $0xffff;
	v7 =	vmul.f32 v54, v29;
	v45 =	vmul.f32 v45, v31  }
0x224: {  	[tilespmem:$0x1FF80] =	vst v8;
	v8 =	vld.idx.msk [tilespmem:v13+s12+$0x0], $0xffff;
	v29 =	vmul.f32 v48, v29;
	v46 =	vmul.f32 v46, v31  }
0x225: {  	v39 =	vadd.f32 v59, v16;
	v9 =	vld.idx.msk [tilespmem:v13+s4+$0x0], $0xffff;
	v47 =	vmul.f32 v47, v31;
	v49 =	vmul.f32 v49, v31  }
0x226: {  	v10 =	vld.idx.msk [tilespmem:v13+s0+$0x0], $0xffff;
	v51 =	vmul.f32 v51, v31;
	v53 =	vmul.f32 v53, v31;
	v52 =	vadd.f32 v52, v28  }
0x227: {  	v11 =	vld.idx.msk [tilespmem:v13+s1+$0x0], $0xffff;
	v54 =	vmul.f32 v54, v31;
	v57 =	vadd.f32 v57, v28;
	v45 =	vadd.f32 v45, v30  }
0x228: {  	v15 =	vld.idx.msk [tilespmem:v13+s22+$0x0], $0xffff;
	v31 =	vmul.f32 v48, v31;
	v58 =	vadd.f32 v58, v28;
	v46 =	vadd.f32 v46, v30  }
0x229: {  	v18 =	vld.idx.msk [tilespmem:v13+s16+$0x0], $0xffff;
	v60 =	vadd.f32 v60, v28;
	v8 =	vmul.f32 v45, v8;
	v45 =	vadd.f32 v47, v30  }
0x22a: {  	v59 =	vld.idx.msk [tilespmem:v5+s28+$0x0], $0xffff;
	v47 =	vadd.f32 v61, v28;
	v9 =	vmul.f32 v46, v9;
	v46 =	vadd.f32 v49, v30  }
0x22b: {  	s10 =	smov.u32 s9;
	v48 =	vld.idx.msk [tilespmem:v13+s23+$0x0], $0xffff;
	v8 =	vadd.f32 v8, v52;
	v10 =	vmul.f32 v45, v10;
	v45 =	vadd.f32 v51, v30  }
0x22c: {  	s9 =	smov.u32 s31;
	s24 =	sadd.s32 $0xD100, s11;
	s16 =	sadd.s32 $0xD000, s11;
	v13 =	vld.idx.msk [tilespmem:v13+s8+$0x0], $0xffff;
	v9 =	vadd.f32 v9, v57;
	v11 =	vmul.f32 v46, v11;
	v57 =	vadd.f32 v53, v30  }
0x22d: {  	s12 =	simm.s32 $0x3C00;
	s22 =	sadd.s32 $0xD080, s11;
	s4 =	sor.u32 s6, s16;
	v49 =	vadd.f32 v63, v28;
	v63 =	vld.idx.msk [tilespmem:v5+s14+$0x0], $0xffff;
	v10 =	vadd.f32 v10, v58;
	v15 =	vmul.f32 v45, v15  }
0x22e: {  	s0 =	sor.u32 s6, s24;
	s1 =	sadd.s32 $0xD200, s11;
	s31 =	sor.u32 s6, s22;
	v58 =	vadd.f32 v54, v30;
	[tilespmem:s4+$0x0] =	vst v8;
	v8 =	vadd.f32 v11, v60;
	v11 =	vmul.f32 v57, v18  }
0x22f: {  	s28 =	sor.u32 s17, s16;
	s23 =	sor.u32 s17, s22;
	s8 =	sadd.s32 $0xD180, s11;
	v7 =	vadd.f32 v7, v28;
	v61 =	vld.idx.msk [tilespmem:v5+s2+$0x0], $0xffff;
	v18 =	vadd.f32 v31, v30;
	[tilespmem:s31+$0x0] =	vst v9  }
0x230: {  	s22 =	sor.u32 s17, s24;
	s24 =	sor.u32 s17, s8;
	s8 =	sor.u32 s6, s8;
	v9 =	vadd.f32 v15, v47;
	v15 =	vmul.f32 v58, v48;
	[tilespmem:s0+$0x0] =	vst v10;
	v10 =	vadd.f32 v11, v49  }
0x231: {  	s16 =	sor.u32 s17, s1;
	s31 =	sor.u32 s6, s1;
	s0 =	sadd.s32 $0xD280, s11;
	v11 =	vadd.f32 v29, v28;
	v13 =	vmul.f32 v18, v13;
	[tilespmem:s8+$0x0] =	vst v8;
	v8 =	vld.idx.msk [tilespmem:v5+s13+$0x0], $0xffff  }
0x232: {  	s1 =	sadd.s32 $0xD300, s11;
	v30 =	vmul.f32 v44, v63;
	s4 =	sor.u32 s17, s0;
	s0 =	sor.u32 s6, s0;
	v7 =	vadd.f32 v15, v7;
	[tilespmem:s31+$0x0] =	vst v9  }
0x233: {  	v18 =	vmul.f32 v55, v27;
	s8 =	sor.u32 s17, s1;
	s1 =	sor.u32 s6, s1;
	v9 =	vld.idx.msk [tilespmem:v5+s15+$0x0], $0xffff;
	s15 =	sadd.s32 $0xD380, s11;
	v11 =	vadd.f32 v13, v11;
	[tilespmem:s0+$0x0] =	vst v10  }
0x234: {  	v63 =	vld.idx.msk [tilespmem:v4+s12+$0x0], $0xffff;
	v28 =	vmul.f32 v41, v62;
	v10 =	vmul.f32 v36, v50;
	s11 =	sor.u32 s17, s15;
	s0 =	sor.u32 s6, s15;
	s17 =	simm.s32 $0x2000;
	[tilespmem:s1+$0x0] =	vst v7  }
0x235: {  	v13 =	vmul.f32 v37, v56;
	v29 =	vld.idx.msk [tilespmem:v0+s17+$0x0], $0xffff;
	[tilespmem:s0+$0x0] =	vst v11;
	v11 =	vmul.f32 v42, v61  }
0x236: {  	v18 =	vadd.f32 v18, v17;
	v10 =	vadd.f32 v10, v33;
	v8 =	vmul.f32 v40, v8;
	v40 =	vld [tilespmem:$0x1FF40]  }
0x237: {  	v15 =	vmul.f32 v55, v14;
	v13 =	vadd.f32 v13, v32;
	v11 =	vadd.f32 v11, v39;
	v39 =	vld [tilespmem:$0x1FF30]  }
0x238: {  	v7 =	vmul.f32 v34, v59;
	[tilespmem:s21+$0x0] =	vst v10;
	v9 =	vmul.f32 v18, v9;
	v18 =	vld [tilespmem:$0x1FF50]  }
0x239: {  	s31 =	simm.s32 $0x2400;
	v15 =	vadd.f32 v15, v16;
	[tilespmem:s25+$0x0] =	vst v13;
	v32 =	vadd.f32 v8, v26;
	v8 =	vld [tilespmem:$0x1FF60]  }
0x23a: {  	v4 =	vmov v12;
	v12 =	vadd.f32 v28, v38;
	v7 =	vadd.f32 v7, v35;
	v28 =	vld.idx.msk [tilespmem:v0+s31+$0x0], $0xffff  }
0x23b: {  	p1 =	slt.u32 s5, $0x3E;
	s7 =	smov.u32 s3;
	v33 =	vadd.f32 v9, v15;
	v15 =	vld [tilespmem:$0x1FF70]  }
.Ltmp3:
0x23c: {  	s3 =	rddreg [dreg:$0x8];
	s25 =	simm.s32 $0x2800;
	[tilespmem:s26+$0x0] =	vst v7;
	v9 =	vld [tilespmem:$0x1FF80];
	(pc) =	sbr.rel @p1 .LBB2_5-.Ltmp3, $4  }
0x23d: {  	s2 =	rddreg [dreg:$0x9];
	s26 =	simm.s32 $0x2C00;
	v26 =	vld.idx.msk [tilespmem:v0+s25+$0x0], $0xffff;
	[tilespmem:s29+$0x0] =	vst v12  }
0x23e: {  	s14 =	rddreg [dreg:$0x7];
	v31 =	vadd.f32 v30, v43;
	v30 =	vld.idx.msk [tilespmem:v0+s26+$0x0], $0xffff  }
0x23f: {  	v24 =	vadd.f32 v24, v1;
	v25 =	vadd.f32 v25, v2;
	s12 =	rddreg [dreg:$0x5];
	s29 =	simm.s32 $0x3000;
	[tilespmem:s30+$0x0] =	vst v11;
	v11 =	vld [tilespmem:$0x1FF90]  }
0x240: {  	s13 =	rddreg [dreg:$0x6];
	v34 =	vmul.f32 v63, v3;
	v3 =	vmov v27;
	v13 =	vmul.f32 v63, v6;
	v12 =	vld.idx.msk [tilespmem:v0+s29+$0x0], $0xffff  }
0x241: {  	_ =	sdelay $0x2  }
0x242: {  	s0 =	simm.s32 $0x3400  }
0x243: {  	[tilespmem:s20+$0x0] =	vst v31;
	s1 =	simm.s32 $0x3800;
	v7 =	vld.idx.msk [tilespmem:v0+s0+$0x0], $0xffff  }
0x244: {  	s6 =	simm.s32 $0x3C00;
	v61 =	vld.idx.msk [tilespmem:v0+s1+$0x0], $0xffff;
	[tilespmem:s18+$0x0] =	vst v32  }
0x245: {  	s5 =	simm.s32 $0x2000;
	v62 =	vld.idx.msk [tilespmem:v0+s6+$0x0], $0xffff;
	[tilespmem:s19+$0x0] =	vst v33  }
0x246: {  	s21 =	simm.s32 $0x2400;
	v27 =	vld.idx.msk [tilespmem:v4+s5+$0x0], $0xffff  }
0x247: {  	v9 =	vmul.f32 v9, v28;
	v28 =	vld.idx.msk [tilespmem:v4+s21+$0x0], $0xffff  }
0x248: {  	v6 =	vmul.f32 v8, v29;
	v29 =	vld.idx.msk [tilespmem:v4+s25+$0x0], $0xffff  }
0x249: {  	v63 =	vmul.f32 v18, v30;
	v30 =	vld.idx.msk [tilespmem:v4+s26+$0x0], $0xffff  }
0x24a: {  	v31 =	vld.idx.msk [tilespmem:v4+s29+$0x0], $0xffff  }
0x24b: {  	v1 =	vadd.f32 v34, v1;
	v34 =	vld.idx.msk [tilespmem:v4+s0+$0x0], $0xffff  }
0x24c: {  	v36 =	vld.idx.msk [tilespmem:v4+s1+$0x0], $0xffff  }
0x24d: {  	v38 =	vld.idx.msk [tilespmem:v4+s6+$0x0], $0xffff  }
0x24e: {  	v9 =	vadd.f32 v9, v39;
	v39 =	vld.idx.msk [tilespmem:v5+s5+$0x0], $0xffff  }
0x24f: {  	v41 =	vld.idx.msk [tilespmem:v5+s21+$0x0], $0xffff  }
0x250: {  	v6 =	vadd.f32 v6, v40;
	v10 =	vmul.f32 v11, v26;
	v43 =	vld.idx.msk [tilespmem:v5+s25+$0x0], $0xffff;
	v26 =	vmul.f32 v19, v12  }
0x251: {  	v2 =	vadd.f32 v13, v2;
	v45 =	vld.idx.msk [tilespmem:v5+s26+$0x0], $0xffff;
	v7 =	vmul.f32 v21, v7;
	v8 =	vmul.f32 v24, v61  }
0x252: {  	[tilespmem:s12+$0x0] =	vst v6;
	v18 =	vadd.f32 v10, v15;
	v0 =	vmul.f32 v1, v62;
	v32 =	vmul.f32 v27, v14  }
0x253: {  	v11 =	vadd.f32 v63, v20;
	[tilespmem:s9+$0x0] =	vst v9;
	v33 =	vmul.f32 v27, v3;
	v35 =	vmul.f32 v28, v14  }
0x254: {  	v10 =	vadd.f32 v26, v22;
	[tilespmem:s3+$0x0] =	vst v18;
	v6 =	vmul.f32 v28, v3;
	v37 =	vmul.f32 v29, v3  }
0x255: {  	[tilespmem:s10+$0x0] =	vst v11;
	v7 =	vadd.f32 v7, v25;
	v11 =	vmul.f32 v29, v14;
	v40 =	vmul.f32 v30, v14  }
0x256: {  	v8 =	vadd.f32 v8, v23;
	v42 =	vmul.f32 v31, v14;
	v1 =	vmul.f32 v31, v3;
	[tilespmem:s14+$0x0] =	vst v10  }
0x257: {  	v0 =	vadd.f32 v0, v2;
	v44 =	vmul.f32 v34, v14;
	v9 =	vmul.f32 v34, v3;
	[tilespmem:s2+$0x0] =	vst v7  }
0x258: {  	v2 =	vmul.f32 v36, v3;
	v7 =	vadd.f32 v32, v16;
	[tilespmem:s7+$0x0] =	vst v8;
	v8 =	vadd.f32 v33, v17  }
0x259: {  	v47 =	vld.idx.msk [tilespmem:v5+s29+$0x0], $0xffff;
	v10 =	vmul.f32 v30, v3;
	v6 =	vadd.f32 v6, v17;
	v12 =	vadd.f32 v35, v16  }
0x25a: {  	v48 =	vld.idx.msk [tilespmem:v5+s0+$0x0], $0xffff;
	v13 =	vadd.f32 v37, v17;
	v11 =	vadd.f32 v11, v16;
	v8 =	vmul.f32 v8, v39  }
0x25b: {  	v50 =	vld.idx.msk [tilespmem:v5+s1+$0x0], $0xffff;
	v1 =	vadd.f32 v1, v17;
	v10 =	vadd.f32 v10, v17;
	v6 =	vmul.f32 v6, v41  }
0x25c: {  	v52 =	vld.idx.msk [tilespmem:v5+s6+$0x0], $0xffff;
	v18 =	vadd.f32 v40, v16;
	v53 =	vmul.f32 v13, v43;
	v7 =	vadd.f32 v8, v7  }
0x25d: {  	v9 =	vadd.f32 v9, v17;
	[tilespmem:s13+$0x0] =	vst v0;
	v56 =	vmul.f32 v10, v45;
	v55 =	vadd.f32 v6, v12  }
0x25e: {  	v49 =	vadd.f32 v42, v16;
	v1 =	vmul.f32 v1, v47;
	v57 =	vadd.f32 v53, v11;
	[tilespmem:s28+$0x0] =	vst v7  }
0x25f: {  	v51 =	vadd.f32 v44, v16;
	v59 =	vmul.f32 v9, v48;
	v58 =	vadd.f32 v56, v18;
	[tilespmem:s23+$0x0] =	vst v55  }
0x260: {  	v54 =	vmul.f32 v38, v3;
	v1 =	vadd.f32 v1, v49;
	[tilespmem:s22+$0x0] =	vst v57  }
0x261: {  	v46 =	vmul.f32 v36, v14;
	v2 =	vadd.f32 v2, v17;
	v62 =	vadd.f32 v59, v51;
	[tilespmem:s24+$0x0] =	vst v58  }
0x262: {  	v4 =	vmul.f32 v38, v14;
	v0 =	vadd.f32 v54, v17;
	[tilespmem:s16+$0x0] =	vst v1  }
0x263: {  	v60 =	vadd.f32 v46, v16;
	v2 =	vmul.f32 v2, v50;
	[tilespmem:s4+$0x0] =	vst v62  }
0x264: {  	s30 =	simm.s32 $0x20000;
	v61 =	vadd.f32 v4, v16;
	v0 =	vmul.f32 v0, v52;
	s23 =	rddreg [dreg:$0xf]  }
.Ltmp4:
0x265: {  	s31 =	simm.s32 $0xB000;
	v63 =	vadd.f32 v2, v60;
	s24 =	rddreg [dreg:$0x14];
	(pc) =	sbr.rel @p0 .LBB2_8-.Ltmp4, $4  }
0x266: {  	s15 =	simm.s32 $0x3C00;
	s12 =	simm.s32 $0x2400;
	v0 =	vadd.f32 v0, v61;
	s0 =	sor.u32 s23, s24  }
0x267: {  	s9 =	simm.s32 $0x2000;
	s28 =	rddreg [dreg:$0x2];
	[tilespmem:s8+$0x0] =	vst v63;
	s0 =	sshrl.u32 s0, $0x3  }
0x268: {  	s10 =	simm.s32 $0x3800;
	s7 =	simm.s32 $0x3400;
	[tilespmem:s11+$0x0] =	vst v0;
	s0 =	sadd.s32 s28, s0  }
0x269: {  	[hbm4b:s0+s5] =	stream.strided.scatter [tilespmem:s31], [sflag:$0x5], $0x4000, s30, s5, $0x38;
	[tilespmem:$0xF000] =	vst v63  }
0x26a: {  	s0 =	rddreg [dreg:$0x13]  }
0x26b: {  	s2 =	rddreg [dreg:$0xa];
	s24 =	simm.s32 $0x0  }
0x26c: {  	s3 =	simm.s32 $0x5000;
	s28 =	simm.s32 $0x0;
	s31 =	rddreg [dreg:$0x1]  }
0x26d: {  	s30 =	simm.s32 $0x6800;
	s17 =	simm.s32 $0x800;
	s19 =	simm.s32 $0xC00  }
0x26e: {  	s20 =	simm.s32 $0x1000;
	s21 =	simm.s32 $0x1400;
	s0 =	sadd.s32 $0xC00, s0  }
.Ltmp5:
0x26f: {  	s1 =	sshrl.u32 s0, $0x1;
	s0 =	sshrl.u32 s0, $0x2;
	(pc) =	sbr.rel .LBB2_2-.Ltmp5, $4  }
0x270: {  	s1 =	sadd.s32 s2, s1;
	s0 =	sadd.s32 s31, s0;
	s31 =	rddreg [dreg:$0x12]  }
0x271: {  	[tilespmem:s3], [sflag:$0x3] =	stream.linear.gather [hbm4b:s1+s24], $0x1000, $0x38;
	[tilespmem:$0xF000] =	vst v63  }
0x272: {  	s22 =	simm.s32 $0x1800;
	s6 =	simm.s32 $0x1C00;
	s1 =	sadd.s32 $0x1, s31  }
0x273: {  	[tilespmem:s30], [sflag:$0x3] =	stream.linear.gather [hbm4b:s0+s28], $0x800, $0x38;
	[tilespmem:$0xF000] =	vst v63  }
.LBB2_9:
0x274: {  	_ =	sfence.sel $0x180000  }
0x275: {  	[bflag:$0x0] =	sbarrier.arrive $0xFFFF  }
0x276: {  	_ =	strace $0x90000047  }
0x277: {  	s0 =	stileid.u32;
	[bflag:$0x2] =	sbarrier.arrive $0xFFFF  }
0x278: {  	p0 =	sne.s32 s0, $0x0;
	s0 =	rddreg [dreg:$0x3]  }
0x279: {  	s0 =	sadd.s32 @!p0 $0x100000, s0  }
0x27a: {  	[sflag:s0] =	ssyncadd.tile.s32 @!p0 $0x1;
	_ =	shalt  }
.Lfunc_end2:
_tile_overlayer_lowered:
.L_overlay_start_2:
0x27b: {  	(tag) =	ssettag $0x2  }
0x27c: {  	s0 =	rddreg [dreg:$0x0];
	s2 =	stileid.u32  }
0x27d: {  	s1 =	rddreg [dreg:$0x1];
	p0 =	sne.s32 s2, $0x0  }
0x27e: {  	s3 =	rddreg [dreg:$0x2];
	[bflag:$0x3] =	sbarrier.arrive $0xFFFF;
	s2 =	simm.s32 @!p0 $0x1C06  }
0x27f: {  	[timem:s3], [sflag:s2] =	dma.local @!p0 [hbm:s0], s1  }
0x280: {  	s0 =	simm.s32 @!p0 $0x6  }
0x281: {  	_ =	swait.ge @!p0 [sflag:s0], s1  }
0x282: {  	s1 =	ssub.s32 @!p0 $0x0, s1;
	[sflag:s0] =	ssyncset.done @!p0 $0x0  }
0x283: {  	[sflag:s0] =	ssyncadd.s32 @!p0 s1  }
0x284: {  	[bflag:$0x3] =	sbarrier.arrive $0xFFFF  }
0x285: {  	_ =	shalt  }

</sc_bundles>
